<compile_context>
chip_gen: v7x
topology: tpu7x:2x2x1
jax: 0.10.2.dev20260603
libtpu: 0.0.44.dev20260713+nightly
codegen_flags: <defaults>
</compile_context>

<pallas_src>
import functools

import jax
import jax.numpy as jnp
from jax import lax
from jax.experimental import pallas as pl
from jax.experimental.pallas import tpu as pltpu
from jax.experimental.pallas import tpu_sc as plsc

N = 320000
D = 128
S = 10000
C_OUT = 512
S_PAD = 10240

NC = 2
NS = 16
NW = NC * NS
CHUNK = 128
NCHUNKS = N // CHUNK
BUF_ROWS = 128
NB = N // BUF_ROWS
ROWS_PER_SUB = 624
TAIL_ROWS = S - NS * ROWS_PER_SUB
_SIZES = (128, 128, 128, 128, 112)

_mesh = plsc.VectorSubcoreMesh(
    core_axis_name="c", subcore_axis_name="s", num_cores=NC, num_subcores=NS
)

_GATHER_DNUMS = lax.GatherDimensionNumbers(
    offset_dims=(), collapsed_slice_dims=(0,), start_index_map=(0,)
)


def _lane_gather(v, idx):
    return lax.gather(
        v, idx[:, None], dimension_numbers=_GATHER_DNUMS, slice_sizes=(1,),
        mode=lax.GatherScatterMode.PROMISE_IN_BOUNDS,
    )


@functools.partial(
    pl.kernel,
    out_type=[
        jax.ShapeDtypeStruct((NC, S_PAD, D), jnp.float32),
        jax.ShapeDtypeStruct((NW, 1, S_PAD), jnp.float32),
    ],
    mesh=_mesh,
    compiler_params=pltpu.CompilerParams(needs_layout_passes=False),
    scratch_types=[
        pltpu.VMEM((BUF_ROWS, D), jnp.float32),
        pltpu.VMEM((BUF_ROWS, D), jnp.float32),
        pltpu.VMEM((1, CHUNK), jnp.int32),
        pltpu.VMEM((1, CHUNK), jnp.int32),
        pltpu.VMEM((S_PAD,), jnp.float32),
        pltpu.VMEM_SHARED((S, D), jnp.float32),
        pltpu.SemaphoreType.DMA,
        pltpu.SemaphoreType.DMA,
        pltpu.SemaphoreType.DMA,
    ],
)
def _sc_segment_sums(x_hbm, seg_hbm, zrows_hbm, zhist_hbm,
                     sums_out, cnts_out,
                     rows0_v, rows1_v, idx0_v, idx1_v, hist_v, sums_sh,
                     sem0, sem1, sem_sc):
    cid = lax.axis_index("c")
    sid = lax.axis_index("s")
    wid = sid * NC + cid

    pltpu.sync_copy(zhist_hbm, hist_v)
    pltpu.sync_copy(zrows_hbm, rows0_v.at[pl.ds(0, CHUNK)])
    seg_base = sid * ROWS_PER_SUB
    off = 0
    for sz in _SIZES:
        pltpu.sync_copy(rows0_v.at[pl.ds(0, sz)],
                        sums_sh.at[pl.ds(seg_base + off, sz)])
        off += sz

    @pl.when(sid == NS - 1)
    def _():
        pltpu.sync_copy(rows0_v.at[pl.ds(0, TAIL_ROWS)],
                        sums_sh.at[pl.ds(NS * ROWS_PER_SUB, TAIL_ROWS)])

    plsc.subcore_barrier()

    n_t = jnp.where(wid < NB % NW, NB // NW + 1, NB // NW)
    iota = lax.iota(jnp.int32, 16)
    bufs = ((rows0_v, idx0_v, sem0), (rows1_v, idx1_v, sem1))

    def _loads(b, blk):
        rows_v, idx_v, sem = bufs[b]
        r0 = (wid + NW * blk) * BUF_ROWS
        return (
            (x_hbm.at[pl.ds(r0, BUF_ROWS)], rows_v, sem),
            (seg_hbm.at[pl.ds(r0, CHUNK)], idx_v.at[0], sem),
        )

    def _issue(b, blk):
        for src, dst, sem in _loads(b, blk):
            pltpu.async_copy(src, dst, sem)

    def _drain(b, blk):
        for src, dst, sem in _loads(b, blk):
            pltpu.make_async_copy(src, dst, sem).wait()

    _issue(0, 0)
    _issue(1, 1)

    @pl.loop(0, (NB // NW + 2) // 2)
    def _(t2):
        for b in (0, 1):
            blk = 2 * t2 + b
            rows_v, idx_v, sem = bufs[b]

            @pl.when(blk < n_t)
            def _():
                _drain(b, blk)
                pltpu.async_copy(rows_v, sums_sh.at[idx_v.at[0]],
                                 sem_sc, add=True)
                for jj in range(BUF_ROWS // 16):
                    v = idx_v[0, pl.ds(jj * 16, 16)]
                    nxt = _lane_gather(v, jnp.minimum(iota + 1, 15))
                    is_last = (iota == 15) | (v != nxt)
                    pos = iota
                    for step in (8, 4, 2, 1):
                        cand = pos - step
                        ok = (cand >= 0) & (
                            _lane_gather(v, jnp.maximum(cand, 0)) == v)
                        pos = jnp.where(ok, cand, pos)
                    occ = (iota - pos + 1).astype(jnp.float32)
                    plsc.addupdate_scatter(hist_v, [v], occ, mask=is_last)
                pltpu.make_async_copy(rows_v, sums_sh.at[idx_v.at[0]],
                                      sem_sc).wait()


            @pl.when(blk + 2 < n_t)
            def _():
                _issue(b, blk + 2)

    plsc.subcore_barrier()
    off = 0
    for sz in _SIZES:
        sub = pl.ds(seg_base + off, sz)
        pltpu.sync_copy(sums_sh.at[sub], rows0_v.at[pl.ds(0, sz)])
        pltpu.sync_copy(rows0_v.at[pl.ds(0, sz)], sums_out.at[cid, sub])
        off += sz

    @pl.when(sid == NS - 1)
    def _():
        tail = pl.ds(NS * ROWS_PER_SUB, TAIL_ROWS)
        pltpu.sync_copy(sums_sh.at[tail], rows0_v.at[pl.ds(0, TAIL_ROWS)])
        pltpu.sync_copy(rows0_v.at[pl.ds(0, TAIL_ROWS)], sums_out.at[cid, tail])

    pltpu.sync_copy(hist_v, cnts_out.at[wid, 0])


BLK = 1024


def _finish_body(p_ref, c_ref, w_ref, o_ref):
    sums = p_ref[0] + p_ref[1]
    cnt = jnp.sum(c_ref[:, 0, :], axis=0)[:, None]
    inv = 1.0 / jnp.maximum(cnt, 1.0)
    o_ref[...] = jax.lax.dot_general(
        sums * inv, w_ref[...], (((1,), (0,)), ((), ())),
        precision=lax.Precision.HIGHEST,
        preferred_element_type=jnp.float32,
    )


_finish = pl.pallas_call(
    _finish_body,
    grid=(S_PAD // BLK,),
    in_specs=[
        pl.BlockSpec((NC, BLK, D), lambda i: (0, i, 0)),
        pl.BlockSpec((NW, 1, BLK), lambda i: (0, 0, i)),
        pl.BlockSpec((D, C_OUT), lambda i: (0, 0)),
    ],
    out_specs=pl.BlockSpec((BLK, C_OUT), lambda i: (i, 0)),
    out_shape=jax.ShapeDtypeStruct((S, C_OUT), jnp.float32),
)


@jax.jit
def kernel(x, segment_ids, W):
    seg = segment_ids.astype(jnp.int32)
    zrows = jnp.zeros((CHUNK, D), jnp.float32)
    zhist = jnp.zeros((S_PAD,), jnp.float32)
    sums, cnts = _sc_segment_sums(x, seg, zrows, zhist)
    return _finish(sums, cnts, W)

# --- scband reference (transcript-rebuilt; emitter-appended) ---
"""Pipeline reference for scband-global-embedder-53051436040793 (READ-ONLY COPY).

The authoritative reference and input builder live on the scoring server;
editing this copy changes nothing except your own understanding.
"""

import jax, jax.numpy as jnp
import numpy as np

NUM_SEGMENTS = 10000
N = 320000
D = 128
NUM_CHANNELS = 4

def setup_inputs(seed: int = 0) -> dict:
    key = jax.random.key(seed)
    k1, k2, k3 = jax.random.split(key, 3)
    x = jax.random.normal(k1, (N, D), dtype=jnp.float32)
    segment_ids = jnp.sort(jax.random.randint(k2, (N,), 0, NUM_SEGMENTS)).astype(jnp.int64)
    # e3nn.haiku.Linear on all-scalar irreps (128x0e -> num_channels*128x0e) is a dense matmul
    W = jax.random.normal(k3, (D, NUM_CHANNELS * D), dtype=jnp.float32) / np.sqrt(D)
    return {"x": x, "segment_ids": segment_ids, "W": W}

def reference(x, segment_ids, W):
    # pooling == 'mean': jraph.segment_mean over per-graph node segments
    sums = jax.ops.segment_sum(x, segment_ids, num_segments=NUM_SEGMENTS)
    counts = jax.ops.segment_sum(jnp.ones((x.shape[0],), dtype=x.dtype), segment_ids, num_segments=NUM_SEGMENTS)
    global_embeddings = sums / jnp.maximum(counts, 1.0)[:, None]
    # e3nn Linear to num_channels * irreps
    global_embeddings = global_embeddings @ W
    return global_embeddings

if __name__ == "__main__":
    import jax
    _d = setup_inputs()
    print(jax.jit(kernel)(*tuple(_d.values())))

</pallas_src>

<mosaic_0001>
#map = affine_map<(d0, d1) -> (0, 0)>
#map1 = affine_map<(d0, d1) -> (0)>
#map2 = affine_map<(d0, d1) -> (0, 0, 0)>
module attributes {stable_mosaic.version = 14 : i64} {
  func.func @_sc_segment_sums(%arg0: i32, %arg1: i32, %arg2: memref<320000x128xf32, #tpu.memory_space<hbm>>, %arg3: memref<320000xi32, #tpu.memory_space<hbm>>, %arg4: memref<128x128xf32, #tpu.memory_space<hbm>>, %arg5: memref<10240xf32, #tpu.memory_space<hbm>>, %arg6: memref<2x10240x128xf32, #tpu.memory_space<hbm>>, %arg7: memref<32x1x10240xf32, #tpu.memory_space<hbm>>, %arg8: memref<128x128xf32, #tpu.memory_space<vmem>>, %arg9: memref<128x128xf32, #tpu.memory_space<vmem>>, %arg10: memref<1x128xi32, #tpu.memory_space<vmem>>, %arg11: memref<1x128xi32, #tpu.memory_space<vmem>>, %arg12: memref<10240xf32, #tpu.memory_space<vmem>>, %arg13: memref<10000x128xf32, #tpu.memory_space<vmem_shared>>, %arg14: memref<!tpu.dma_semaphore, #tpu.memory_space<semaphore_mem>>, %arg15: memref<!tpu.dma_semaphore, #tpu.memory_space<semaphore_mem>>, %arg16: memref<!tpu.dma_semaphore, #tpu.memory_space<semaphore_mem>>) attributes {dimension_semantics = [#tpu.dimension_semantics<core_parallel>, #tpu.dimension_semantics<subcore_parallel>], iteration_bounds = array<i64: 2, 16>, scalar_prefetch = 0 : i64, scratch_operands = 9 : i64, tpu.core_type = #tpu.core_type<sc_vector_subcore>, window_params = [{transform_indices = #map}, {transform_indices = #map1}, {transform_indices = #map}, {transform_indices = #map1}, {transform_indices = #map2}, {transform_indices = #map2}]} {
    %mul3A = arith.constant 2 : i32
    %mul3A_0 = arith.muli %arg1, %mul3A : i32
    %add3A = arith.addi %mul3A_0, %arg0 : i32
    "tpu.region"() ({
      %run_scoped3A_70 = tpu.sem_alloc : memref<!tpu.dma_semaphore, #tpu.memory_space<semaphore_mem>>
      tpu.enqueue_dma source(%arg5 : memref<10240xf32, #tpu.memory_space<hbm>>) target(%arg12 : memref<10240xf32, #tpu.memory_space<vmem>>) target_semaphore(%run_scoped3A_70 : memref<!tpu.dma_semaphore, #tpu.memory_space<semaphore_mem>>)
      tpu.wait_dma2 semaphore(%run_scoped3A_70 : memref<!tpu.dma_semaphore, #tpu.memory_space<semaphore_mem>>) src(%arg5 : memref<10240xf32, #tpu.memory_space<hbm>>) dst(%arg12 : memref<10240xf32, #tpu.memory_space<vmem>>)
      tpu.yield
    }) : () -> ()
    "tpu.region"() ({
      %run_scoped3A_70 = tpu.sem_alloc : memref<!tpu.dma_semaphore, #tpu.memory_space<semaphore_mem>>
      %dma_start3A_71 = arith.constant 0 : i32
      %dma_start3A_72 = arith.constant 0 : i32
      %dma_start3A_73 = tpu.memref_slice %arg8[%dma_start3A_71, %dma_start3A_72] : memref<128x128xf32, #tpu.memory_space<vmem>> -> memref<128x128xf32, #tpu.memory_space<vmem>>
      %dma_start3A_74 = arith.constant 0 : i32
      %dma_start3A_75 = arith.constant 0 : i32
      %dma_start3A_76 = tpu.memref_slice %arg8[%dma_start3A_74, %dma_start3A_75] : memref<128x128xf32, #tpu.memory_space<vmem>> -> memref<128x128xf32, #tpu.memory_space<vmem>>
      tpu.enqueue_dma source(%arg4 : memref<128x128xf32, #tpu.memory_space<hbm>>) target(%dma_start3A_76 : memref<128x128xf32, #tpu.memory_space<vmem>>) target_semaphore(%run_scoped3A_70 : memref<!tpu.dma_semaphore, #tpu.memory_space<semaphore_mem>>)
      %dma_wait3A = arith.constant 0 : i32
      %dma_wait3A_77 = arith.constant 0 : i32
      %dma_wait3A_78 = tpu.memref_slice %arg8[%dma_wait3A, %dma_wait3A_77] : memref<128x128xf32, #tpu.memory_space<vmem>> -> memref<128x128xf32, #tpu.memory_space<vmem>>
      %dma_wait3A_79 = arith.constant 0 : i32
      %dma_wait3A_80 = arith.constant 0 : i32
      %dma_wait3A_81 = tpu.memref_slice %arg8[%dma_wait3A_79, %dma_wait3A_80] : memref<128x128xf32, #tpu.memory_space<vmem>> -> memref<128x128xf32, #tpu.memory_space<vmem>>
      tpu.wait_dma2 semaphore(%run_scoped3A_70 : memref<!tpu.dma_semaphore, #tpu.memory_space<semaphore_mem>>) src(%arg4 : memref<128x128xf32, #tpu.memory_space<hbm>>) dst(%dma_wait3A_81 : memref<128x128xf32, #tpu.memory_space<vmem>>)
      tpu.yield
    }) : () -> ()
    %mul3A_1 = arith.constant 624 : i32
    %mul3A_2 = arith.muli %arg1, %mul3A_1 : i32
    %add3A_3 = arith.constant 0 : i32
    %add3A_4 = arith.addi %mul3A_2, %add3A_3 : i32
    "tpu.region"() ({
      %run_scoped3A_70 = tpu.sem_alloc : memref<!tpu.dma_semaphore, #tpu.memory_space<semaphore_mem>>
      %dma_start3A_71 = arith.constant 0 : i32
      %dma_start3A_72 = arith.constant 0 : i32
      %dma_start3A_73 = tpu.memref_slice %arg8[%dma_start3A_71, %dma_start3A_72] : memref<128x128xf32, #tpu.memory_space<vmem>> -> memref<128x128xf32, #tpu.memory_space<vmem>>
      %dma_start3A_74 = arith.constant 0 : i32
      %dma_start3A_75 = tpu.memref_slice %arg13[%add3A_4, %dma_start3A_74] : memref<10000x128xf32, #tpu.memory_space<vmem_shared>> -> memref<128x128xf32, #tpu.memory_space<vmem_shared>>
      %dma_start3A_76 = arith.constant 0 : i32
      %dma_start3A_77 = tpu.memref_slice %arg13[%add3A_4, %dma_start3A_76] : memref<10000x128xf32, #tpu.memory_space<vmem_shared>> -> memref<128x128xf32, #tpu.memory_space<vmem_shared>>
      %dma_start3A_78 = arith.constant 0 : i32
      %dma_start3A_79 = arith.constant 0 : i32
      %dma_start3A_80 = tpu.memref_slice %arg8[%dma_start3A_78, %dma_start3A_79] : memref<128x128xf32, #tpu.memory_space<vmem>> -> memref<128x128xf32, #tpu.memory_space<vmem>>
      tpu.enqueue_dma source(%dma_start3A_80 : memref<128x128xf32, #tpu.memory_space<vmem>>) target(%dma_start3A_77 : memref<128x128xf32, #tpu.memory_space<vmem_shared>>) target_semaphore(%run_scoped3A_70 : memref<!tpu.dma_semaphore, #tpu.memory_space<semaphore_mem>>)
      %dma_wait3A = arith.constant 0 : i32
      %dma_wait3A_81 = arith.constant 0 : i32
      %dma_wait3A_82 = tpu.memref_slice %arg8[%dma_wait3A, %dma_wait3A_81] : memref<128x128xf32, #tpu.memory_space<vmem>> -> memref<128x128xf32, #tpu.memory_space<vmem>>
      %dma_wait3A_83 = arith.constant 0 : i32
      %dma_wait3A_84 = tpu.memref_slice %arg13[%add3A_4, %dma_wait3A_83] : memref<10000x128xf32, #tpu.memory_space<vmem_shared>> -> memref<128x128xf32, #tpu.memory_space<vmem_shared>>
      %dma_wait3A_85 = arith.constant 0 : i32
      %dma_wait3A_86 = tpu.memref_slice %arg13[%add3A_4, %dma_wait3A_85] : memref<10000x128xf32, #tpu.memory_space<vmem_shared>> -> memref<128x128xf32, #tpu.memory_space<vmem_shared>>
      %dma_wait3A_87 = arith.constant 0 : i32
      %dma_wait3A_88 = arith.constant 0 : i32
      %dma_wait3A_89 = tpu.memref_slice %arg8[%dma_wait3A_87, %dma_wait3A_88] : memref<128x128xf32, #tpu.memory_space<vmem>> -> memref<128x128xf32, #tpu.memory_space<vmem>>
      tpu.wait_dma2 semaphore(%run_scoped3A_70 : memref<!tpu.dma_semaphore, #tpu.memory_space<semaphore_mem>>) src(%dma_wait3A_89 : memref<128x128xf32, #tpu.memory_space<vmem>>) dst(%dma_wait3A_86 : memref<128x128xf32, #tpu.memory_space<vmem_shared>>)
      tpu.yield
    }) : () -> ()
    %add3A_5 = arith.constant 128 : i32
    %add3A_6 = arith.addi %mul3A_2, %add3A_5 : i32
    "tpu.region"() ({
      %run_scoped3A_70 = tpu.sem_alloc : memref<!tpu.dma_semaphore, #tpu.memory_space<semaphore_mem>>
      %dma_start3A_71 = arith.constant 0 : i32
      %dma_start3A_72 = arith.constant 0 : i32
      %dma_start3A_73 = tpu.memref_slice %arg8[%dma_start3A_71, %dma_start3A_72] : memref<128x128xf32, #tpu.memory_space<vmem>> -> memref<128x128xf32, #tpu.memory_space<vmem>>
      %dma_start3A_74 = arith.constant 0 : i32
      %dma_start3A_75 = tpu.memref_slice %arg13[%add3A_6, %dma_start3A_74] : memref<10000x128xf32, #tpu.memory_space<vmem_shared>> -> memref<128x128xf32, #tpu.memory_space<vmem_shared>>
      %dma_start3A_76 = arith.constant 0 : i32
      %dma_start3A_77 = tpu.memref_slice %arg13[%add3A_6, %dma_start3A_76] : memref<10000x128xf32, #tpu.memory_space<vmem_shared>> -> memref<128x128xf32, #tpu.memory_space<vmem_shared>>
      %dma_start3A_78 = arith.constant 0 : i32
      %dma_start3A_79 = arith.constant 0 : i32
      %dma_start3A_80 = tpu.memref_slice %arg8[%dma_start3A_78, %dma_start3A_79] : memref<128x128xf32, #tpu.memory_space<vmem>> -> memref<128x128xf32, #tpu.memory_space<vmem>>
      tpu.enqueue_dma source(%dma_start3A_80 : memref<128x128xf32, #tpu.memory_space<vmem>>) target(%dma_start3A_77 : memref<128x128xf32, #tpu.memory_space<vmem_shared>>) target_semaphore(%run_scoped3A_70 : memref<!tpu.dma_semaphore, #tpu.memory_space<semaphore_mem>>)
      %dma_wait3A = arith.constant 0 : i32
      %dma_wait3A_81 = arith.constant 0 : i32
      %dma_wait3A_82 = tpu.memref_slice %arg8[%dma_wait3A, %dma_wait3A_81] : memref<128x128xf32, #tpu.memory_space<vmem>> -> memref<128x128xf32, #tpu.memory_space<vmem>>
      %dma_wait3A_83 = arith.constant 0 : i32
      %dma_wait3A_84 = tpu.memref_slice %arg13[%add3A_6, %dma_wait3A_83] : memref<10000x128xf32, #tpu.memory_space<vmem_shared>> -> memref<128x128xf32, #tpu.memory_space<vmem_shared>>
      %dma_wait3A_85 = arith.constant 0 : i32
      %dma_wait3A_86 = tpu.memref_slice %arg13[%add3A_6, %dma_wait3A_85] : memref<10000x128xf32, #tpu.memory_space<vmem_shared>> -> memref<128x128xf32, #tpu.memory_space<vmem_shared>>
      %dma_wait3A_87 = arith.constant 0 : i32
      %dma_wait3A_88 = arith.constant 0 : i32
      %dma_wait3A_89 = tpu.memref_slice %arg8[%dma_wait3A_87, %dma_wait3A_88] : memref<128x128xf32, #tpu.memory_space<vmem>> -> memref<128x128xf32, #tpu.memory_space<vmem>>
      tpu.wait_dma2 semaphore(%run_scoped3A_70 : memref<!tpu.dma_semaphore, #tpu.memory_space<semaphore_mem>>) src(%dma_wait3A_89 : memref<128x128xf32, #tpu.memory_space<vmem>>) dst(%dma_wait3A_86 : memref<128x128xf32, #tpu.memory_space<vmem_shared>>)
      tpu.yield
    }) : () -> ()
    %add3A_7 = arith.constant 256 : i32
    %add3A_8 = arith.addi %mul3A_2, %add3A_7 : i32
    "tpu.region"() ({
      %run_scoped3A_70 = tpu.sem_alloc : memref<!tpu.dma_semaphore, #tpu.memory_space<semaphore_mem>>
      %dma_start3A_71 = arith.constant 0 : i32
      %dma_start3A_72 = arith.constant 0 : i32
      %dma_start3A_73 = tpu.memref_slice %arg8[%dma_start3A_71, %dma_start3A_72] : memref<128x128xf32, #tpu.memory_space<vmem>> -> memref<128x128xf32, #tpu.memory_space<vmem>>
      %dma_start3A_74 = arith.constant 0 : i32
      %dma_start3A_75 = tpu.memref_slice %arg13[%add3A_8, %dma_start3A_74] : memref<10000x128xf32, #tpu.memory_space<vmem_shared>> -> memref<128x128xf32, #tpu.memory_space<vmem_shared>>
      %dma_start3A_76 = arith.constant 0 : i32
      %dma_start3A_77 = tpu.memref_slice %arg13[%add3A_8, %dma_start3A_76] : memref<10000x128xf32, #tpu.memory_space<vmem_shared>> -> memref<128x128xf32, #tpu.memory_space<vmem_shared>>
      %dma_start3A_78 = arith.constant 0 : i32
      %dma_start3A_79 = arith.constant 0 : i32
      %dma_start3A_80 = tpu.memref_slice %arg8[%dma_start3A_78, %dma_start3A_79] : memref<128x128xf32, #tpu.memory_space<vmem>> -> memref<128x128xf32, #tpu.memory_space<vmem>>
      tpu.enqueue_dma source(%dma_start3A_80 : memref<128x128xf32, #tpu.memory_space<vmem>>) target(%dma_start3A_77 : memref<128x128xf32, #tpu.memory_space<vmem_shared>>) target_semaphore(%run_scoped3A_70 : memref<!tpu.dma_semaphore, #tpu.memory_space<semaphore_mem>>)
      %dma_wait3A = arith.constant 0 : i32
      %dma_wait3A_81 = arith.constant 0 : i32
      %dma_wait3A_82 = tpu.memref_slice %arg8[%dma_wait3A, %dma_wait3A_81] : memref<128x128xf32, #tpu.memory_space<vmem>> -> memref<128x128xf32, #tpu.memory_space<vmem>>
      %dma_wait3A_83 = arith.constant 0 : i32
      %dma_wait3A_84 = tpu.memref_slice %arg13[%add3A_8, %dma_wait3A_83] : memref<10000x128xf32, #tpu.memory_space<vmem_shared>> -> memref<128x128xf32, #tpu.memory_space<vmem_shared>>
      %dma_wait3A_85 = arith.constant 0 : i32
      %dma_wait3A_86 = tpu.memref_slice %arg13[%add3A_8, %dma_wait3A_85] : memref<10000x128xf32, #tpu.memory_space<vmem_shared>> -> memref<128x128xf32, #tpu.memory_space<vmem_shared>>
      %dma_wait3A_87 = arith.constant 0 : i32
      %dma_wait3A_88 = arith.constant 0 : i32
      %dma_wait3A_89 = tpu.memref_slice %arg8[%dma_wait3A_87, %dma_wait3A_88] : memref<128x128xf32, #tpu.memory_space<vmem>> -> memref<128x128xf32, #tpu.memory_space<vmem>>
      tpu.wait_dma2 semaphore(%run_scoped3A_70 : memref<!tpu.dma_semaphore, #tpu.memory_space<semaphore_mem>>) src(%dma_wait3A_89 : memref<128x128xf32, #tpu.memory_space<vmem>>) dst(%dma_wait3A_86 : memref<128x128xf32, #tpu.memory_space<vmem_shared>>)
      tpu.yield
    }) : () -> ()
    %add3A_9 = arith.constant 384 : i32
    %add3A_10 = arith.addi %mul3A_2, %add3A_9 : i32
    "tpu.region"() ({
      %run_scoped3A_70 = tpu.sem_alloc : memref<!tpu.dma_semaphore, #tpu.memory_space<semaphore_mem>>
      %dma_start3A_71 = arith.constant 0 : i32
      %dma_start3A_72 = arith.constant 0 : i32
      %dma_start3A_73 = tpu.memref_slice %arg8[%dma_start3A_71, %dma_start3A_72] : memref<128x128xf32, #tpu.memory_space<vmem>> -> memref<128x128xf32, #tpu.memory_space<vmem>>
      %dma_start3A_74 = arith.constant 0 : i32
      %dma_start3A_75 = tpu.memref_slice %arg13[%add3A_10, %dma_start3A_74] : memref<10000x128xf32, #tpu.memory_space<vmem_shared>> -> memref<128x128xf32, #tpu.memory_space<vmem_shared>>
      %dma_start3A_76 = arith.constant 0 : i32
      %dma_start3A_77 = tpu.memref_slice %arg13[%add3A_10, %dma_start3A_76] : memref<10000x128xf32, #tpu.memory_space<vmem_shared>> -> memref<128x128xf32, #tpu.memory_space<vmem_shared>>
      %dma_start3A_78 = arith.constant 0 : i32
      %dma_start3A_79 = arith.constant 0 : i32
      %dma_start3A_80 = tpu.memref_slice %arg8[%dma_start3A_78, %dma_start3A_79] : memref<128x128xf32, #tpu.memory_space<vmem>> -> memref<128x128xf32, #tpu.memory_space<vmem>>
      tpu.enqueue_dma source(%dma_start3A_80 : memref<128x128xf32, #tpu.memory_space<vmem>>) target(%dma_start3A_77 : memref<128x128xf32, #tpu.memory_space<vmem_shared>>) target_semaphore(%run_scoped3A_70 : memref<!tpu.dma_semaphore, #tpu.memory_space<semaphore_mem>>)
      %dma_wait3A = arith.constant 0 : i32
      %dma_wait3A_81 = arith.constant 0 : i32
      %dma_wait3A_82 = tpu.memref_slice %arg8[%dma_wait3A, %dma_wait3A_81] : memref<128x128xf32, #tpu.memory_space<vmem>> -> memref<128x128xf32, #tpu.memory_space<vmem>>
      %dma_wait3A_83 = arith.constant 0 : i32
      %dma_wait3A_84 = tpu.memref_slice %arg13[%add3A_10, %dma_wait3A_83] : memref<10000x128xf32, #tpu.memory_space<vmem_shared>> -> memref<128x128xf32, #tpu.memory_space<vmem_shared>>
      %dma_wait3A_85 = arith.constant 0 : i32
      %dma_wait3A_86 = tpu.memref_slice %arg13[%add3A_10, %dma_wait3A_85] : memref<10000x128xf32, #tpu.memory_space<vmem_shared>> -> memref<128x128xf32, #tpu.memory_space<vmem_shared>>
      %dma_wait3A_87 = arith.constant 0 : i32
      %dma_wait3A_88 = arith.constant 0 : i32
      %dma_wait3A_89 = tpu.memref_slice %arg8[%dma_wait3A_87, %dma_wait3A_88] : memref<128x128xf32, #tpu.memory_space<vmem>> -> memref<128x128xf32, #tpu.memory_space<vmem>>
      tpu.wait_dma2 semaphore(%run_scoped3A_70 : memref<!tpu.dma_semaphore, #tpu.memory_space<semaphore_mem>>) src(%dma_wait3A_89 : memref<128x128xf32, #tpu.memory_space<vmem>>) dst(%dma_wait3A_86 : memref<128x128xf32, #tpu.memory_space<vmem_shared>>)
      tpu.yield
    }) : () -> ()
    %add3A_11 = arith.constant 512 : i32
    %add3A_12 = arith.addi %mul3A_2, %add3A_11 : i32
    "tpu.region"() ({
      %run_scoped3A_70 = tpu.sem_alloc : memref<!tpu.dma_semaphore, #tpu.memory_space<semaphore_mem>>
      %dma_start3A_71 = arith.constant 0 : i32
      %dma_start3A_72 = arith.constant 0 : i32
      %dma_start3A_73 = tpu.memref_slice %arg8[%dma_start3A_71, %dma_start3A_72] : memref<128x128xf32, #tpu.memory_space<vmem>> -> memref<112x128xf32, #tpu.memory_space<vmem>>
      %dma_start3A_74 = arith.constant 0 : i32
      %dma_start3A_75 = tpu.memref_slice %arg13[%add3A_12, %dma_start3A_74] : memref<10000x128xf32, #tpu.memory_space<vmem_shared>> -> memref<112x128xf32, #tpu.memory_space<vmem_shared>>
      %dma_start3A_76 = arith.constant 0 : i32
      %dma_start3A_77 = tpu.memref_slice %arg13[%add3A_12, %dma_start3A_76] : memref<10000x128xf32, #tpu.memory_space<vmem_shared>> -> memref<112x128xf32, #tpu.memory_space<vmem_shared>>
      %dma_start3A_78 = arith.constant 0 : i32
      %dma_start3A_79 = arith.constant 0 : i32
      %dma_start3A_80 = tpu.memref_slice %arg8[%dma_start3A_78, %dma_start3A_79] : memref<128x128xf32, #tpu.memory_space<vmem>> -> memref<112x128xf32, #tpu.memory_space<vmem>>
      tpu.enqueue_dma source(%dma_start3A_80 : memref<112x128xf32, #tpu.memory_space<vmem>>) target(%dma_start3A_77 : memref<112x128xf32, #tpu.memory_space<vmem_shared>>) target_semaphore(%run_scoped3A_70 : memref<!tpu.dma_semaphore, #tpu.memory_space<semaphore_mem>>)
      %dma_wait3A = arith.constant 0 : i32
      %dma_wait3A_81 = arith.constant 0 : i32
      %dma_wait3A_82 = tpu.memref_slice %arg8[%dma_wait3A, %dma_wait3A_81] : memref<128x128xf32, #tpu.memory_space<vmem>> -> memref<112x128xf32, #tpu.memory_space<vmem>>
      %dma_wait3A_83 = arith.constant 0 : i32
      %dma_wait3A_84 = tpu.memref_slice %arg13[%add3A_12, %dma_wait3A_83] : memref<10000x128xf32, #tpu.memory_space<vmem_shared>> -> memref<112x128xf32, #tpu.memory_space<vmem_shared>>
      %dma_wait3A_85 = arith.constant 0 : i32
      %dma_wait3A_86 = tpu.memref_slice %arg13[%add3A_12, %dma_wait3A_85] : memref<10000x128xf32, #tpu.memory_space<vmem_shared>> -> memref<112x128xf32, #tpu.memory_space<vmem_shared>>
      %dma_wait3A_87 = arith.constant 0 : i32
      %dma_wait3A_88 = arith.constant 0 : i32
      %dma_wait3A_89 = tpu.memref_slice %arg8[%dma_wait3A_87, %dma_wait3A_88] : memref<128x128xf32, #tpu.memory_space<vmem>> -> memref<112x128xf32, #tpu.memory_space<vmem>>
      tpu.wait_dma2 semaphore(%run_scoped3A_70 : memref<!tpu.dma_semaphore, #tpu.memory_space<semaphore_mem>>) src(%dma_wait3A_89 : memref<112x128xf32, #tpu.memory_space<vmem>>) dst(%dma_wait3A_86 : memref<112x128xf32, #tpu.memory_space<vmem_shared>>)
      tpu.yield
    }) : () -> ()
    %eq3A = arith.constant 15 : i32
    %eq3A_13 = arith.cmpi eq, %arg1, %eq3A : i32
    %convert_element_type3A = arith.extui %eq3A_13 : i1 to i32
    %cond3A = arith.constant 0 : i32
    %cond3A_14 = arith.cmpi ne, %convert_element_type3A, %cond3A : i32
    scf.if %cond3A_14 {
      "tpu.region"() ({
        %run_scoped3A_70 = tpu.sem_alloc : memref<!tpu.dma_semaphore, #tpu.memory_space<semaphore_mem>>
        %dma_start3A_71 = arith.constant 0 : i32
        %dma_start3A_72 = arith.constant 0 : i32
        %dma_start3A_73 = tpu.memref_slice %arg8[%dma_start3A_71, %dma_start3A_72] : memref<128x128xf32, #tpu.memory_space<vmem>> -> memref<16x128xf32, #tpu.memory_space<vmem>>
        %dma_start3A_74 = arith.constant 9984 : i32
        %dma_start3A_75 = arith.constant 0 : i32
        %dma_start3A_76 = tpu.memref_slice %arg13[%dma_start3A_74, %dma_start3A_75] : memref<10000x128xf32, #tpu.memory_space<vmem_shared>> -> memref<16x128xf32, #tpu.memory_space<vmem_shared>>
        %dma_start3A_77 = arith.constant 9984 : i32
        %dma_start3A_78 = arith.constant 0 : i32
        %dma_start3A_79 = tpu.memref_slice %arg13[%dma_start3A_77, %dma_start3A_78] : memref<10000x128xf32, #tpu.memory_space<vmem_shared>> -> memref<16x128xf32, #tpu.memory_space<vmem_shared>>
        %dma_start3A_80 = arith.constant 0 : i32
        %dma_start3A_81 = arith.constant 0 : i32
        %dma_start3A_82 = tpu.memref_slice %arg8[%dma_start3A_80, %dma_start3A_81] : memref<128x128xf32, #tpu.memory_space<vmem>> -> memref<16x128xf32, #tpu.memory_space<vmem>>
        tpu.enqueue_dma source(%dma_start3A_82 : memref<16x128xf32, #tpu.memory_space<vmem>>) target(%dma_start3A_79 : memref<16x128xf32, #tpu.memory_space<vmem_shared>>) target_semaphore(%run_scoped3A_70 : memref<!tpu.dma_semaphore, #tpu.memory_space<semaphore_mem>>)
        %dma_wait3A = arith.constant 0 : i32
        %dma_wait3A_83 = arith.constant 0 : i32
        %dma_wait3A_84 = tpu.memref_slice %arg8[%dma_wait3A, %dma_wait3A_83] : memref<128x128xf32, #tpu.memory_space<vmem>> -> memref<16x128xf32, #tpu.memory_space<vmem>>
        %dma_wait3A_85 = arith.constant 9984 : i32
        %dma_wait3A_86 = arith.constant 0 : i32
        %dma_wait3A_87 = tpu.memref_slice %arg13[%dma_wait3A_85, %dma_wait3A_86] : memref<10000x128xf32, #tpu.memory_space<vmem_shared>> -> memref<16x128xf32, #tpu.memory_space<vmem_shared>>
        %dma_wait3A_88 = arith.constant 9984 : i32
        %dma_wait3A_89 = arith.constant 0 : i32
        %dma_wait3A_90 = tpu.memref_slice %arg13[%dma_wait3A_88, %dma_wait3A_89] : memref<10000x128xf32, #tpu.memory_space<vmem_shared>> -> memref<16x128xf32, #tpu.memory_space<vmem_shared>>
        %dma_wait3A_91 = arith.constant 0 : i32
        %dma_wait3A_92 = arith.constant 0 : i32
        %dma_wait3A_93 = tpu.memref_slice %arg8[%dma_wait3A_91, %dma_wait3A_92] : memref<128x128xf32, #tpu.memory_space<vmem>> -> memref<16x128xf32, #tpu.memory_space<vmem>>
        tpu.wait_dma2 semaphore(%run_scoped3A_70 : memref<!tpu.dma_semaphore, #tpu.memory_space<semaphore_mem>>) src(%dma_wait3A_93 : memref<16x128xf32, #tpu.memory_space<vmem>>) dst(%dma_wait3A_90 : memref<16x128xf32, #tpu.memory_space<vmem_shared>>)
        tpu.yield
      }) : () -> ()
    } else {
    }
    %barrier3A = arith.constant 0 : index
    tpu.barrier barrier_id(%barrier3A)
    %lt3A = arith.constant 4 : i32
    %lt3A_15 = arith.cmpi slt, %add3A, %lt3A : i32
    %jit3A = arith.constant 79 : i32
    %jit3A_16 = arith.constant 78 : i32
    %select_n3A = arith.select %lt3A_15, %jit3A, %jit3A_16 : i32
    %iota3A = tpu.iota {dimensions = array<i32: 0>} : vector<16xi32>
    %add3A_17 = arith.constant 0 : i32
    %add3A_18 = arith.addi %add3A, %add3A_17 : i32
    %mul3A_19 = arith.constant 128 : i32
    %mul3A_20 = arith.muli %add3A_18, %mul3A_19 : i32
    %dma_start3A = arith.constant 0 : i32
    %dma_start3A_21 = tpu.memref_slice %arg2[%mul3A_20, %dma_start3A] : memref<320000x128xf32, #tpu.memory_space<hbm>> -> memref<128x128xf32, #tpu.memory_space<hbm>>
    %dma_start3A_22 = arith.constant 0 : i32
    %dma_start3A_23 = tpu.memref_slice %arg2[%mul3A_20, %dma_start3A_22] : memref<320000x128xf32, #tpu.memory_space<hbm>> -> memref<128x128xf32, #tpu.memory_space<hbm>>
    tpu.enqueue_dma source(%dma_start3A_23 : memref<128x128xf32, #tpu.memory_space<hbm>>) target(%arg8 : memref<128x128xf32, #tpu.memory_space<vmem>>) target_semaphore(%arg14 : memref<!tpu.dma_semaphore, #tpu.memory_space<semaphore_mem>>)
    %dma_start3A_24 = arith.constant 0 : i32
    %dma_start3A_25 = arith.constant 0 : i32
    %dma_start3A_26 = tpu.memref_slice %arg10[%dma_start3A_24, %dma_start3A_25] : memref<1x128xi32, #tpu.memory_space<vmem>> -> memref<1x128xi32, #tpu.memory_space<vmem>>
    %dma_start3A_27 = tpu.memref_squeeze %dma_start3A_26 : memref<1x128xi32, #tpu.memory_space<vmem>> -> memref<128xi32, #tpu.memory_space<vmem>>
    %dma_start3A_28 = tpu.memref_slice %arg3[%mul3A_20] : memref<320000xi32, #tpu.memory_space<hbm>> -> memref<128xi32, #tpu.memory_space<hbm>>
    %dma_start3A_29 = arith.constant 0 : i32
    %dma_start3A_30 = tpu.memref_slice %arg10[%dma_start3A_24, %dma_start3A_29] : memref<1x128xi32, #tpu.memory_space<vmem>> -> memref<1x128xi32, #tpu.memory_space<vmem>>
    %dma_start3A_31 = tpu.memref_squeeze %dma_start3A_30 : memref<1x128xi32, #tpu.memory_space<vmem>> -> memref<128xi32, #tpu.memory_space<vmem>>
    %dma_start3A_32 = tpu.memref_slice %arg3[%mul3A_20] : memref<320000xi32, #tpu.memory_space<hbm>> -> memref<128xi32, #tpu.memory_space<hbm>>
    tpu.enqueue_dma source(%dma_start3A_32 : memref<128xi32, #tpu.memory_space<hbm>>) target(%dma_start3A_31 : memref<128xi32, #tpu.memory_space<vmem>>) target_semaphore(%arg14 : memref<!tpu.dma_semaphore, #tpu.memory_space<semaphore_mem>>)
    %add3A_33 = arith.constant 32 : i32
    %add3A_34 = arith.addi %add3A, %add3A_33 : i32
    %mul3A_35 = arith.constant 128 : i32
    %mul3A_36 = arith.muli %add3A_34, %mul3A_35 : i32
    %dma_start3A_37 = arith.constant 0 : i32
    %dma_start3A_38 = tpu.memref_slice %arg2[%mul3A_36, %dma_start3A_37] : memref<320000x128xf32, #tpu.memory_space<hbm>> -> memref<128x128xf32, #tpu.memory_space<hbm>>
    %dma_start3A_39 = arith.constant 0 : i32
    %dma_start3A_40 = tpu.memref_slice %arg2[%mul3A_36, %dma_start3A_39] : memref<320000x128xf32, #tpu.memory_space<hbm>> -> memref<128x128xf32, #tpu.memory_space<hbm>>
    tpu.enqueue_dma source(%dma_start3A_40 : memref<128x128xf32, #tpu.memory_space<hbm>>) target(%arg9 : memref<128x128xf32, #tpu.memory_space<vmem>>) target_semaphore(%arg15 : memref<!tpu.dma_semaphore, #tpu.memory_space<semaphore_mem>>)
    %dma_start3A_41 = arith.constant 0 : i32
    %dma_start3A_42 = arith.constant 0 : i32
    %dma_start3A_43 = tpu.memref_slice %arg11[%dma_start3A_41, %dma_start3A_42] : memref<1x128xi32, #tpu.memory_space<vmem>> -> memref<1x128xi32, #tpu.memory_space<vmem>>
    %dma_start3A_44 = tpu.memref_squeeze %dma_start3A_43 : memref<1x128xi32, #tpu.memory_space<vmem>> -> memref<128xi32, #tpu.memory_space<vmem>>
    %dma_start3A_45 = tpu.memref_slice %arg3[%mul3A_36] : memref<320000xi32, #tpu.memory_space<hbm>> -> memref<128xi32, #tpu.memory_space<hbm>>
    %dma_start3A_46 = arith.constant 0 : i32
    %dma_start3A_47 = tpu.memref_slice %arg11[%dma_start3A_41, %dma_start3A_46] : memref<1x128xi32, #tpu.memory_space<vmem>> -> memref<1x128xi32, #tpu.memory_space<vmem>>
    %dma_start3A_48 = tpu.memref_squeeze %dma_start3A_47 : memref<1x128xi32, #tpu.memory_space<vmem>> -> memref<128xi32, #tpu.memory_space<vmem>>
    %dma_start3A_49 = tpu.memref_slice %arg3[%mul3A_36] : memref<320000xi32, #tpu.memory_space<hbm>> -> memref<128xi32, #tpu.memory_space<hbm>>
    tpu.enqueue_dma source(%dma_start3A_49 : memref<128xi32, #tpu.memory_space<hbm>>) target(%dma_start3A_48 : memref<128xi32, #tpu.memory_space<vmem>>) target_semaphore(%arg15 : memref<!tpu.dma_semaphore, #tpu.memory_space<semaphore_mem>>)
    %scan3A = arith.constant 0 : i32
    %scan3A_50 = arith.constant 40 : i32
    %scan3A_51 = arith.addi %scan3A, %scan3A_50 : i32
    %scan3A_52 = arith.constant 1 : i32
    scf.for %scan3A_70 = %scan3A to %scan3A_51 step %scan3A_52  : i32 {
      %mul3A_71 = arith.constant 1 : i32
      %mul3A_72 = arith.muli %scan3A_70, %mul3A_71 : i32
      %add3A_73 = arith.constant 0 : i32
      %add3A_74 = arith.addi %add3A_73, %mul3A_72 : i32
      %mul3A_75 = arith.constant 2 : i32
      %mul3A_76 = arith.muli %mul3A_75, %add3A_74 : i32
      %add3A_77 = arith.constant 0 : i32
      %add3A_78 = arith.addi %mul3A_76, %add3A_77 : i32
      %lt3A_79 = arith.cmpi slt, %add3A_78, %select_n3A : i32
      %convert_element_type3A_80 = arith.extui %lt3A_79 : i1 to i32
      %cond3A_81 = arith.constant 0 : i32
      %cond3A_82 = arith.cmpi ne, %convert_element_type3A_80, %cond3A_81 : i32
      scf.if %cond3A_82 {
        %mul3A_103 = arith.constant 32 : i32
        %mul3A_104 = arith.muli %mul3A_103, %add3A_78 : i32
        %add3A_105 = arith.addi %add3A, %mul3A_104 : i32
        %mul3A_106 = arith.constant 128 : i32
        %mul3A_107 = arith.muli %add3A_105, %mul3A_106 : i32
        %dma_wait3A = arith.constant 0 : i32
        %dma_wait3A_108 = tpu.memref_slice %arg2[%mul3A_107, %dma_wait3A] : memref<320000x128xf32, #tpu.memory_space<hbm>> -> memref<128x128xf32, #tpu.memory_space<hbm>>
        %dma_wait3A_109 = arith.constant 0 : i32
        %dma_wait3A_110 = tpu.memref_slice %arg2[%mul3A_107, %dma_wait3A_109] : memref<320000x128xf32, #tpu.memory_space<hbm>> -> memref<128x128xf32, #tpu.memory_space<hbm>>
        tpu.wait_dma2 semaphore(%arg14 : memref<!tpu.dma_semaphore, #tpu.memory_space<semaphore_mem>>) src(%dma_wait3A_110 : memref<128x128xf32, #tpu.memory_space<hbm>>) dst(%arg8 : memref<128x128xf32, #tpu.memory_space<vmem>>)
        %dma_wait3A_111 = arith.constant 0 : i32
        %dma_wait3A_112 = arith.constant 0 : i32
        %dma_wait3A_113 = tpu.memref_slice %arg10[%dma_wait3A_111, %dma_wait3A_112] : memref<1x128xi32, #tpu.memory_space<vmem>> -> memref<1x128xi32, #tpu.memory_space<vmem>>
        %dma_wait3A_114 = tpu.memref_squeeze %dma_wait3A_113 : memref<1x128xi32, #tpu.memory_space<vmem>> -> memref<128xi32, #tpu.memory_space<vmem>>
        %dma_wait3A_115 = tpu.memref_slice %arg3[%mul3A_107] : memref<320000xi32, #tpu.memory_space<hbm>> -> memref<128xi32, #tpu.memory_space<hbm>>
        %dma_wait3A_116 = arith.constant 0 : i32
        %dma_wait3A_117 = tpu.memref_slice %arg10[%dma_wait3A_111, %dma_wait3A_116] : memref<1x128xi32, #tpu.memory_space<vmem>> -> memref<1x128xi32, #tpu.memory_space<vmem>>
        %dma_wait3A_118 = tpu.memref_squeeze %dma_wait3A_117 : memref<1x128xi32, #tpu.memory_space<vmem>> -> memref<128xi32, #tpu.memory_space<vmem>>
        %dma_wait3A_119 = tpu.memref_slice %arg3[%mul3A_107] : memref<320000xi32, #tpu.memory_space<hbm>> -> memref<128xi32, #tpu.memory_space<hbm>>
        tpu.wait_dma2 semaphore(%arg14 : memref<!tpu.dma_semaphore, #tpu.memory_space<semaphore_mem>>) src(%dma_wait3A_119 : memref<128xi32, #tpu.memory_space<hbm>>) dst(%dma_wait3A_118 : memref<128xi32, #tpu.memory_space<vmem>>)
        %dma_start3A_120 = arith.constant 0 : i32
        %dma_start3A_121 = arith.constant 0 : i32
        %dma_start3A_122 = tpu.memref_slice %arg10[%dma_start3A_120, %dma_start3A_121] : memref<1x128xi32, #tpu.memory_space<vmem>> -> memref<1x128xi32, #tpu.memory_space<vmem>>
        %dma_start3A_123 = tpu.memref_squeeze %dma_start3A_122 : memref<1x128xi32, #tpu.memory_space<vmem>> -> memref<128xi32, #tpu.memory_space<vmem>>
        %dma_start3A_124 = arith.constant 0 : i32
        %dma_start3A_125 = arith.constant 0 : i32
        %dma_start3A_126 = tpu.memref_slice %arg13[%dma_start3A_124, %dma_start3A_125] : memref<10000x128xf32, #tpu.memory_space<vmem_shared>> -> memref<10000x128xf32, #tpu.memory_space<vmem_shared>>
        tpu.enqueue_indirect_dma source(%arg8 : memref<128x128xf32, #tpu.memory_space<vmem>>) target(%dma_start3A_126 : memref<10000x128xf32, #tpu.memory_space<vmem_shared>>) offsets(%dma_start3A_123 : memref<128xi32, #tpu.memory_space<vmem>>) semaphore(%arg16 : memref<!tpu.dma_semaphore, #tpu.memory_space<semaphore_mem>>) {add = true}
        %get3A = arith.constant 0 : i32
        %get3A_127 = arith.index_cast %get3A : i32 to index
        %get3A_128 = arith.constant 0 : index
        %get3A_129 = tpu.vector_load %arg10[%get3A_127, %get3A_128] {strides = array<i32>} : memref<1x128xi32, #tpu.memory_space<vmem>>, vector<16xi32>,
        %add3A_130 = arith.constant 1 : i32
        %add3A_131 = vector.broadcast %add3A_130 : i32 to vector<16xi32>
        %add3A_132 = arith.addi %iota3A, %add3A_131 : vector<16xi32>
        %min3A = arith.constant 15 : i32
        %min3A_133 = vector.broadcast %min3A : i32 to vector<16xi32>
        %min3A_134 = arith.minsi %add3A_132, %min3A_133 : vector<16xi32>
        %broadcast_in_dim3A = vector.shape_cast %min3A_134 : vector<16xi32> to vector<16x1xi32>
        %gather3A = vector.shape_cast %broadcast_in_dim3A : vector<16x1xi32> to vector<16xi32>
        %gather3A_135 = tpu.dynamic_gather %get3A_129[%gather3A] in [0] : vector<16xi32>, vector<16xi32> -> vector<16xi32>
        %eq3A_136 = arith.constant 15 : i32
        %eq3A_137 = vector.broadcast %eq3A_136 : i32 to vector<16xi32>
        %eq3A_138 = arith.cmpi eq, %iota3A, %eq3A_137 : vector<16xi32>
        %ne3A = arith.cmpi ne, %get3A_129, %gather3A_135 : vector<16xi32>
        %or3A = arith.ori %eq3A_138, %ne3A : vector<16xi1>
        %sub3A = arith.constant 8 : i32
        %sub3A_139 = vector.broadcast %sub3A : i32 to vector<16xi32>
        %sub3A_140 = arith.subi %iota3A, %sub3A_139 : vector<16xi32>
        %ge3A = arith.constant 0 : i32
        %ge3A_141 = vector.broadcast %ge3A : i32 to vector<16xi32>
        %ge3A_142 = arith.cmpi sge, %sub3A_140, %ge3A_141 : vector<16xi32>
        %max3A = arith.constant 0 : i32
        %max3A_143 = vector.broadcast %max3A : i32 to vector<16xi32>
        %max3A_144 = arith.maxsi %sub3A_140, %max3A_143 : vector<16xi32>
        %broadcast_in_dim3A_145 = vector.shape_cast %max3A_144 : vector<16xi32> to vector<16x1xi32>
        %gather3A_146 = vector.shape_cast %broadcast_in_dim3A_145 : vector<16x1xi32> to vector<16xi32>
        %gather3A_147 = tpu.dynamic_gather %get3A_129[%gather3A_146] in [0] : vector<16xi32>, vector<16xi32> -> vector<16xi32>
        %eq3A_148 = arith.cmpi eq, %gather3A_147, %get3A_129 : vector<16xi32>
        %and3A = arith.andi %ge3A_142, %eq3A_148 : vector<16xi1>
        %select_n3A_149 = arith.select %and3A, %sub3A_140, %iota3A : vector<16xi1>, vector<16xi32>
        %sub3A_150 = arith.constant 4 : i32
        %sub3A_151 = vector.broadcast %sub3A_150 : i32 to vector<16xi32>
        %sub3A_152 = arith.subi %select_n3A_149, %sub3A_151 : vector<16xi32>
        %ge3A_153 = arith.constant 0 : i32
        %ge3A_154 = vector.broadcast %ge3A_153 : i32 to vector<16xi32>
        %ge3A_155 = arith.cmpi sge, %sub3A_152, %ge3A_154 : vector<16xi32>
        %max3A_156 = arith.constant 0 : i32
        %max3A_157 = vector.broadcast %max3A_156 : i32 to vector<16xi32>
        %max3A_158 = arith.maxsi %sub3A_152, %max3A_157 : vector<16xi32>
        %broadcast_in_dim3A_159 = vector.shape_cast %max3A_158 : vector<16xi32> to vector<16x1xi32>
        %gather3A_160 = vector.shape_cast %broadcast_in_dim3A_159 : vector<16x1xi32> to vector<16xi32>
        %gather3A_161 = tpu.dynamic_gather %get3A_129[%gather3A_160] in [0] : vector<16xi32>, vector<16xi32> -> vector<16xi32>
        %eq3A_162 = arith.cmpi eq, %gather3A_161, %get3A_129 : vector<16xi32>
        %and3A_163 = arith.andi %ge3A_155, %eq3A_162 : vector<16xi1>
        %select_n3A_164 = arith.select %and3A_163, %sub3A_152, %select_n3A_149 : vector<16xi1>, vector<16xi32>
        %sub3A_165 = arith.constant 2 : i32
        %sub3A_166 = vector.broadcast %sub3A_165 : i32 to vector<16xi32>
        %sub3A_167 = arith.subi %select_n3A_164, %sub3A_166 : vector<16xi32>
        %ge3A_168 = arith.constant 0 : i32
        %ge3A_169 = vector.broadcast %ge3A_168 : i32 to vector<16xi32>
        %ge3A_170 = arith.cmpi sge, %sub3A_167, %ge3A_169 : vector<16xi32>
        %max3A_171 = arith.constant 0 : i32
        %max3A_172 = vector.broadcast %max3A_171 : i32 to vector<16xi32>
        %max3A_173 = arith.maxsi %sub3A_167, %max3A_172 : vector<16xi32>
        %broadcast_in_dim3A_174 = vector.shape_cast %max3A_173 : vector<16xi32> to vector<16x1xi32>
        %gather3A_175 = vector.shape_cast %broadcast_in_dim3A_174 : vector<16x1xi32> to vector<16xi32>
        %gather3A_176 = tpu.dynamic_gather %get3A_129[%gather3A_175] in [0] : vector<16xi32>, vector<16xi32> -> vector<16xi32>
        %eq3A_177 = arith.cmpi eq, %gather3A_176, %get3A_129 : vector<16xi32>
        %and3A_178 = arith.andi %ge3A_170, %eq3A_177 : vector<16xi1>
        %select_n3A_179 = arith.select %and3A_178, %sub3A_167, %select_n3A_164 : vector<16xi1>, vector<16xi32>
        %sub3A_180 = arith.constant 1 : i32
        %sub3A_181 = vector.broadcast %sub3A_180 : i32 to vector<16xi32>
        %sub3A_182 = arith.subi %select_n3A_179, %sub3A_181 : vector<16xi32>
        %ge3A_183 = arith.constant 0 : i32
        %ge3A_184 = vector.broadcast %ge3A_183 : i32 to vector<16xi32>
        %ge3A_185 = arith.cmpi sge, %sub3A_182, %ge3A_184 : vector<16xi32>
        %max3A_186 = arith.constant 0 : i32
        %max3A_187 = vector.broadcast %max3A_186 : i32 to vector<16xi32>
        %max3A_188 = arith.maxsi %sub3A_182, %max3A_187 : vector<16xi32>
        %broadcast_in_dim3A_189 = vector.shape_cast %max3A_188 : vector<16xi32> to vector<16x1xi32>
        %gather3A_190 = vector.shape_cast %broadcast_in_dim3A_189 : vector<16x1xi32> to vector<16xi32>
        %gather3A_191 = tpu.dynamic_gather %get3A_129[%gather3A_190] in [0] : vector<16xi32>, vector<16xi32> -> vector<16xi32>
        %eq3A_192 = arith.cmpi eq, %gather3A_191, %get3A_129 : vector<16xi32>
        %and3A_193 = arith.andi %ge3A_185, %eq3A_192 : vector<16xi1>
        %select_n3A_194 = arith.select %and3A_193, %sub3A_182, %select_n3A_179 : vector<16xi1>, vector<16xi32>
        %sub3A_195 = arith.subi %iota3A, %select_n3A_194 : vector<16xi32>
        %add3A_196 = arith.constant 1 : i32
        %add3A_197 = vector.broadcast %add3A_196 : i32 to vector<16xi32>
        %add3A_198 = arith.addi %sub3A_195, %add3A_197 : vector<16xi32>
        %convert_element_type3A_199 = arith.sitofp %add3A_198 : vector<16xi32> to vector<16xf32>
        tpu.vector_store_idx %arg12[%get3A_129], %convert_element_type3A_199 masked %or3A {add = true} : memref<10240xf32, #tpu.memory_space<vmem>>[vector<16xi32>], vector<16xf32>, vector<16xi1>
        %get3A_200 = arith.constant 0 : i32
        %get3A_201 = arith.index_cast %get3A_200 : i32 to index
        %get3A_202 = arith.constant 16 : index
        %get3A_203 = tpu.vector_load %arg10[%get3A_201, %get3A_202] {strides = array<i32>} : memref<1x128xi32, #tpu.memory_space<vmem>>, vector<16xi32>,
        %add3A_204 = arith.constant 1 : i32
        %add3A_205 = vector.broadcast %add3A_204 : i32 to vector<16xi32>
        %add3A_206 = arith.addi %iota3A, %add3A_205 : vector<16xi32>
        %min3A_207 = arith.constant 15 : i32
        %min3A_208 = vector.broadcast %min3A_207 : i32 to vector<16xi32>
        %min3A_209 = arith.minsi %add3A_206, %min3A_208 : vector<16xi32>
        %broadcast_in_dim3A_210 = vector.shape_cast %min3A_209 : vector<16xi32> to vector<16x1xi32>
        %gather3A_211 = vector.shape_cast %broadcast_in_dim3A_210 : vector<16x1xi32> to vector<16xi32>
        %gather3A_212 = tpu.dynamic_gather %get3A_203[%gather3A_211] in [0] : vector<16xi32>, vector<16xi32> -> vector<16xi32>
        %eq3A_213 = arith.constant 15 : i32
        %eq3A_214 = vector.broadcast %eq3A_213 : i32 to vector<16xi32>
        %eq3A_215 = arith.cmpi eq, %iota3A, %eq3A_214 : vector<16xi32>
        %ne3A_216 = arith.cmpi ne, %get3A_203, %gather3A_212 : vector<16xi32>
        %or3A_217 = arith.ori %eq3A_215, %ne3A_216 : vector<16xi1>
        %sub3A_218 = arith.constant 8 : i32
        %sub3A_219 = vector.broadcast %sub3A_218 : i32 to vector<16xi32>
        %sub3A_220 = arith.subi %iota3A, %sub3A_219 : vector<16xi32>
        %ge3A_221 = arith.constant 0 : i32
        %ge3A_222 = vector.broadcast %ge3A_221 : i32 to vector<16xi32>
        %ge3A_223 = arith.cmpi sge, %sub3A_220, %ge3A_222 : vector<16xi32>
        %max3A_224 = arith.constant 0 : i32
        %max3A_225 = vector.broadcast %max3A_224 : i32 to vector<16xi32>
        %max3A_226 = arith.maxsi %sub3A_220, %max3A_225 : vector<16xi32>
        %broadcast_in_dim3A_227 = vector.shape_cast %max3A_226 : vector<16xi32> to vector<16x1xi32>
        %gather3A_228 = vector.shape_cast %broadcast_in_dim3A_227 : vector<16x1xi32> to vector<16xi32>
        %gather3A_229 = tpu.dynamic_gather %get3A_203[%gather3A_228] in [0] : vector<16xi32>, vector<16xi32> -> vector<16xi32>
        %eq3A_230 = arith.cmpi eq, %gather3A_229, %get3A_203 : vector<16xi32>
        %and3A_231 = arith.andi %ge3A_223, %eq3A_230 : vector<16xi1>
        %select_n3A_232 = arith.select %and3A_231, %sub3A_220, %iota3A : vector<16xi1>, vector<16xi32>
        %sub3A_233 = arith.constant 4 : i32
        %sub3A_234 = vector.broadcast %sub3A_233 : i32 to vector<16xi32>
        %sub3A_235 = arith.subi %select_n3A_232, %sub3A_234 : vector<16xi32>
        %ge3A_236 = arith.constant 0 : i32
        %ge3A_237 = vector.broadcast %ge3A_236 : i32 to vector<16xi32>
        %ge3A_238 = arith.cmpi sge, %sub3A_235, %ge3A_237 : vector<16xi32>
        %max3A_239 = arith.constant 0 : i32
        %max3A_240 = vector.broadcast %max3A_239 : i32 to vector<16xi32>
        %max3A_241 = arith.maxsi %sub3A_235, %max3A_240 : vector<16xi32>
        %broadcast_in_dim3A_242 = vector.shape_cast %max3A_241 : vector<16xi32> to vector<16x1xi32>
        %gather3A_243 = vector.shape_cast %broadcast_in_dim3A_242 : vector<16x1xi32> to vector<16xi32>
        %gather3A_244 = tpu.dynamic_gather %get3A_203[%gather3A_243] in [0] : vector<16xi32>, vector<16xi32> -> vector<16xi32>
        %eq3A_245 = arith.cmpi eq, %gather3A_244, %get3A_203 : vector<16xi32>
        %and3A_246 = arith.andi %ge3A_238, %eq3A_245 : vector<16xi1>
        %select_n3A_247 = arith.select %and3A_246, %sub3A_235, %select_n3A_232 : vector<16xi1>, vector<16xi32>
        %sub3A_248 = arith.constant 2 : i32
        %sub3A_249 = vector.broadcast %sub3A_248 : i32 to vector<16xi32>
        %sub3A_250 = arith.subi %select_n3A_247, %sub3A_249 : vector<16xi32>
        %ge3A_251 = arith.constant 0 : i32
        %ge3A_252 = vector.broadcast %ge3A_251 : i32 to vector<16xi32>
        %ge3A_253 = arith.cmpi sge, %sub3A_250, %ge3A_252 : vector<16xi32>
        %max3A_254 = arith.constant 0 : i32
        %max3A_255 = vector.broadcast %max3A_254 : i32 to vector<16xi32>
        %max3A_256 = arith.maxsi %sub3A_250, %max3A_255 : vector<16xi32>
        %broadcast_in_dim3A_257 = vector.shape_cast %max3A_256 : vector<16xi32> to vector<16x1xi32>
        %gather3A_258 = vector.shape_cast %broadcast_in_dim3A_257 : vector<16x1xi32> to vector<16xi32>
        %gather3A_259 = tpu.dynamic_gather %get3A_203[%gather3A_258] in [0] : vector<16xi32>, vector<16xi32> -> vector<16xi32>
        %eq3A_260 = arith.cmpi eq, %gather3A_259, %get3A_203 : vector<16xi32>
        %and3A_261 = arith.andi %ge3A_253, %eq3A_260 : vector<16xi1>
        %select_n3A_262 = arith.select %and3A_261, %sub3A_250, %select_n3A_247 : vector<16xi1>, vector<16xi32>
        %sub3A_263 = arith.constant 1 : i32
        %sub3A_264 = vector.broadcast %sub3A_263 : i32 to vector<16xi32>
        %sub3A_265 = arith.subi %select_n3A_262, %sub3A_264 : vector<16xi32>
        %ge3A_266 = arith.constant 0 : i32
        %ge3A_267 = vector.broadcast %ge3A_266 : i32 to vector<16xi32>
        %ge3A_268 = arith.cmpi sge, %sub3A_265, %ge3A_267 : vector<16xi32>
        %max3A_269 = arith.constant 0 : i32
        %max3A_270 = vector.broadcast %max3A_269 : i32 to vector<16xi32>
        %max3A_271 = arith.maxsi %sub3A_265, %max3A_270 : vector<16xi32>
        %broadcast_in_dim3A_272 = vector.shape_cast %max3A_271 : vector<16xi32> to vector<16x1xi32>
        %gather3A_273 = vector.shape_cast %broadcast_in_dim3A_272 : vector<16x1xi32> to vector<16xi32>
        %gather3A_274 = tpu.dynamic_gather %get3A_203[%gather3A_273] in [0] : vector<16xi32>, vector<16xi32> -> vector<16xi32>
        %eq3A_275 = arith.cmpi eq, %gather3A_274, %get3A_203 : vector<16xi32>
        %and3A_276 = arith.andi %ge3A_268, %eq3A_275 : vector<16xi1>
        %select_n3A_277 = arith.select %and3A_276, %sub3A_265, %select_n3A_262 : vector<16xi1>, vector<16xi32>
        %sub3A_278 = arith.subi %iota3A, %select_n3A_277 : vector<16xi32>
        %add3A_279 = arith.constant 1 : i32
        %add3A_280 = vector.broadcast %add3A_279 : i32 to vector<16xi32>
        %add3A_281 = arith.addi %sub3A_278, %add3A_280 : vector<16xi32>
        %convert_element_type3A_282 = arith.sitofp %add3A_281 : vector<16xi32> to vector<16xf32>
        tpu.vector_store_idx %arg12[%get3A_203], %convert_element_type3A_282 masked %or3A_217 {add = true} : memref<10240xf32, #tpu.memory_space<vmem>>[vector<16xi32>], vector<16xf32>, vector<16xi1>
        %get3A_283 = arith.constant 0 : i32
        %get3A_284 = arith.index_cast %get3A_283 : i32 to index
        %get3A_285 = arith.constant 32 : index
        %get3A_286 = tpu.vector_load %arg10[%get3A_284, %get3A_285] {strides = array<i32>} : memref<1x128xi32, #tpu.memory_space<vmem>>, vector<16xi32>,
        %add3A_287 = arith.constant 1 : i32
        %add3A_288 = vector.broadcast %add3A_287 : i32 to vector<16xi32>
        %add3A_289 = arith.addi %iota3A, %add3A_288 : vector<16xi32>
        %min3A_290 = arith.constant 15 : i32
        %min3A_291 = vector.broadcast %min3A_290 : i32 to vector<16xi32>
        %min3A_292 = arith.minsi %add3A_289, %min3A_291 : vector<16xi32>
        %broadcast_in_dim3A_293 = vector.shape_cast %min3A_292 : vector<16xi32> to vector<16x1xi32>
        %gather3A_294 = vector.shape_cast %broadcast_in_dim3A_293 : vector<16x1xi32> to vector<16xi32>
        %gather3A_295 = tpu.dynamic_gather %get3A_286[%gather3A_294] in [0] : vector<16xi32>, vector<16xi32> -> vector<16xi32>
        %eq3A_296 = arith.constant 15 : i32
        %eq3A_297 = vector.broadcast %eq3A_296 : i32 to vector<16xi32>
        %eq3A_298 = arith.cmpi eq, %iota3A, %eq3A_297 : vector<16xi32>
        %ne3A_299 = arith.cmpi ne, %get3A_286, %gather3A_295 : vector<16xi32>
        %or3A_300 = arith.ori %eq3A_298, %ne3A_299 : vector<16xi1>
        %sub3A_301 = arith.constant 8 : i32
        %sub3A_302 = vector.broadcast %sub3A_301 : i32 to vector<16xi32>
        %sub3A_303 = arith.subi %iota3A, %sub3A_302 : vector<16xi32>
        %ge3A_304 = arith.constant 0 : i32
        %ge3A_305 = vector.broadcast %ge3A_304 : i32 to vector<16xi32>
        %ge3A_306 = arith.cmpi sge, %sub3A_303, %ge3A_305 : vector<16xi32>
        %max3A_307 = arith.constant 0 : i32
        %max3A_308 = vector.broadcast %max3A_307 : i32 to vector<16xi32>
        %max3A_309 = arith.maxsi %sub3A_303, %max3A_308 : vector<16xi32>
        %broadcast_in_dim3A_310 = vector.shape_cast %max3A_309 : vector<16xi32> to vector<16x1xi32>
        %gather3A_311 = vector.shape_cast %broadcast_in_dim3A_310 : vector<16x1xi32> to vector<16xi32>
        %gather3A_312 = tpu.dynamic_gather %get3A_286[%gather3A_311] in [0] : vector<16xi32>, vector<16xi32> -> vector<16xi32>
        %eq3A_313 = arith.cmpi eq, %gather3A_312, %get3A_286 : vector<16xi32>
        %and3A_314 = arith.andi %ge3A_306, %eq3A_313 : vector<16xi1>
        %select_n3A_315 = arith.select %and3A_314, %sub3A_303, %iota3A : vector<16xi1>, vector<16xi32>
        %sub3A_316 = arith.constant 4 : i32
        %sub3A_317 = vector.broadcast %sub3A_316 : i32 to vector<16xi32>
        %sub3A_318 = arith.subi %select_n3A_315, %sub3A_317 : vector<16xi32>
        %ge3A_319 = arith.constant 0 : i32
        %ge3A_320 = vector.broadcast %ge3A_319 : i32 to vector<16xi32>
        %ge3A_321 = arith.cmpi sge, %sub3A_318, %ge3A_320 : vector<16xi32>
        %max3A_322 = arith.constant 0 : i32
        %max3A_323 = vector.broadcast %max3A_322 : i32 to vector<16xi32>
        %max3A_324 = arith.maxsi %sub3A_318, %max3A_323 : vector<16xi32>
        %broadcast_in_dim3A_325 = vector.shape_cast %max3A_324 : vector<16xi32> to vector<16x1xi32>
        %gather3A_326 = vector.shape_cast %broadcast_in_dim3A_325 : vector<16x1xi32> to vector<16xi32>
        %gather3A_327 = tpu.dynamic_gather %get3A_286[%gather3A_326] in [0] : vector<16xi32>, vector<16xi32> -> vector<16xi32>
        %eq3A_328 = arith.cmpi eq, %gather3A_327, %get3A_286 : vector<16xi32>
        %and3A_329 = arith.andi %ge3A_321, %eq3A_328 : vector<16xi1>
        %select_n3A_330 = arith.select %and3A_329, %sub3A_318, %select_n3A_315 : vector<16xi1>, vector<16xi32>
        %sub3A_331 = arith.constant 2 : i32
        %sub3A_332 = vector.broadcast %sub3A_331 : i32 to vector<16xi32>
        %sub3A_333 = arith.subi %select_n3A_330, %sub3A_332 : vector<16xi32>
        %ge3A_334 = arith.constant 0 : i32
        %ge3A_335 = vector.broadcast %ge3A_334 : i32 to vector<16xi32>
        %ge3A_336 = arith.cmpi sge, %sub3A_333, %ge3A_335 : vector<16xi32>
        %max3A_337 = arith.constant 0 : i32
        %max3A_338 = vector.broadcast %max3A_337 : i32 to vector<16xi32>
        %max3A_339 = arith.maxsi %sub3A_333, %max3A_338 : vector<16xi32>
        %broadcast_in_dim3A_340 = vector.shape_cast %max3A_339 : vector<16xi32> to vector<16x1xi32>
        %gather3A_341 = vector.shape_cast %broadcast_in_dim3A_340 : vector<16x1xi32> to vector<16xi32>
        %gather3A_342 = tpu.dynamic_gather %get3A_286[%gather3A_341] in [0] : vector<16xi32>, vector<16xi32> -> vector<16xi32>
        %eq3A_343 = arith.cmpi eq, %gather3A_342, %get3A_286 : vector<16xi32>
        %and3A_344 = arith.andi %ge3A_336, %eq3A_343 : vector<16xi1>
        %select_n3A_345 = arith.select %and3A_344, %sub3A_333, %select_n3A_330 : vector<16xi1>, vector<16xi32>
        %sub3A_346 = arith.constant 1 : i32
        %sub3A_347 = vector.broadcast %sub3A_346 : i32 to vector<16xi32>
        %sub3A_348 = arith.subi %select_n3A_345, %sub3A_347 : vector<16xi32>
        %ge3A_349 = arith.constant 0 : i32
        %ge3A_350 = vector.broadcast %ge3A_349 : i32 to vector<16xi32>
        %ge3A_351 = arith.cmpi sge, %sub3A_348, %ge3A_350 : vector<16xi32>
        %max3A_352 = arith.constant 0 : i32
        %max3A_353 = vector.broadcast %max3A_352 : i32 to vector<16xi32>
        %max3A_354 = arith.maxsi %sub3A_348, %max3A_353 : vector<16xi32>
        %broadcast_in_dim3A_355 = vector.shape_cast %max3A_354 : vector<16xi32> to vector<16x1xi32>
        %gather3A_356 = vector.shape_cast %broadcast_in_dim3A_355 : vector<16x1xi32> to vector<16xi32>
        %gather3A_357 = tpu.dynamic_gather %get3A_286[%gather3A_356] in [0] : vector<16xi32>, vector<16xi32> -> vector<16xi32>
        %eq3A_358 = arith.cmpi eq, %gather3A_357, %get3A_286 : vector<16xi32>
        %and3A_359 = arith.andi %ge3A_351, %eq3A_358 : vector<16xi1>
        %select_n3A_360 = arith.select %and3A_359, %sub3A_348, %select_n3A_345 : vector<16xi1>, vector<16xi32>
        %sub3A_361 = arith.subi %iota3A, %select_n3A_360 : vector<16xi32>
        %add3A_362 = arith.constant 1 : i32
        %add3A_363 = vector.broadcast %add3A_362 : i32 to vector<16xi32>
        %add3A_364 = arith.addi %sub3A_361, %add3A_363 : vector<16xi32>
        %convert_element_type3A_365 = arith.sitofp %add3A_364 : vector<16xi32> to vector<16xf32>
        tpu.vector_store_idx %arg12[%get3A_286], %convert_element_type3A_365 masked %or3A_300 {add = true} : memref<10240xf32, #tpu.memory_space<vmem>>[vector<16xi32>], vector<16xf32>, vector<16xi1>
        %get3A_366 = arith.constant 0 : i32
        %get3A_367 = arith.index_cast %get3A_366 : i32 to index
        %get3A_368 = arith.constant 48 : index
        %get3A_369 = tpu.vector_load %arg10[%get3A_367, %get3A_368] {strides = array<i32>} : memref<1x128xi32, #tpu.memory_space<vmem>>, vector<16xi32>,
        %add3A_370 = arith.constant 1 : i32
        %add3A_371 = vector.broadcast %add3A_370 : i32 to vector<16xi32>
        %add3A_372 = arith.addi %iota3A, %add3A_371 : vector<16xi32>
        %min3A_373 = arith.constant 15 : i32
        %min3A_374 = vector.broadcast %min3A_373 : i32 to vector<16xi32>
        %min3A_375 = arith.minsi %add3A_372, %min3A_374 : vector<16xi32>
        %broadcast_in_dim3A_376 = vector.shape_cast %min3A_375 : vector<16xi32> to vector<16x1xi32>
        %gather3A_377 = vector.shape_cast %broadcast_in_dim3A_376 : vector<16x1xi32> to vector<16xi32>
        %gather3A_378 = tpu.dynamic_gather %get3A_369[%gather3A_377] in [0] : vector<16xi32>, vector<16xi32> -> vector<16xi32>
        %eq3A_379 = arith.constant 15 : i32
        %eq3A_380 = vector.broadcast %eq3A_379 : i32 to vector<16xi32>
        %eq3A_381 = arith.cmpi eq, %iota3A, %eq3A_380 : vector<16xi32>
        %ne3A_382 = arith.cmpi ne, %get3A_369, %gather3A_378 : vector<16xi32>
        %or3A_383 = arith.ori %eq3A_381, %ne3A_382 : vector<16xi1>
        %sub3A_384 = arith.constant 8 : i32
        %sub3A_385 = vector.broadcast %sub3A_384 : i32 to vector<16xi32>
        %sub3A_386 = arith.subi %iota3A, %sub3A_385 : vector<16xi32>
        %ge3A_387 = arith.constant 0 : i32
        %ge3A_388 = vector.broadcast %ge3A_387 : i32 to vector<16xi32>
        %ge3A_389 = arith.cmpi sge, %sub3A_386, %ge3A_388 : vector<16xi32>
        %max3A_390 = arith.constant 0 : i32
        %max3A_391 = vector.broadcast %max3A_390 : i32 to vector<16xi32>
        %max3A_392 = arith.maxsi %sub3A_386, %max3A_391 : vector<16xi32>
        %broadcast_in_dim3A_393 = vector.shape_cast %max3A_392 : vector<16xi32> to vector<16x1xi32>
        %gather3A_394 = vector.shape_cast %broadcast_in_dim3A_393 : vector<16x1xi32> to vector<16xi32>
        %gather3A_395 = tpu.dynamic_gather %get3A_369[%gather3A_394] in [0] : vector<16xi32>, vector<16xi32> -> vector<16xi32>
        %eq3A_396 = arith.cmpi eq, %gather3A_395, %get3A_369 : vector<16xi32>
        %and3A_397 = arith.andi %ge3A_389, %eq3A_396 : vector<16xi1>
        %select_n3A_398 = arith.select %and3A_397, %sub3A_386, %iota3A : vector<16xi1>, vector<16xi32>
        %sub3A_399 = arith.constant 4 : i32
        %sub3A_400 = vector.broadcast %sub3A_399 : i32 to vector<16xi32>
        %sub3A_401 = arith.subi %select_n3A_398, %sub3A_400 : vector<16xi32>
        %ge3A_402 = arith.constant 0 : i32
        %ge3A_403 = vector.broadcast %ge3A_402 : i32 to vector<16xi32>
        %ge3A_404 = arith.cmpi sge, %sub3A_401, %ge3A_403 : vector<16xi32>
        %max3A_405 = arith.constant 0 : i32
        %max3A_406 = vector.broadcast %max3A_405 : i32 to vector<16xi32>
        %max3A_407 = arith.maxsi %sub3A_401, %max3A_406 : vector<16xi32>
        %broadcast_in_dim3A_408 = vector.shape_cast %max3A_407 : vector<16xi32> to vector<16x1xi32>
        %gather3A_409 = vector.shape_cast %broadcast_in_dim3A_408 : vector<16x1xi32> to vector<16xi32>
        %gather3A_410 = tpu.dynamic_gather %get3A_369[%gather3A_409] in [0] : vector<16xi32>, vector<16xi32> -> vector<16xi32>
        %eq3A_411 = arith.cmpi eq, %gather3A_410, %get3A_369 : vector<16xi32>
        %and3A_412 = arith.andi %ge3A_404, %eq3A_411 : vector<16xi1>
        %select_n3A_413 = arith.select %and3A_412, %sub3A_401, %select_n3A_398 : vector<16xi1>, vector<16xi32>
        %sub3A_414 = arith.constant 2 : i32
        %sub3A_415 = vector.broadcast %sub3A_414 : i32 to vector<16xi32>
        %sub3A_416 = arith.subi %select_n3A_413, %sub3A_415 : vector<16xi32>
        %ge3A_417 = arith.constant 0 : i32
        %ge3A_418 = vector.broadcast %ge3A_417 : i32 to vector<16xi32>
        %ge3A_419 = arith.cmpi sge, %sub3A_416, %ge3A_418 : vector<16xi32>
        %max3A_420 = arith.constant 0 : i32
        %max3A_421 = vector.broadcast %max3A_420 : i32 to vector<16xi32>
        %max3A_422 = arith.maxsi %sub3A_416, %max3A_421 : vector<16xi32>
        %broadcast_in_dim3A_423 = vector.shape_cast %max3A_422 : vector<16xi32> to vector<16x1xi32>
        %gather3A_424 = vector.shape_cast %broadcast_in_dim3A_423 : vector<16x1xi32> to vector<16xi32>
        %gather3A_425 = tpu.dynamic_gather %get3A_369[%gather3A_424] in [0] : vector<16xi32>, vector<16xi32> -> vector<16xi32>
        %eq3A_426 = arith.cmpi eq, %gather3A_425, %get3A_369 : vector<16xi32>
        %and3A_427 = arith.andi %ge3A_419, %eq3A_426 : vector<16xi1>
        %select_n3A_428 = arith.select %and3A_427, %sub3A_416, %select_n3A_413 : vector<16xi1>, vector<16xi32>
        %sub3A_429 = arith.constant 1 : i32
        %sub3A_430 = vector.broadcast %sub3A_429 : i32 to vector<16xi32>
        %sub3A_431 = arith.subi %select_n3A_428, %sub3A_430 : vector<16xi32>
        %ge3A_432 = arith.constant 0 : i32
        %ge3A_433 = vector.broadcast %ge3A_432 : i32 to vector<16xi32>
        %ge3A_434 = arith.cmpi sge, %sub3A_431, %ge3A_433 : vector<16xi32>
        %max3A_435 = arith.constant 0 : i32
        %max3A_436 = vector.broadcast %max3A_435 : i32 to vector<16xi32>
        %max3A_437 = arith.maxsi %sub3A_431, %max3A_436 : vector<16xi32>
        %broadcast_in_dim3A_438 = vector.shape_cast %max3A_437 : vector<16xi32> to vector<16x1xi32>
        %gather3A_439 = vector.shape_cast %broadcast_in_dim3A_438 : vector<16x1xi32> to vector<16xi32>
        %gather3A_440 = tpu.dynamic_gather %get3A_369[%gather3A_439] in [0] : vector<16xi32>, vector<16xi32> -> vector<16xi32>
        %eq3A_441 = arith.cmpi eq, %gather3A_440, %get3A_369 : vector<16xi32>
        %and3A_442 = arith.andi %ge3A_434, %eq3A_441 : vector<16xi1>
        %select_n3A_443 = arith.select %and3A_442, %sub3A_431, %select_n3A_428 : vector<16xi1>, vector<16xi32>
        %sub3A_444 = arith.subi %iota3A, %select_n3A_443 : vector<16xi32>
        %add3A_445 = arith.constant 1 : i32
        %add3A_446 = vector.broadcast %add3A_445 : i32 to vector<16xi32>
        %add3A_447 = arith.addi %sub3A_444, %add3A_446 : vector<16xi32>
        %convert_element_type3A_448 = arith.sitofp %add3A_447 : vector<16xi32> to vector<16xf32>
        tpu.vector_store_idx %arg12[%get3A_369], %convert_element_type3A_448 masked %or3A_383 {add = true} : memref<10240xf32, #tpu.memory_space<vmem>>[vector<16xi32>], vector<16xf32>, vector<16xi1>
        %get3A_449 = arith.constant 0 : i32
        %get3A_450 = arith.index_cast %get3A_449 : i32 to index
        %get3A_451 = arith.constant 64 : index
        %get3A_452 = tpu.vector_load %arg10[%get3A_450, %get3A_451] {strides = array<i32>} : memref<1x128xi32, #tpu.memory_space<vmem>>, vector<16xi32>,
        %add3A_453 = arith.constant 1 : i32
        %add3A_454 = vector.broadcast %add3A_453 : i32 to vector<16xi32>
        %add3A_455 = arith.addi %iota3A, %add3A_454 : vector<16xi32>
        %min3A_456 = arith.constant 15 : i32
        %min3A_457 = vector.broadcast %min3A_456 : i32 to vector<16xi32>
        %min3A_458 = arith.minsi %add3A_455, %min3A_457 : vector<16xi32>
        %broadcast_in_dim3A_459 = vector.shape_cast %min3A_458 : vector<16xi32> to vector<16x1xi32>
        %gather3A_460 = vector.shape_cast %broadcast_in_dim3A_459 : vector<16x1xi32> to vector<16xi32>
        %gather3A_461 = tpu.dynamic_gather %get3A_452[%gather3A_460] in [0] : vector<16xi32>, vector<16xi32> -> vector<16xi32>
        %eq3A_462 = arith.constant 15 : i32
        %eq3A_463 = vector.broadcast %eq3A_462 : i32 to vector<16xi32>
        %eq3A_464 = arith.cmpi eq, %iota3A, %eq3A_463 : vector<16xi32>
        %ne3A_465 = arith.cmpi ne, %get3A_452, %gather3A_461 : vector<16xi32>
        %or3A_466 = arith.ori %eq3A_464, %ne3A_465 : vector<16xi1>
        %sub3A_467 = arith.constant 8 : i32
        %sub3A_468 = vector.broadcast %sub3A_467 : i32 to vector<16xi32>
        %sub3A_469 = arith.subi %iota3A, %sub3A_468 : vector<16xi32>
        %ge3A_470 = arith.constant 0 : i32
        %ge3A_471 = vector.broadcast %ge3A_470 : i32 to vector<16xi32>
        %ge3A_472 = arith.cmpi sge, %sub3A_469, %ge3A_471 : vector<16xi32>
        %max3A_473 = arith.constant 0 : i32
        %max3A_474 = vector.broadcast %max3A_473 : i32 to vector<16xi32>
        %max3A_475 = arith.maxsi %sub3A_469, %max3A_474 : vector<16xi32>
        %broadcast_in_dim3A_476 = vector.shape_cast %max3A_475 : vector<16xi32> to vector<16x1xi32>
        %gather3A_477 = vector.shape_cast %broadcast_in_dim3A_476 : vector<16x1xi32> to vector<16xi32>
        %gather3A_478 = tpu.dynamic_gather %get3A_452[%gather3A_477] in [0] : vector<16xi32>, vector<16xi32> -> vector<16xi32>
        %eq3A_479 = arith.cmpi eq, %gather3A_478, %get3A_452 : vector<16xi32>
        %and3A_480 = arith.andi %ge3A_472, %eq3A_479 : vector<16xi1>
        %select_n3A_481 = arith.select %and3A_480, %sub3A_469, %iota3A : vector<16xi1>, vector<16xi32>
        %sub3A_482 = arith.constant 4 : i32
        %sub3A_483 = vector.broadcast %sub3A_482 : i32 to vector<16xi32>
        %sub3A_484 = arith.subi %select_n3A_481, %sub3A_483 : vector<16xi32>
        %ge3A_485 = arith.constant 0 : i32
        %ge3A_486 = vector.broadcast %ge3A_485 : i32 to vector<16xi32>
        %ge3A_487 = arith.cmpi sge, %sub3A_484, %ge3A_486 : vector<16xi32>
        %max3A_488 = arith.constant 0 : i32
        %max3A_489 = vector.broadcast %max3A_488 : i32 to vector<16xi32>
        %max3A_490 = arith.maxsi %sub3A_484, %max3A_489 : vector<16xi32>
        %broadcast_in_dim3A_491 = vector.shape_cast %max3A_490 : vector<16xi32> to vector<16x1xi32>
        %gather3A_492 = vector.shape_cast %broadcast_in_dim3A_491 : vector<16x1xi32> to vector<16xi32>
        %gather3A_493 = tpu.dynamic_gather %get3A_452[%gather3A_492] in [0] : vector<16xi32>, vector<16xi32> -> vector<16xi32>
        %eq3A_494 = arith.cmpi eq, %gather3A_493, %get3A_452 : vector<16xi32>
        %and3A_495 = arith.andi %ge3A_487, %eq3A_494 : vector<16xi1>
        %select_n3A_496 = arith.select %and3A_495, %sub3A_484, %select_n3A_481 : vector<16xi1>, vector<16xi32>
        %sub3A_497 = arith.constant 2 : i32
        %sub3A_498 = vector.broadcast %sub3A_497 : i32 to vector<16xi32>
        %sub3A_499 = arith.subi %select_n3A_496, %sub3A_498 : vector<16xi32>
        %ge3A_500 = arith.constant 0 : i32
        %ge3A_501 = vector.broadcast %ge3A_500 : i32 to vector<16xi32>
        %ge3A_502 = arith.cmpi sge, %sub3A_499, %ge3A_501 : vector<16xi32>
        %max3A_503 = arith.constant 0 : i32
        %max3A_504 = vector.broadcast %max3A_503 : i32 to vector<16xi32>
        %max3A_505 = arith.maxsi %sub3A_499, %max3A_504 : vector<16xi32>
        %broadcast_in_dim3A_506 = vector.shape_cast %max3A_505 : vector<16xi32> to vector<16x1xi32>
        %gather3A_507 = vector.shape_cast %broadcast_in_dim3A_506 : vector<16x1xi32> to vector<16xi32>
        %gather3A_508 = tpu.dynamic_gather %get3A_452[%gather3A_507] in [0] : vector<16xi32>, vector<16xi32> -> vector<16xi32>
        %eq3A_509 = arith.cmpi eq, %gather3A_508, %get3A_452 : vector<16xi32>
        %and3A_510 = arith.andi %ge3A_502, %eq3A_509 : vector<16xi1>
        %select_n3A_511 = arith.select %and3A_510, %sub3A_499, %select_n3A_496 : vector<16xi1>, vector<16xi32>
        %sub3A_512 = arith.constant 1 : i32
        %sub3A_513 = vector.broadcast %sub3A_512 : i32 to vector<16xi32>
        %sub3A_514 = arith.subi %select_n3A_511, %sub3A_513 : vector<16xi32>
        %ge3A_515 = arith.constant 0 : i32
        %ge3A_516 = vector.broadcast %ge3A_515 : i32 to vector<16xi32>
        %ge3A_517 = arith.cmpi sge, %sub3A_514, %ge3A_516 : vector<16xi32>
        %max3A_518 = arith.constant 0 : i32
        %max3A_519 = vector.broadcast %max3A_518 : i32 to vector<16xi32>
        %max3A_520 = arith.maxsi %sub3A_514, %max3A_519 : vector<16xi32>
        %broadcast_in_dim3A_521 = vector.shape_cast %max3A_520 : vector<16xi32> to vector<16x1xi32>
        %gather3A_522 = vector.shape_cast %broadcast_in_dim3A_521 : vector<16x1xi32> to vector<16xi32>
        %gather3A_523 = tpu.dynamic_gather %get3A_452[%gather3A_522] in [0] : vector<16xi32>, vector<16xi32> -> vector<16xi32>
        %eq3A_524 = arith.cmpi eq, %gather3A_523, %get3A_452 : vector<16xi32>
        %and3A_525 = arith.andi %ge3A_517, %eq3A_524 : vector<16xi1>
        %select_n3A_526 = arith.select %and3A_525, %sub3A_514, %select_n3A_511 : vector<16xi1>, vector<16xi32>
        %sub3A_527 = arith.subi %iota3A, %select_n3A_526 : vector<16xi32>
        %add3A_528 = arith.constant 1 : i32
        %add3A_529 = vector.broadcast %add3A_528 : i32 to vector<16xi32>
        %add3A_530 = arith.addi %sub3A_527, %add3A_529 : vector<16xi32>
        %convert_element_type3A_531 = arith.sitofp %add3A_530 : vector<16xi32> to vector<16xf32>
        tpu.vector_store_idx %arg12[%get3A_452], %convert_element_type3A_531 masked %or3A_466 {add = true} : memref<10240xf32, #tpu.memory_space<vmem>>[vector<16xi32>], vector<16xf32>, vector<16xi1>
        %get3A_532 = arith.constant 0 : i32
        %get3A_533 = arith.index_cast %get3A_532 : i32 to index
        %get3A_534 = arith.constant 80 : index
        %get3A_535 = tpu.vector_load %arg10[%get3A_533, %get3A_534] {strides = array<i32>} : memref<1x128xi32, #tpu.memory_space<vmem>>, vector<16xi32>,
        %add3A_536 = arith.constant 1 : i32
        %add3A_537 = vector.broadcast %add3A_536 : i32 to vector<16xi32>
        %add3A_538 = arith.addi %iota3A, %add3A_537 : vector<16xi32>
        %min3A_539 = arith.constant 15 : i32
        %min3A_540 = vector.broadcast %min3A_539 : i32 to vector<16xi32>
        %min3A_541 = arith.minsi %add3A_538, %min3A_540 : vector<16xi32>
        %broadcast_in_dim3A_542 = vector.shape_cast %min3A_541 : vector<16xi32> to vector<16x1xi32>
        %gather3A_543 = vector.shape_cast %broadcast_in_dim3A_542 : vector<16x1xi32> to vector<16xi32>
        %gather3A_544 = tpu.dynamic_gather %get3A_535[%gather3A_543] in [0] : vector<16xi32>, vector<16xi32> -> vector<16xi32>
        %eq3A_545 = arith.constant 15 : i32
        %eq3A_546 = vector.broadcast %eq3A_545 : i32 to vector<16xi32>
        %eq3A_547 = arith.cmpi eq, %iota3A, %eq3A_546 : vector<16xi32>
        %ne3A_548 = arith.cmpi ne, %get3A_535, %gather3A_544 : vector<16xi32>
        %or3A_549 = arith.ori %eq3A_547, %ne3A_548 : vector<16xi1>
        %sub3A_550 = arith.constant 8 : i32
        %sub3A_551 = vector.broadcast %sub3A_550 : i32 to vector<16xi32>
        %sub3A_552 = arith.subi %iota3A, %sub3A_551 : vector<16xi32>
        %ge3A_553 = arith.constant 0 : i32
        %ge3A_554 = vector.broadcast %ge3A_553 : i32 to vector<16xi32>
        %ge3A_555 = arith.cmpi sge, %sub3A_552, %ge3A_554 : vector<16xi32>
        %max3A_556 = arith.constant 0 : i32
        %max3A_557 = vector.broadcast %max3A_556 : i32 to vector<16xi32>
        %max3A_558 = arith.maxsi %sub3A_552, %max3A_557 : vector<16xi32>
        %broadcast_in_dim3A_559 = vector.shape_cast %max3A_558 : vector<16xi32> to vector<16x1xi32>
        %gather3A_560 = vector.shape_cast %broadcast_in_dim3A_559 : vector<16x1xi32> to vector<16xi32>
        %gather3A_561 = tpu.dynamic_gather %get3A_535[%gather3A_560] in [0] : vector<16xi32>, vector<16xi32> -> vector<16xi32>
        %eq3A_562 = arith.cmpi eq, %gather3A_561, %get3A_535 : vector<16xi32>
        %and3A_563 = arith.andi %ge3A_555, %eq3A_562 : vector<16xi1>
        %select_n3A_564 = arith.select %and3A_563, %sub3A_552, %iota3A : vector<16xi1>, vector<16xi32>
        %sub3A_565 = arith.constant 4 : i32
        %sub3A_566 = vector.broadcast %sub3A_565 : i32 to vector<16xi32>
        %sub3A_567 = arith.subi %select_n3A_564, %sub3A_566 : vector<16xi32>
        %ge3A_568 = arith.constant 0 : i32
        %ge3A_569 = vector.broadcast %ge3A_568 : i32 to vector<16xi32>
        %ge3A_570 = arith.cmpi sge, %sub3A_567, %ge3A_569 : vector<16xi32>
        %max3A_571 = arith.constant 0 : i32
        %max3A_572 = vector.broadcast %max3A_571 : i32 to vector<16xi32>
        %max3A_573 = arith.maxsi %sub3A_567, %max3A_572 : vector<16xi32>
        %broadcast_in_dim3A_574 = vector.shape_cast %max3A_573 : vector<16xi32> to vector<16x1xi32>
        %gather3A_575 = vector.shape_cast %broadcast_in_dim3A_574 : vector<16x1xi32> to vector<16xi32>
        %gather3A_576 = tpu.dynamic_gather %get3A_535[%gather3A_575] in [0] : vector<16xi32>, vector<16xi32> -> vector<16xi32>
        %eq3A_577 = arith.cmpi eq, %gather3A_576, %get3A_535 : vector<16xi32>
        %and3A_578 = arith.andi %ge3A_570, %eq3A_577 : vector<16xi1>
        %select_n3A_579 = arith.select %and3A_578, %sub3A_567, %select_n3A_564 : vector<16xi1>, vector<16xi32>
        %sub3A_580 = arith.constant 2 : i32
        %sub3A_581 = vector.broadcast %sub3A_580 : i32 to vector<16xi32>
        %sub3A_582 = arith.subi %select_n3A_579, %sub3A_581 : vector<16xi32>
        %ge3A_583 = arith.constant 0 : i32
        %ge3A_584 = vector.broadcast %ge3A_583 : i32 to vector<16xi32>
        %ge3A_585 = arith.cmpi sge, %sub3A_582, %ge3A_584 : vector<16xi32>
        %max3A_586 = arith.constant 0 : i32
        %max3A_587 = vector.broadcast %max3A_586 : i32 to vector<16xi32>
        %max3A_588 = arith.maxsi %sub3A_582, %max3A_587 : vector<16xi32>
        %broadcast_in_dim3A_589 = vector.shape_cast %max3A_588 : vector<16xi32> to vector<16x1xi32>
        %gather3A_590 = vector.shape_cast %broadcast_in_dim3A_589 : vector<16x1xi32> to vector<16xi32>
        %gather3A_591 = tpu.dynamic_gather %get3A_535[%gather3A_590] in [0] : vector<16xi32>, vector<16xi32> -> vector<16xi32>
        %eq3A_592 = arith.cmpi eq, %gather3A_591, %get3A_535 : vector<16xi32>
        %and3A_593 = arith.andi %ge3A_585, %eq3A_592 : vector<16xi1>
        %select_n3A_594 = arith.select %and3A_593, %sub3A_582, %select_n3A_579 : vector<16xi1>, vector<16xi32>
        %sub3A_595 = arith.constant 1 : i32
        %sub3A_596 = vector.broadcast %sub3A_595 : i32 to vector<16xi32>
        %sub3A_597 = arith.subi %select_n3A_594, %sub3A_596 : vector<16xi32>
        %ge3A_598 = arith.constant 0 : i32
        %ge3A_599 = vector.broadcast %ge3A_598 : i32 to vector<16xi32>
        %ge3A_600 = arith.cmpi sge, %sub3A_597, %ge3A_599 : vector<16xi32>
        %max3A_601 = arith.constant 0 : i32
        %max3A_602 = vector.broadcast %max3A_601 : i32 to vector<16xi32>
        %max3A_603 = arith.maxsi %sub3A_597, %max3A_602 : vector<16xi32>
        %broadcast_in_dim3A_604 = vector.shape_cast %max3A_603 : vector<16xi32> to vector<16x1xi32>
        %gather3A_605 = vector.shape_cast %broadcast_in_dim3A_604 : vector<16x1xi32> to vector<16xi32>
        %gather3A_606 = tpu.dynamic_gather %get3A_535[%gather3A_605] in [0] : vector<16xi32>, vector<16xi32> -> vector<16xi32>
        %eq3A_607 = arith.cmpi eq, %gather3A_606, %get3A_535 : vector<16xi32>
        %and3A_608 = arith.andi %ge3A_600, %eq3A_607 : vector<16xi1>
        %select_n3A_609 = arith.select %and3A_608, %sub3A_597, %select_n3A_594 : vector<16xi1>, vector<16xi32>
        %sub3A_610 = arith.subi %iota3A, %select_n3A_609 : vector<16xi32>
        %add3A_611 = arith.constant 1 : i32
        %add3A_612 = vector.broadcast %add3A_611 : i32 to vector<16xi32>
        %add3A_613 = arith.addi %sub3A_610, %add3A_612 : vector<16xi32>
        %convert_element_type3A_614 = arith.sitofp %add3A_613 : vector<16xi32> to vector<16xf32>
        tpu.vector_store_idx %arg12[%get3A_535], %convert_element_type3A_614 masked %or3A_549 {add = true} : memref<10240xf32, #tpu.memory_space<vmem>>[vector<16xi32>], vector<16xf32>, vector<16xi1>
        %get3A_615 = arith.constant 0 : i32
        %get3A_616 = arith.index_cast %get3A_615 : i32 to index
        %get3A_617 = arith.constant 96 : index
        %get3A_618 = tpu.vector_load %arg10[%get3A_616, %get3A_617] {strides = array<i32>} : memref<1x128xi32, #tpu.memory_space<vmem>>, vector<16xi32>,
        %add3A_619 = arith.constant 1 : i32
        %add3A_620 = vector.broadcast %add3A_619 : i32 to vector<16xi32>
        %add3A_621 = arith.addi %iota3A, %add3A_620 : vector<16xi32>
        %min3A_622 = arith.constant 15 : i32
        %min3A_623 = vector.broadcast %min3A_622 : i32 to vector<16xi32>
        %min3A_624 = arith.minsi %add3A_621, %min3A_623 : vector<16xi32>
        %broadcast_in_dim3A_625 = vector.shape_cast %min3A_624 : vector<16xi32> to vector<16x1xi32>
        %gather3A_626 = vector.shape_cast %broadcast_in_dim3A_625 : vector<16x1xi32> to vector<16xi32>
        %gather3A_627 = tpu.dynamic_gather %get3A_618[%gather3A_626] in [0] : vector<16xi32>, vector<16xi32> -> vector<16xi32>
        %eq3A_628 = arith.constant 15 : i32
        %eq3A_629 = vector.broadcast %eq3A_628 : i32 to vector<16xi32>
        %eq3A_630 = arith.cmpi eq, %iota3A, %eq3A_629 : vector<16xi32>
        %ne3A_631 = arith.cmpi ne, %get3A_618, %gather3A_627 : vector<16xi32>
        %or3A_632 = arith.ori %eq3A_630, %ne3A_631 : vector<16xi1>
        %sub3A_633 = arith.constant 8 : i32
        %sub3A_634 = vector.broadcast %sub3A_633 : i32 to vector<16xi32>
        %sub3A_635 = arith.subi %iota3A, %sub3A_634 : vector<16xi32>
        %ge3A_636 = arith.constant 0 : i32
        %ge3A_637 = vector.broadcast %ge3A_636 : i32 to vector<16xi32>
        %ge3A_638 = arith.cmpi sge, %sub3A_635, %ge3A_637 : vector<16xi32>
        %max3A_639 = arith.constant 0 : i32
        %max3A_640 = vector.broadcast %max3A_639 : i32 to vector<16xi32>
        %max3A_641 = arith.maxsi %sub3A_635, %max3A_640 : vector<16xi32>
        %broadcast_in_dim3A_642 = vector.shape_cast %max3A_641 : vector<16xi32> to vector<16x1xi32>
        %gather3A_643 = vector.shape_cast %broadcast_in_dim3A_642 : vector<16x1xi32> to vector<16xi32>
        %gather3A_644 = tpu.dynamic_gather %get3A_618[%gather3A_643] in [0] : vector<16xi32>, vector<16xi32> -> vector<16xi32>
        %eq3A_645 = arith.cmpi eq, %gather3A_644, %get3A_618 : vector<16xi32>
        %and3A_646 = arith.andi %ge3A_638, %eq3A_645 : vector<16xi1>
        %select_n3A_647 = arith.select %and3A_646, %sub3A_635, %iota3A : vector<16xi1>, vector<16xi32>
        %sub3A_648 = arith.constant 4 : i32
        %sub3A_649 = vector.broadcast %sub3A_648 : i32 to vector<16xi32>
        %sub3A_650 = arith.subi %select_n3A_647, %sub3A_649 : vector<16xi32>
        %ge3A_651 = arith.constant 0 : i32
        %ge3A_652 = vector.broadcast %ge3A_651 : i32 to vector<16xi32>
        %ge3A_653 = arith.cmpi sge, %sub3A_650, %ge3A_652 : vector<16xi32>
        %max3A_654 = arith.constant 0 : i32
        %max3A_655 = vector.broadcast %max3A_654 : i32 to vector<16xi32>
        %max3A_656 = arith.maxsi %sub3A_650, %max3A_655 : vector<16xi32>
        %broadcast_in_dim3A_657 = vector.shape_cast %max3A_656 : vector<16xi32> to vector<16x1xi32>
        %gather3A_658 = vector.shape_cast %broadcast_in_dim3A_657 : vector<16x1xi32> to vector<16xi32>
        %gather3A_659 = tpu.dynamic_gather %get3A_618[%gather3A_658] in [0] : vector<16xi32>, vector<16xi32> -> vector<16xi32>
        %eq3A_660 = arith.cmpi eq, %gather3A_659, %get3A_618 : vector<16xi32>
        %and3A_661 = arith.andi %ge3A_653, %eq3A_660 : vector<16xi1>
        %select_n3A_662 = arith.select %and3A_661, %sub3A_650, %select_n3A_647 : vector<16xi1>, vector<16xi32>
        %sub3A_663 = arith.constant 2 : i32
        %sub3A_664 = vector.broadcast %sub3A_663 : i32 to vector<16xi32>
        %sub3A_665 = arith.subi %select_n3A_662, %sub3A_664 : vector<16xi32>
        %ge3A_666 = arith.constant 0 : i32
        %ge3A_667 = vector.broadcast %ge3A_666 : i32 to vector<16xi32>
        %ge3A_668 = arith.cmpi sge, %sub3A_665, %ge3A_667 : vector<16xi32>
        %max3A_669 = arith.constant 0 : i32
        %max3A_670 = vector.broadcast %max3A_669 : i32 to vector<16xi32>
        %max3A_671 = arith.maxsi %sub3A_665, %max3A_670 : vector<16xi32>
        %broadcast_in_dim3A_672 = vector.shape_cast %max3A_671 : vector<16xi32> to vector<16x1xi32>
        %gather3A_673 = vector.shape_cast %broadcast_in_dim3A_672 : vector<16x1xi32> to vector<16xi32>
        %gather3A_674 = tpu.dynamic_gather %get3A_618[%gather3A_673] in [0] : vector<16xi32>, vector<16xi32> -> vector<16xi32>
        %eq3A_675 = arith.cmpi eq, %gather3A_674, %get3A_618 : vector<16xi32>
        %and3A_676 = arith.andi %ge3A_668, %eq3A_675 : vector<16xi1>
        %select_n3A_677 = arith.select %and3A_676, %sub3A_665, %select_n3A_662 : vector<16xi1>, vector<16xi32>
        %sub3A_678 = arith.constant 1 : i32
        %sub3A_679 = vector.broadcast %sub3A_678 : i32 to vector<16xi32>
        %sub3A_680 = arith.subi %select_n3A_677, %sub3A_679 : vector<16xi32>
        %ge3A_681 = arith.constant 0 : i32
        %ge3A_682 = vector.broadcast %ge3A_681 : i32 to vector<16xi32>
        %ge3A_683 = arith.cmpi sge, %sub3A_680, %ge3A_682 : vector<16xi32>
        %max3A_684 = arith.constant 0 : i32
        %max3A_685 = vector.broadcast %max3A_684 : i32 to vector<16xi32>
        %max3A_686 = arith.maxsi %sub3A_680, %max3A_685 : vector<16xi32>
        %broadcast_in_dim3A_687 = vector.shape_cast %max3A_686 : vector<16xi32> to vector<16x1xi32>
        %gather3A_688 = vector.shape_cast %broadcast_in_dim3A_687 : vector<16x1xi32> to vector<16xi32>
        %gather3A_689 = tpu.dynamic_gather %get3A_618[%gather3A_688] in [0] : vector<16xi32>, vector<16xi32> -> vector<16xi32>
        %eq3A_690 = arith.cmpi eq, %gather3A_689, %get3A_618 : vector<16xi32>
        %and3A_691 = arith.andi %ge3A_683, %eq3A_690 : vector<16xi1>
        %select_n3A_692 = arith.select %and3A_691, %sub3A_680, %select_n3A_677 : vector<16xi1>, vector<16xi32>
        %sub3A_693 = arith.subi %iota3A, %select_n3A_692 : vector<16xi32>
        %add3A_694 = arith.constant 1 : i32
        %add3A_695 = vector.broadcast %add3A_694 : i32 to vector<16xi32>
        %add3A_696 = arith.addi %sub3A_693, %add3A_695 : vector<16xi32>
        %convert_element_type3A_697 = arith.sitofp %add3A_696 : vector<16xi32> to vector<16xf32>
        tpu.vector_store_idx %arg12[%get3A_618], %convert_element_type3A_697 masked %or3A_632 {add = true} : memref<10240xf32, #tpu.memory_space<vmem>>[vector<16xi32>], vector<16xf32>, vector<16xi1>
        %get3A_698 = arith.constant 0 : i32
        %get3A_699 = arith.index_cast %get3A_698 : i32 to index
        %get3A_700 = arith.constant 112 : index
        %get3A_701 = tpu.vector_load %arg10[%get3A_699, %get3A_700] {strides = array<i32>} : memref<1x128xi32, #tpu.memory_space<vmem>>, vector<16xi32>,
        %add3A_702 = arith.constant 1 : i32
        %add3A_703 = vector.broadcast %add3A_702 : i32 to vector<16xi32>
        %add3A_704 = arith.addi %iota3A, %add3A_703 : vector<16xi32>
        %min3A_705 = arith.constant 15 : i32
        %min3A_706 = vector.broadcast %min3A_705 : i32 to vector<16xi32>
        %min3A_707 = arith.minsi %add3A_704, %min3A_706 : vector<16xi32>
        %broadcast_in_dim3A_708 = vector.shape_cast %min3A_707 : vector<16xi32> to vector<16x1xi32>
        %gather3A_709 = vector.shape_cast %broadcast_in_dim3A_708 : vector<16x1xi32> to vector<16xi32>
        %gather3A_710 = tpu.dynamic_gather %get3A_701[%gather3A_709] in [0] : vector<16xi32>, vector<16xi32> -> vector<16xi32>
        %eq3A_711 = arith.constant 15 : i32
        %eq3A_712 = vector.broadcast %eq3A_711 : i32 to vector<16xi32>
        %eq3A_713 = arith.cmpi eq, %iota3A, %eq3A_712 : vector<16xi32>
        %ne3A_714 = arith.cmpi ne, %get3A_701, %gather3A_710 : vector<16xi32>
        %or3A_715 = arith.ori %eq3A_713, %ne3A_714 : vector<16xi1>
        %sub3A_716 = arith.constant 8 : i32
        %sub3A_717 = vector.broadcast %sub3A_716 : i32 to vector<16xi32>
        %sub3A_718 = arith.subi %iota3A, %sub3A_717 : vector<16xi32>
        %ge3A_719 = arith.constant 0 : i32
        %ge3A_720 = vector.broadcast %ge3A_719 : i32 to vector<16xi32>
        %ge3A_721 = arith.cmpi sge, %sub3A_718, %ge3A_720 : vector<16xi32>
        %max3A_722 = arith.constant 0 : i32
        %max3A_723 = vector.broadcast %max3A_722 : i32 to vector<16xi32>
        %max3A_724 = arith.maxsi %sub3A_718, %max3A_723 : vector<16xi32>
        %broadcast_in_dim3A_725 = vector.shape_cast %max3A_724 : vector<16xi32> to vector<16x1xi32>
        %gather3A_726 = vector.shape_cast %broadcast_in_dim3A_725 : vector<16x1xi32> to vector<16xi32>
        %gather3A_727 = tpu.dynamic_gather %get3A_701[%gather3A_726] in [0] : vector<16xi32>, vector<16xi32> -> vector<16xi32>
        %eq3A_728 = arith.cmpi eq, %gather3A_727, %get3A_701 : vector<16xi32>
        %and3A_729 = arith.andi %ge3A_721, %eq3A_728 : vector<16xi1>
        %select_n3A_730 = arith.select %and3A_729, %sub3A_718, %iota3A : vector<16xi1>, vector<16xi32>
        %sub3A_731 = arith.constant 4 : i32
        %sub3A_732 = vector.broadcast %sub3A_731 : i32 to vector<16xi32>
        %sub3A_733 = arith.subi %select_n3A_730, %sub3A_732 : vector<16xi32>
        %ge3A_734 = arith.constant 0 : i32
        %ge3A_735 = vector.broadcast %ge3A_734 : i32 to vector<16xi32>
        %ge3A_736 = arith.cmpi sge, %sub3A_733, %ge3A_735 : vector<16xi32>
        %max3A_737 = arith.constant 0 : i32
        %max3A_738 = vector.broadcast %max3A_737 : i32 to vector<16xi32>
        %max3A_739 = arith.maxsi %sub3A_733, %max3A_738 : vector<16xi32>
        %broadcast_in_dim3A_740 = vector.shape_cast %max3A_739 : vector<16xi32> to vector<16x1xi32>
        %gather3A_741 = vector.shape_cast %broadcast_in_dim3A_740 : vector<16x1xi32> to vector<16xi32>
        %gather3A_742 = tpu.dynamic_gather %get3A_701[%gather3A_741] in [0] : vector<16xi32>, vector<16xi32> -> vector<16xi32>
        %eq3A_743 = arith.cmpi eq, %gather3A_742, %get3A_701 : vector<16xi32>
        %and3A_744 = arith.andi %ge3A_736, %eq3A_743 : vector<16xi1>
        %select_n3A_745 = arith.select %and3A_744, %sub3A_733, %select_n3A_730 : vector<16xi1>, vector<16xi32>
        %sub3A_746 = arith.constant 2 : i32
        %sub3A_747 = vector.broadcast %sub3A_746 : i32 to vector<16xi32>
        %sub3A_748 = arith.subi %select_n3A_745, %sub3A_747 : vector<16xi32>
        %ge3A_749 = arith.constant 0 : i32
        %ge3A_750 = vector.broadcast %ge3A_749 : i32 to vector<16xi32>
        %ge3A_751 = arith.cmpi sge, %sub3A_748, %ge3A_750 : vector<16xi32>
        %max3A_752 = arith.constant 0 : i32
        %max3A_753 = vector.broadcast %max3A_752 : i32 to vector<16xi32>
        %max3A_754 = arith.maxsi %sub3A_748, %max3A_753 : vector<16xi32>
        %broadcast_in_dim3A_755 = vector.shape_cast %max3A_754 : vector<16xi32> to vector<16x1xi32>
        %gather3A_756 = vector.shape_cast %broadcast_in_dim3A_755 : vector<16x1xi32> to vector<16xi32>
        %gather3A_757 = tpu.dynamic_gather %get3A_701[%gather3A_756] in [0] : vector<16xi32>, vector<16xi32> -> vector<16xi32>
        %eq3A_758 = arith.cmpi eq, %gather3A_757, %get3A_701 : vector<16xi32>
        %and3A_759 = arith.andi %ge3A_751, %eq3A_758 : vector<16xi1>
        %select_n3A_760 = arith.select %and3A_759, %sub3A_748, %select_n3A_745 : vector<16xi1>, vector<16xi32>
        %sub3A_761 = arith.constant 1 : i32
        %sub3A_762 = vector.broadcast %sub3A_761 : i32 to vector<16xi32>
        %sub3A_763 = arith.subi %select_n3A_760, %sub3A_762 : vector<16xi32>
        %ge3A_764 = arith.constant 0 : i32
        %ge3A_765 = vector.broadcast %ge3A_764 : i32 to vector<16xi32>
        %ge3A_766 = arith.cmpi sge, %sub3A_763, %ge3A_765 : vector<16xi32>
        %max3A_767 = arith.constant 0 : i32
        %max3A_768 = vector.broadcast %max3A_767 : i32 to vector<16xi32>
        %max3A_769 = arith.maxsi %sub3A_763, %max3A_768 : vector<16xi32>
        %broadcast_in_dim3A_770 = vector.shape_cast %max3A_769 : vector<16xi32> to vector<16x1xi32>
        %gather3A_771 = vector.shape_cast %broadcast_in_dim3A_770 : vector<16x1xi32> to vector<16xi32>
        %gather3A_772 = tpu.dynamic_gather %get3A_701[%gather3A_771] in [0] : vector<16xi32>, vector<16xi32> -> vector<16xi32>
        %eq3A_773 = arith.cmpi eq, %gather3A_772, %get3A_701 : vector<16xi32>
        %and3A_774 = arith.andi %ge3A_766, %eq3A_773 : vector<16xi1>
        %select_n3A_775 = arith.select %and3A_774, %sub3A_763, %select_n3A_760 : vector<16xi1>, vector<16xi32>
        %sub3A_776 = arith.subi %iota3A, %select_n3A_775 : vector<16xi32>
        %add3A_777 = arith.constant 1 : i32
        %add3A_778 = vector.broadcast %add3A_777 : i32 to vector<16xi32>
        %add3A_779 = arith.addi %sub3A_776, %add3A_778 : vector<16xi32>
        %convert_element_type3A_780 = arith.sitofp %add3A_779 : vector<16xi32> to vector<16xf32>
        tpu.vector_store_idx %arg12[%get3A_701], %convert_element_type3A_780 masked %or3A_715 {add = true} : memref<10240xf32, #tpu.memory_space<vmem>>[vector<16xi32>], vector<16xf32>, vector<16xi1>
        %dma_wait3A_781 = arith.constant 0 : i32
        %dma_wait3A_782 = arith.constant 0 : i32
        %dma_wait3A_783 = tpu.memref_slice %arg10[%dma_wait3A_781, %dma_wait3A_782] : memref<1x128xi32, #tpu.memory_space<vmem>> -> memref<1x128xi32, #tpu.memory_space<vmem>>
        %dma_wait3A_784 = tpu.memref_squeeze %dma_wait3A_783 : memref<1x128xi32, #tpu.memory_space<vmem>> -> memref<128xi32, #tpu.memory_space<vmem>>
        %dma_wait3A_785 = arith.constant 0 : i32
        %dma_wait3A_786 = arith.constant 0 : i32
        %dma_wait3A_787 = tpu.memref_slice %arg13[%dma_wait3A_785, %dma_wait3A_786] : memref<10000x128xf32, #tpu.memory_space<vmem_shared>> -> memref<10000x128xf32, #tpu.memory_space<vmem_shared>>
        tpu.wait_indirect_dma semaphore(%arg16 : memref<!tpu.dma_semaphore, #tpu.memory_space<semaphore_mem>>) src(%arg8 : memref<128x128xf32, #tpu.memory_space<vmem>>) dst(%dma_wait3A_787 : memref<10000x128xf32, #tpu.memory_space<vmem_shared>>)
      } else {
      }
      %add3A_83 = arith.constant 2 : i32
      %add3A_84 = arith.addi %add3A_78, %add3A_83 : i32
      %lt3A_85 = arith.cmpi slt, %add3A_84, %select_n3A : i32
      %convert_element_type3A_86 = arith.extui %lt3A_85 : i1 to i32
      %cond3A_87 = arith.constant 0 : i32
      %cond3A_88 = arith.cmpi ne, %convert_element_type3A_86, %cond3A_87 : i32
      scf.if %cond3A_88 {
        %add3A_103 = arith.constant 2 : i32
        %add3A_104 = arith.addi %add3A_78, %add3A_103 : i32
        %mul3A_105 = arith.constant 32 : i32
        %mul3A_106 = arith.muli %mul3A_105, %add3A_104 : i32
        %add3A_107 = arith.addi %add3A, %mul3A_106 : i32
        %mul3A_108 = arith.constant 128 : i32
        %mul3A_109 = arith.muli %add3A_107, %mul3A_108 : i32
        %dma_start3A_110 = arith.constant 0 : i32
        %dma_start3A_111 = tpu.memref_slice %arg2[%mul3A_109, %dma_start3A_110] : memref<320000x128xf32, #tpu.memory_space<hbm>> -> memref<128x128xf32, #tpu.memory_space<hbm>>
        %dma_start3A_112 = arith.constant 0 : i32
        %dma_start3A_113 = tpu.memref_slice %arg2[%mul3A_109, %dma_start3A_112] : memref<320000x128xf32, #tpu.memory_space<hbm>> -> memref<128x128xf32, #tpu.memory_space<hbm>>
        tpu.enqueue_dma source(%dma_start3A_113 : memref<128x128xf32, #tpu.memory_space<hbm>>) target(%arg8 : memref<128x128xf32, #tpu.memory_space<vmem>>) target_semaphore(%arg14 : memref<!tpu.dma_semaphore, #tpu.memory_space<semaphore_mem>>)
        %dma_start3A_114 = arith.constant 0 : i32
        %dma_start3A_115 = arith.constant 0 : i32
        %dma_start3A_116 = tpu.memref_slice %arg10[%dma_start3A_114, %dma_start3A_115] : memref<1x128xi32, #tpu.memory_space<vmem>> -> memref<1x128xi32, #tpu.memory_space<vmem>>
        %dma_start3A_117 = tpu.memref_squeeze %dma_start3A_116 : memref<1x128xi32, #tpu.memory_space<vmem>> -> memref<128xi32, #tpu.memory_space<vmem>>
        %dma_start3A_118 = tpu.memref_slice %arg3[%mul3A_109] : memref<320000xi32, #tpu.memory_space<hbm>> -> memref<128xi32, #tpu.memory_space<hbm>>
        %dma_start3A_119 = arith.constant 0 : i32
        %dma_start3A_120 = tpu.memref_slice %arg10[%dma_start3A_114, %dma_start3A_119] : memref<1x128xi32, #tpu.memory_space<vmem>> -> memref<1x128xi32, #tpu.memory_space<vmem>>
        %dma_start3A_121 = tpu.memref_squeeze %dma_start3A_120 : memref<1x128xi32, #tpu.memory_space<vmem>> -> memref<128xi32, #tpu.memory_space<vmem>>
        %dma_start3A_122 = tpu.memref_slice %arg3[%mul3A_109] : memref<320000xi32, #tpu.memory_space<hbm>> -> memref<128xi32, #tpu.memory_space<hbm>>
        tpu.enqueue_dma source(%dma_start3A_122 : memref<128xi32, #tpu.memory_space<hbm>>) target(%dma_start3A_121 : memref<128xi32, #tpu.memory_space<vmem>>) target_semaphore(%arg14 : memref<!tpu.dma_semaphore, #tpu.memory_space<semaphore_mem>>)
      } else {
      }
      %mul3A_89 = arith.constant 2 : i32
      %mul3A_90 = arith.muli %mul3A_89, %add3A_74 : i32
      %add3A_91 = arith.constant 1 : i32
      %add3A_92 = arith.addi %mul3A_90, %add3A_91 : i32
      %lt3A_93 = arith.cmpi slt, %add3A_92, %select_n3A : i32
      %convert_element_type3A_94 = arith.extui %lt3A_93 : i1 to i32
      %cond3A_95 = arith.constant 0 : i32
      %cond3A_96 = arith.cmpi ne, %convert_element_type3A_94, %cond3A_95 : i32
      scf.if %cond3A_96 {
        %mul3A_103 = arith.constant 32 : i32
        %mul3A_104 = arith.muli %mul3A_103, %add3A_92 : i32
        %add3A_105 = arith.addi %add3A, %mul3A_104 : i32
        %mul3A_106 = arith.constant 128 : i32
        %mul3A_107 = arith.muli %add3A_105, %mul3A_106 : i32
        %dma_wait3A = arith.constant 0 : i32
        %dma_wait3A_108 = tpu.memref_slice %arg2[%mul3A_107, %dma_wait3A] : memref<320000x128xf32, #tpu.memory_space<hbm>> -> memref<128x128xf32, #tpu.memory_space<hbm>>
        %dma_wait3A_109 = arith.constant 0 : i32
        %dma_wait3A_110 = tpu.memref_slice %arg2[%mul3A_107, %dma_wait3A_109] : memref<320000x128xf32, #tpu.memory_space<hbm>> -> memref<128x128xf32, #tpu.memory_space<hbm>>
        tpu.wait_dma2 semaphore(%arg15 : memref<!tpu.dma_semaphore, #tpu.memory_space<semaphore_mem>>) src(%dma_wait3A_110 : memref<128x128xf32, #tpu.memory_space<hbm>>) dst(%arg9 : memref<128x128xf32, #tpu.memory_space<vmem>>)
        %dma_wait3A_111 = arith.constant 0 : i32
        %dma_wait3A_112 = arith.constant 0 : i32
        %dma_wait3A_113 = tpu.memref_slice %arg11[%dma_wait3A_111, %dma_wait3A_112] : memref<1x128xi32, #tpu.memory_space<vmem>> -> memref<1x128xi32, #tpu.memory_space<vmem>>
        %dma_wait3A_114 = tpu.memref_squeeze %dma_wait3A_113 : memref<1x128xi32, #tpu.memory_space<vmem>> -> memref<128xi32, #tpu.memory_space<vmem>>
        %dma_wait3A_115 = tpu.memref_slice %arg3[%mul3A_107] : memref<320000xi32, #tpu.memory_space<hbm>> -> memref<128xi32, #tpu.memory_space<hbm>>
        %dma_wait3A_116 = arith.constant 0 : i32
        %dma_wait3A_117 = tpu.memref_slice %arg11[%dma_wait3A_111, %dma_wait3A_116] : memref<1x128xi32, #tpu.memory_space<vmem>> -> memref<1x128xi32, #tpu.memory_space<vmem>>
        %dma_wait3A_118 = tpu.memref_squeeze %dma_wait3A_117 : memref<1x128xi32, #tpu.memory_space<vmem>> -> memref<128xi32, #tpu.memory_space<vmem>>
        %dma_wait3A_119 = tpu.memref_slice %arg3[%mul3A_107] : memref<320000xi32, #tpu.memory_space<hbm>> -> memref<128xi32, #tpu.memory_space<hbm>>
        tpu.wait_dma2 semaphore(%arg15 : memref<!tpu.dma_semaphore, #tpu.memory_space<semaphore_mem>>) src(%dma_wait3A_119 : memref<128xi32, #tpu.memory_space<hbm>>) dst(%dma_wait3A_118 : memref<128xi32, #tpu.memory_space<vmem>>)
        %dma_start3A_120 = arith.constant 0 : i32
        %dma_start3A_121 = arith.constant 0 : i32
        %dma_start3A_122 = tpu.memref_slice %arg11[%dma_start3A_120, %dma_start3A_121] : memref<1x128xi32, #tpu.memory_space<vmem>> -> memref<1x128xi32, #tpu.memory_space<vmem>>
        %dma_start3A_123 = tpu.memref_squeeze %dma_start3A_122 : memref<1x128xi32, #tpu.memory_space<vmem>> -> memref<128xi32, #tpu.memory_space<vmem>>
        %dma_start3A_124 = arith.constant 0 : i32
        %dma_start3A_125 = arith.constant 0 : i32
        %dma_start3A_126 = tpu.memref_slice %arg13[%dma_start3A_124, %dma_start3A_125] : memref<10000x128xf32, #tpu.memory_space<vmem_shared>> -> memref<10000x128xf32, #tpu.memory_space<vmem_shared>>
        tpu.enqueue_indirect_dma source(%arg9 : memref<128x128xf32, #tpu.memory_space<vmem>>) target(%dma_start3A_126 : memref<10000x128xf32, #tpu.memory_space<vmem_shared>>) offsets(%dma_start3A_123 : memref<128xi32, #tpu.memory_space<vmem>>) semaphore(%arg16 : memref<!tpu.dma_semaphore, #tpu.memory_space<semaphore_mem>>) {add = true}
        %get3A = arith.constant 0 : i32
        %get3A_127 = arith.index_cast %get3A : i32 to index
        %get3A_128 = arith.constant 0 : index
        %get3A_129 = tpu.vector_load %arg11[%get3A_127, %get3A_128] {strides = array<i32>} : memref<1x128xi32, #tpu.memory_space<vmem>>, vector<16xi32>,
        %add3A_130 = arith.constant 1 : i32
        %add3A_131 = vector.broadcast %add3A_130 : i32 to vector<16xi32>
        %add3A_132 = arith.addi %iota3A, %add3A_131 : vector<16xi32>
        %min3A = arith.constant 15 : i32
        %min3A_133 = vector.broadcast %min3A : i32 to vector<16xi32>
        %min3A_134 = arith.minsi %add3A_132, %min3A_133 : vector<16xi32>
        %broadcast_in_dim3A = vector.shape_cast %min3A_134 : vector<16xi32> to vector<16x1xi32>
        %gather3A = vector.shape_cast %broadcast_in_dim3A : vector<16x1xi32> to vector<16xi32>
        %gather3A_135 = tpu.dynamic_gather %get3A_129[%gather3A] in [0] : vector<16xi32>, vector<16xi32> -> vector<16xi32>
        %eq3A_136 = arith.constant 15 : i32
        %eq3A_137 = vector.broadcast %eq3A_136 : i32 to vector<16xi32>
        %eq3A_138 = arith.cmpi eq, %iota3A, %eq3A_137 : vector<16xi32>
        %ne3A = arith.cmpi ne, %get3A_129, %gather3A_135 : vector<16xi32>
        %or3A = arith.ori %eq3A_138, %ne3A : vector<16xi1>
        %sub3A = arith.constant 8 : i32
        %sub3A_139 = vector.broadcast %sub3A : i32 to vector<16xi32>
        %sub3A_140 = arith.subi %iota3A, %sub3A_139 : vector<16xi32>
        %ge3A = arith.constant 0 : i32
        %ge3A_141 = vector.broadcast %ge3A : i32 to vector<16xi32>
        %ge3A_142 = arith.cmpi sge, %sub3A_140, %ge3A_141 : vector<16xi32>
        %max3A = arith.constant 0 : i32
        %max3A_143 = vector.broadcast %max3A : i32 to vector<16xi32>
        %max3A_144 = arith.maxsi %sub3A_140, %max3A_143 : vector<16xi32>
        %broadcast_in_dim3A_145 = vector.shape_cast %max3A_144 : vector<16xi32> to vector<16x1xi32>
        %gather3A_146 = vector.shape_cast %broadcast_in_dim3A_145 : vector<16x1xi32> to vector<16xi32>
        %gather3A_147 = tpu.dynamic_gather %get3A_129[%gather3A_146] in [0] : vector<16xi32>, vector<16xi32> -> vector<16xi32>
        %eq3A_148 = arith.cmpi eq, %gather3A_147, %get3A_129 : vector<16xi32>
        %and3A = arith.andi %ge3A_142, %eq3A_148 : vector<16xi1>
        %select_n3A_149 = arith.select %and3A, %sub3A_140, %iota3A : vector<16xi1>, vector<16xi32>
        %sub3A_150 = arith.constant 4 : i32
        %sub3A_151 = vector.broadcast %sub3A_150 : i32 to vector<16xi32>
        %sub3A_152 = arith.subi %select_n3A_149, %sub3A_151 : vector<16xi32>
        %ge3A_153 = arith.constant 0 : i32
        %ge3A_154 = vector.broadcast %ge3A_153 : i32 to vector<16xi32>
        %ge3A_155 = arith.cmpi sge, %sub3A_152, %ge3A_154 : vector<16xi32>
        %max3A_156 = arith.constant 0 : i32
        %max3A_157 = vector.broadcast %max3A_156 : i32 to vector<16xi32>
        %max3A_158 = arith.maxsi %sub3A_152, %max3A_157 : vector<16xi32>
        %broadcast_in_dim3A_159 = vector.shape_cast %max3A_158 : vector<16xi32> to vector<16x1xi32>
        %gather3A_160 = vector.shape_cast %broadcast_in_dim3A_159 : vector<16x1xi32> to vector<16xi32>
        %gather3A_161 = tpu.dynamic_gather %get3A_129[%gather3A_160] in [0] : vector<16xi32>, vector<16xi32> -> vector<16xi32>
        %eq3A_162 = arith.cmpi eq, %gather3A_161, %get3A_129 : vector<16xi32>
        %and3A_163 = arith.andi %ge3A_155, %eq3A_162 : vector<16xi1>
        %select_n3A_164 = arith.select %and3A_163, %sub3A_152, %select_n3A_149 : vector<16xi1>, vector<16xi32>
        %sub3A_165 = arith.constant 2 : i32
        %sub3A_166 = vector.broadcast %sub3A_165 : i32 to vector<16xi32>
        %sub3A_167 = arith.subi %select_n3A_164, %sub3A_166 : vector<16xi32>
        %ge3A_168 = arith.constant 0 : i32
        %ge3A_169 = vector.broadcast %ge3A_168 : i32 to vector<16xi32>
        %ge3A_170 = arith.cmpi sge, %sub3A_167, %ge3A_169 : vector<16xi32>
        %max3A_171 = arith.constant 0 : i32
        %max3A_172 = vector.broadcast %max3A_171 : i32 to vector<16xi32>
        %max3A_173 = arith.maxsi %sub3A_167, %max3A_172 : vector<16xi32>
        %broadcast_in_dim3A_174 = vector.shape_cast %max3A_173 : vector<16xi32> to vector<16x1xi32>
        %gather3A_175 = vector.shape_cast %broadcast_in_dim3A_174 : vector<16x1xi32> to vector<16xi32>
        %gather3A_176 = tpu.dynamic_gather %get3A_129[%gather3A_175] in [0] : vector<16xi32>, vector<16xi32> -> vector<16xi32>
        %eq3A_177 = arith.cmpi eq, %gather3A_176, %get3A_129 : vector<16xi32>
        %and3A_178 = arith.andi %ge3A_170, %eq3A_177 : vector<16xi1>
        %select_n3A_179 = arith.select %and3A_178, %sub3A_167, %select_n3A_164 : vector<16xi1>, vector<16xi32>
        %sub3A_180 = arith.constant 1 : i32
        %sub3A_181 = vector.broadcast %sub3A_180 : i32 to vector<16xi32>
        %sub3A_182 = arith.subi %select_n3A_179, %sub3A_181 : vector<16xi32>
        %ge3A_183 = arith.constant 0 : i32
        %ge3A_184 = vector.broadcast %ge3A_183 : i32 to vector<16xi32>
        %ge3A_185 = arith.cmpi sge, %sub3A_182, %ge3A_184 : vector<16xi32>
        %max3A_186 = arith.constant 0 : i32
        %max3A_187 = vector.broadcast %max3A_186 : i32 to vector<16xi32>
        %max3A_188 = arith.maxsi %sub3A_182, %max3A_187 : vector<16xi32>
        %broadcast_in_dim3A_189 = vector.shape_cast %max3A_188 : vector<16xi32> to vector<16x1xi32>
        %gather3A_190 = vector.shape_cast %broadcast_in_dim3A_189 : vector<16x1xi32> to vector<16xi32>
        %gather3A_191 = tpu.dynamic_gather %get3A_129[%gather3A_190] in [0] : vector<16xi32>, vector<16xi32> -> vector<16xi32>
        %eq3A_192 = arith.cmpi eq, %gather3A_191, %get3A_129 : vector<16xi32>
        %and3A_193 = arith.andi %ge3A_185, %eq3A_192 : vector<16xi1>
        %select_n3A_194 = arith.select %and3A_193, %sub3A_182, %select_n3A_179 : vector<16xi1>, vector<16xi32>
        %sub3A_195 = arith.subi %iota3A, %select_n3A_194 : vector<16xi32>
        %add3A_196 = arith.constant 1 : i32
        %add3A_197 = vector.broadcast %add3A_196 : i32 to vector<16xi32>
        %add3A_198 = arith.addi %sub3A_195, %add3A_197 : vector<16xi32>
        %convert_element_type3A_199 = arith.sitofp %add3A_198 : vector<16xi32> to vector<16xf32>
        tpu.vector_store_idx %arg12[%get3A_129], %convert_element_type3A_199 masked %or3A {add = true} : memref<10240xf32, #tpu.memory_space<vmem>>[vector<16xi32>], vector<16xf32>, vector<16xi1>
        %get3A_200 = arith.constant 0 : i32
        %get3A_201 = arith.index_cast %get3A_200 : i32 to index
        %get3A_202 = arith.constant 16 : index
        %get3A_203 = tpu.vector_load %arg11[%get3A_201, %get3A_202] {strides = array<i32>} : memref<1x128xi32, #tpu.memory_space<vmem>>, vector<16xi32>,
        %add3A_204 = arith.constant 1 : i32
        %add3A_205 = vector.broadcast %add3A_204 : i32 to vector<16xi32>
        %add3A_206 = arith.addi %iota3A, %add3A_205 : vector<16xi32>
        %min3A_207 = arith.constant 15 : i32
        %min3A_208 = vector.broadcast %min3A_207 : i32 to vector<16xi32>
        %min3A_209 = arith.minsi %add3A_206, %min3A_208 : vector<16xi32>
        %broadcast_in_dim3A_210 = vector.shape_cast %min3A_209 : vector<16xi32> to vector<16x1xi32>
        %gather3A_211 = vector.shape_cast %broadcast_in_dim3A_210 : vector<16x1xi32> to vector<16xi32>
        %gather3A_212 = tpu.dynamic_gather %get3A_203[%gather3A_211] in [0] : vector<16xi32>, vector<16xi32> -> vector<16xi32>
        %eq3A_213 = arith.constant 15 : i32
        %eq3A_214 = vector.broadcast %eq3A_213 : i32 to vector<16xi32>
        %eq3A_215 = arith.cmpi eq, %iota3A, %eq3A_214 : vector<16xi32>
        %ne3A_216 = arith.cmpi ne, %get3A_203, %gather3A_212 : vector<16xi32>
        %or3A_217 = arith.ori %eq3A_215, %ne3A_216 : vector<16xi1>
        %sub3A_218 = arith.constant 8 : i32
        %sub3A_219 = vector.broadcast %sub3A_218 : i32 to vector<16xi32>
        %sub3A_220 = arith.subi %iota3A, %sub3A_219 : vector<16xi32>
        %ge3A_221 = arith.constant 0 : i32
        %ge3A_222 = vector.broadcast %ge3A_221 : i32 to vector<16xi32>
        %ge3A_223 = arith.cmpi sge, %sub3A_220, %ge3A_222 : vector<16xi32>
        %max3A_224 = arith.constant 0 : i32
        %max3A_225 = vector.broadcast %max3A_224 : i32 to vector<16xi32>
        %max3A_226 = arith.maxsi %sub3A_220, %max3A_225 : vector<16xi32>
        %broadcast_in_dim3A_227 = vector.shape_cast %max3A_226 : vector<16xi32> to vector<16x1xi32>
        %gather3A_228 = vector.shape_cast %broadcast_in_dim3A_227 : vector<16x1xi32> to vector<16xi32>
        %gather3A_229 = tpu.dynamic_gather %get3A_203[%gather3A_228] in [0] : vector<16xi32>, vector<16xi32> -> vector<16xi32>
        %eq3A_230 = arith.cmpi eq, %gather3A_229, %get3A_203 : vector<16xi32>
        %and3A_231 = arith.andi %ge3A_223, %eq3A_230 : vector<16xi1>
        %select_n3A_232 = arith.select %and3A_231, %sub3A_220, %iota3A : vector<16xi1>, vector<16xi32>
        %sub3A_233 = arith.constant 4 : i32
        %sub3A_234 = vector.broadcast %sub3A_233 : i32 to vector<16xi32>
        %sub3A_235 = arith.subi %select_n3A_232, %sub3A_234 : vector<16xi32>
        %ge3A_236 = arith.constant 0 : i32
        %ge3A_237 = vector.broadcast %ge3A_236 : i32 to vector<16xi32>
        %ge3A_238 = arith.cmpi sge, %sub3A_235, %ge3A_237 : vector<16xi32>
        %max3A_239 = arith.constant 0 : i32
        %max3A_240 = vector.broadcast %max3A_239 : i32 to vector<16xi32>
        %max3A_241 = arith.maxsi %sub3A_235, %max3A_240 : vector<16xi32>
        %broadcast_in_dim3A_242 = vector.shape_cast %max3A_241 : vector<16xi32> to vector<16x1xi32>
        %gather3A_243 = vector.shape_cast %broadcast_in_dim3A_242 : vector<16x1xi32> to vector<16xi32>
        %gather3A_244 = tpu.dynamic_gather %get3A_203[%gather3A_243] in [0] : vector<16xi32>, vector<16xi32> -> vector<16xi32>
        %eq3A_245 = arith.cmpi eq, %gather3A_244, %get3A_203 : vector<16xi32>
        %and3A_246 = arith.andi %ge3A_238, %eq3A_245 : vector<16xi1>
        %select_n3A_247 = arith.select %and3A_246, %sub3A_235, %select_n3A_232 : vector<16xi1>, vector<16xi32>
        %sub3A_248 = arith.constant 2 : i32
        %sub3A_249 = vector.broadcast %sub3A_248 : i32 to vector<16xi32>
        %sub3A_250 = arith.subi %select_n3A_247, %sub3A_249 : vector<16xi32>
        %ge3A_251 = arith.constant 0 : i32
        %ge3A_252 = vector.broadcast %ge3A_251 : i32 to vector<16xi32>
        %ge3A_253 = arith.cmpi sge, %sub3A_250, %ge3A_252 : vector<16xi32>
        %max3A_254 = arith.constant 0 : i32
        %max3A_255 = vector.broadcast %max3A_254 : i32 to vector<16xi32>
        %max3A_256 = arith.maxsi %sub3A_250, %max3A_255 : vector<16xi32>
        %broadcast_in_dim3A_257 = vector.shape_cast %max3A_256 : vector<16xi32> to vector<16x1xi32>
        %gather3A_258 = vector.shape_cast %broadcast_in_dim3A_257 : vector<16x1xi32> to vector<16xi32>
        %gather3A_259 = tpu.dynamic_gather %get3A_203[%gather3A_258] in [0] : vector<16xi32>, vector<16xi32> -> vector<16xi32>
        %eq3A_260 = arith.cmpi eq, %gather3A_259, %get3A_203 : vector<16xi32>
        %and3A_261 = arith.andi %ge3A_253, %eq3A_260 : vector<16xi1>
        %select_n3A_262 = arith.select %and3A_261, %sub3A_250, %select_n3A_247 : vector<16xi1>, vector<16xi32>
        %sub3A_263 = arith.constant 1 : i32
        %sub3A_264 = vector.broadcast %sub3A_263 : i32 to vector<16xi32>
        %sub3A_265 = arith.subi %select_n3A_262, %sub3A_264 : vector<16xi32>
        %ge3A_266 = arith.constant 0 : i32
        %ge3A_267 = vector.broadcast %ge3A_266 : i32 to vector<16xi32>
        %ge3A_268 = arith.cmpi sge, %sub3A_265, %ge3A_267 : vector<16xi32>
        %max3A_269 = arith.constant 0 : i32
        %max3A_270 = vector.broadcast %max3A_269 : i32 to vector<16xi32>
        %max3A_271 = arith.maxsi %sub3A_265, %max3A_270 : vector<16xi32>
        %broadcast_in_dim3A_272 = vector.shape_cast %max3A_271 : vector<16xi32> to vector<16x1xi32>
        %gather3A_273 = vector.shape_cast %broadcast_in_dim3A_272 : vector<16x1xi32> to vector<16xi32>
        %gather3A_274 = tpu.dynamic_gather %get3A_203[%gather3A_273] in [0] : vector<16xi32>, vector<16xi32> -> vector<16xi32>
        %eq3A_275 = arith.cmpi eq, %gather3A_274, %get3A_203 : vector<16xi32>
        %and3A_276 = arith.andi %ge3A_268, %eq3A_275 : vector<16xi1>
        %select_n3A_277 = arith.select %and3A_276, %sub3A_265, %select_n3A_262 : vector<16xi1>, vector<16xi32>
        %sub3A_278 = arith.subi %iota3A, %select_n3A_277 : vector<16xi32>
        %add3A_279 = arith.constant 1 : i32
        %add3A_280 = vector.broadcast %add3A_279 : i32 to vector<16xi32>
        %add3A_281 = arith.addi %sub3A_278, %add3A_280 : vector<16xi32>
        %convert_element_type3A_282 = arith.sitofp %add3A_281 : vector<16xi32> to vector<16xf32>
        tpu.vector_store_idx %arg12[%get3A_203], %convert_element_type3A_282 masked %or3A_217 {add = true} : memref<10240xf32, #tpu.memory_space<vmem>>[vector<16xi32>], vector<16xf32>, vector<16xi1>
        %get3A_283 = arith.constant 0 : i32
        %get3A_284 = arith.index_cast %get3A_283 : i32 to index
        %get3A_285 = arith.constant 32 : index
        %get3A_286 = tpu.vector_load %arg11[%get3A_284, %get3A_285] {strides = array<i32>} : memref<1x128xi32, #tpu.memory_space<vmem>>, vector<16xi32>,
        %add3A_287 = arith.constant 1 : i32
        %add3A_288 = vector.broadcast %add3A_287 : i32 to vector<16xi32>
        %add3A_289 = arith.addi %iota3A, %add3A_288 : vector<16xi32>
        %min3A_290 = arith.constant 15 : i32
        %min3A_291 = vector.broadcast %min3A_290 : i32 to vector<16xi32>
        %min3A_292 = arith.minsi %add3A_289, %min3A_291 : vector<16xi32>
        %broadcast_in_dim3A_293 = vector.shape_cast %min3A_292 : vector<16xi32> to vector<16x1xi32>
        %gather3A_294 = vector.shape_cast %broadcast_in_dim3A_293 : vector<16x1xi32> to vector<16xi32>
        %gather3A_295 = tpu.dynamic_gather %get3A_286[%gather3A_294] in [0] : vector<16xi32>, vector<16xi32> -> vector<16xi32>
        %eq3A_296 = arith.constant 15 : i32
        %eq3A_297 = vector.broadcast %eq3A_296 : i32 to vector<16xi32>
        %eq3A_298 = arith.cmpi eq, %iota3A, %eq3A_297 : vector<16xi32>
        %ne3A_299 = arith.cmpi ne, %get3A_286, %gather3A_295 : vector<16xi32>
        %or3A_300 = arith.ori %eq3A_298, %ne3A_299 : vector<16xi1>
        %sub3A_301 = arith.constant 8 : i32
        %sub3A_302 = vector.broadcast %sub3A_301 : i32 to vector<16xi32>
        %sub3A_303 = arith.subi %iota3A, %sub3A_302 : vector<16xi32>
        %ge3A_304 = arith.constant 0 : i32
        %ge3A_305 = vector.broadcast %ge3A_304 : i32 to vector<16xi32>
        %ge3A_306 = arith.cmpi sge, %sub3A_303, %ge3A_305 : vector<16xi32>
        %max3A_307 = arith.constant 0 : i32
        %max3A_308 = vector.broadcast %max3A_307 : i32 to vector<16xi32>
        %max3A_309 = arith.maxsi %sub3A_303, %max3A_308 : vector<16xi32>
        %broadcast_in_dim3A_310 = vector.shape_cast %max3A_309 : vector<16xi32> to vector<16x1xi32>
        %gather3A_311 = vector.shape_cast %broadcast_in_dim3A_310 : vector<16x1xi32> to vector<16xi32>
        %gather3A_312 = tpu.dynamic_gather %get3A_286[%gather3A_311] in [0] : vector<16xi32>, vector<16xi32> -> vector<16xi32>
        %eq3A_313 = arith.cmpi eq, %gather3A_312, %get3A_286 : vector<16xi32>
        %and3A_314 = arith.andi %ge3A_306, %eq3A_313 : vector<16xi1>
        %select_n3A_315 = arith.select %and3A_314, %sub3A_303, %iota3A : vector<16xi1>, vector<16xi32>
        %sub3A_316 = arith.constant 4 : i32
        %sub3A_317 = vector.broadcast %sub3A_316 : i32 to vector<16xi32>
        %sub3A_318 = arith.subi %select_n3A_315, %sub3A_317 : vector<16xi32>
        %ge3A_319 = arith.constant 0 : i32
        %ge3A_320 = vector.broadcast %ge3A_319 : i32 to vector<16xi32>
        %ge3A_321 = arith.cmpi sge, %sub3A_318, %ge3A_320 : vector<16xi32>
        %max3A_322 = arith.constant 0 : i32
        %max3A_323 = vector.broadcast %max3A_322 : i32 to vector<16xi32>
        %max3A_324 = arith.maxsi %sub3A_318, %max3A_323 : vector<16xi32>
        %broadcast_in_dim3A_325 = vector.shape_cast %max3A_324 : vector<16xi32> to vector<16x1xi32>
        %gather3A_326 = vector.shape_cast %broadcast_in_dim3A_325 : vector<16x1xi32> to vector<16xi32>
        %gather3A_327 = tpu.dynamic_gather %get3A_286[%gather3A_326] in [0] : vector<16xi32>, vector<16xi32> -> vector<16xi32>
        %eq3A_328 = arith.cmpi eq, %gather3A_327, %get3A_286 : vector<16xi32>
        %and3A_329 = arith.andi %ge3A_321, %eq3A_328 : vector<16xi1>
        %select_n3A_330 = arith.select %and3A_329, %sub3A_318, %select_n3A_315 : vector<16xi1>, vector<16xi32>
        %sub3A_331 = arith.constant 2 : i32
        %sub3A_332 = vector.broadcast %sub3A_331 : i32 to vector<16xi32>
        %sub3A_333 = arith.subi %select_n3A_330, %sub3A_332 : vector<16xi32>
        %ge3A_334 = arith.constant 0 : i32
        %ge3A_335 = vector.broadcast %ge3A_334 : i32 to vector<16xi32>
        %ge3A_336 = arith.cmpi sge, %sub3A_333, %ge3A_335 : vector<16xi32>
        %max3A_337 = arith.constant 0 : i32
        %max3A_338 = vector.broadcast %max3A_337 : i32 to vector<16xi32>
        %max3A_339 = arith.maxsi %sub3A_333, %max3A_338 : vector<16xi32>
        %broadcast_in_dim3A_340 = vector.shape_cast %max3A_339 : vector<16xi32> to vector<16x1xi32>
        %gather3A_341 = vector.shape_cast %broadcast_in_dim3A_340 : vector<16x1xi32> to vector<16xi32>
        %gather3A_342 = tpu.dynamic_gather %get3A_286[%gather3A_341] in [0] : vector<16xi32>, vector<16xi32> -> vector<16xi32>
        %eq3A_343 = arith.cmpi eq, %gather3A_342, %get3A_286 : vector<16xi32>
        %and3A_344 = arith.andi %ge3A_336, %eq3A_343 : vector<16xi1>
        %select_n3A_345 = arith.select %and3A_344, %sub3A_333, %select_n3A_330 : vector<16xi1>, vector<16xi32>
        %sub3A_346 = arith.constant 1 : i32
        %sub3A_347 = vector.broadcast %sub3A_346 : i32 to vector<16xi32>
        %sub3A_348 = arith.subi %select_n3A_345, %sub3A_347 : vector<16xi32>
        %ge3A_349 = arith.constant 0 : i32
        %ge3A_350 = vector.broadcast %ge3A_349 : i32 to vector<16xi32>
        %ge3A_351 = arith.cmpi sge, %sub3A_348, %ge3A_350 : vector<16xi32>
        %max3A_352 = arith.constant 0 : i32
        %max3A_353 = vector.broadcast %max3A_352 : i32 to vector<16xi32>
        %max3A_354 = arith.maxsi %sub3A_348, %max3A_353 : vector<16xi32>
        %broadcast_in_dim3A_355 = vector.shape_cast %max3A_354 : vector<16xi32> to vector<16x1xi32>
        %gather3A_356 = vector.shape_cast %broadcast_in_dim3A_355 : vector<16x1xi32> to vector<16xi32>
        %gather3A_357 = tpu.dynamic_gather %get3A_286[%gather3A_356] in [0] : vector<16xi32>, vector<16xi32> -> vector<16xi32>
        %eq3A_358 = arith.cmpi eq, %gather3A_357, %get3A_286 : vector<16xi32>
        %and3A_359 = arith.andi %ge3A_351, %eq3A_358 : vector<16xi1>
        %select_n3A_360 = arith.select %and3A_359, %sub3A_348, %select_n3A_345 : vector<16xi1>, vector<16xi32>
        %sub3A_361 = arith.subi %iota3A, %select_n3A_360 : vector<16xi32>
        %add3A_362 = arith.constant 1 : i32
        %add3A_363 = vector.broadcast %add3A_362 : i32 to vector<16xi32>
        %add3A_364 = arith.addi %sub3A_361, %add3A_363 : vector<16xi32>
        %convert_element_type3A_365 = arith.sitofp %add3A_364 : vector<16xi32> to vector<16xf32>
        tpu.vector_store_idx %arg12[%get3A_286], %convert_element_type3A_365 masked %or3A_300 {add = true} : memref<10240xf32, #tpu.memory_space<vmem>>[vector<16xi32>], vector<16xf32>, vector<16xi1>
        %get3A_366 = arith.constant 0 : i32
        %get3A_367 = arith.index_cast %get3A_366 : i32 to index
        %get3A_368 = arith.constant 48 : index
        %get3A_369 = tpu.vector_load %arg11[%get3A_367, %get3A_368] {strides = array<i32>} : memref<1x128xi32, #tpu.memory_space<vmem>>, vector<16xi32>,
        %add3A_370 = arith.constant 1 : i32
        %add3A_371 = vector.broadcast %add3A_370 : i32 to vector<16xi32>
        %add3A_372 = arith.addi %iota3A, %add3A_371 : vector<16xi32>
        %min3A_373 = arith.constant 15 : i32
        %min3A_374 = vector.broadcast %min3A_373 : i32 to vector<16xi32>
        %min3A_375 = arith.minsi %add3A_372, %min3A_374 : vector<16xi32>
        %broadcast_in_dim3A_376 = vector.shape_cast %min3A_375 : vector<16xi32> to vector<16x1xi32>
        %gather3A_377 = vector.shape_cast %broadcast_in_dim3A_376 : vector<16x1xi32> to vector<16xi32>
        %gather3A_378 = tpu.dynamic_gather %get3A_369[%gather3A_377] in [0] : vector<16xi32>, vector<16xi32> -> vector<16xi32>
        %eq3A_379 = arith.constant 15 : i32
        %eq3A_380 = vector.broadcast %eq3A_379 : i32 to vector<16xi32>
        %eq3A_381 = arith.cmpi eq, %iota3A, %eq3A_380 : vector<16xi32>
        %ne3A_382 = arith.cmpi ne, %get3A_369, %gather3A_378 : vector<16xi32>
        %or3A_383 = arith.ori %eq3A_381, %ne3A_382 : vector<16xi1>
        %sub3A_384 = arith.constant 8 : i32
        %sub3A_385 = vector.broadcast %sub3A_384 : i32 to vector<16xi32>
        %sub3A_386 = arith.subi %iota3A, %sub3A_385 : vector<16xi32>
        %ge3A_387 = arith.constant 0 : i32
        %ge3A_388 = vector.broadcast %ge3A_387 : i32 to vector<16xi32>
        %ge3A_389 = arith.cmpi sge, %sub3A_386, %ge3A_388 : vector<16xi32>
        %max3A_390 = arith.constant 0 : i32
        %max3A_391 = vector.broadcast %max3A_390 : i32 to vector<16xi32>
        %max3A_392 = arith.maxsi %sub3A_386, %max3A_391 : vector<16xi32>
        %broadcast_in_dim3A_393 = vector.shape_cast %max3A_392 : vector<16xi32> to vector<16x1xi32>
        %gather3A_394 = vector.shape_cast %broadcast_in_dim3A_393 : vector<16x1xi32> to vector<16xi32>
        %gather3A_395 = tpu.dynamic_gather %get3A_369[%gather3A_394] in [0] : vector<16xi32>, vector<16xi32> -> vector<16xi32>
        %eq3A_396 = arith.cmpi eq, %gather3A_395, %get3A_369 : vector<16xi32>
        %and3A_397 = arith.andi %ge3A_389, %eq3A_396 : vector<16xi1>
        %select_n3A_398 = arith.select %and3A_397, %sub3A_386, %iota3A : vector<16xi1>, vector<16xi32>
        %sub3A_399 = arith.constant 4 : i32
        %sub3A_400 = vector.broadcast %sub3A_399 : i32 to vector<16xi32>
        %sub3A_401 = arith.subi %select_n3A_398, %sub3A_400 : vector<16xi32>
        %ge3A_402 = arith.constant 0 : i32
        %ge3A_403 = vector.broadcast %ge3A_402 : i32 to vector<16xi32>
        %ge3A_404 = arith.cmpi sge, %sub3A_401, %ge3A_403 : vector<16xi32>
        %max3A_405 = arith.constant 0 : i32
        %max3A_406 = vector.broadcast %max3A_405 : i32 to vector<16xi32>
        %max3A_407 = arith.maxsi %sub3A_401, %max3A_406 : vector<16xi32>
        %broadcast_in_dim3A_408 = vector.shape_cast %max3A_407 : vector<16xi32> to vector<16x1xi32>
        %gather3A_409 = vector.shape_cast %broadcast_in_dim3A_408 : vector<16x1xi32> to vector<16xi32>
        %gather3A_410 = tpu.dynamic_gather %get3A_369[%gather3A_409] in [0] : vector<16xi32>, vector<16xi32> -> vector<16xi32>
        %eq3A_411 = arith.cmpi eq, %gather3A_410, %get3A_369 : vector<16xi32>
        %and3A_412 = arith.andi %ge3A_404, %eq3A_411 : vector<16xi1>
        %select_n3A_413 = arith.select %and3A_412, %sub3A_401, %select_n3A_398 : vector<16xi1>, vector<16xi32>
        %sub3A_414 = arith.constant 2 : i32
        %sub3A_415 = vector.broadcast %sub3A_414 : i32 to vector<16xi32>
        %sub3A_416 = arith.subi %select_n3A_413, %sub3A_415 : vector<16xi32>
        %ge3A_417 = arith.constant 0 : i32
        %ge3A_418 = vector.broadcast %ge3A_417 : i32 to vector<16xi32>
        %ge3A_419 = arith.cmpi sge, %sub3A_416, %ge3A_418 : vector<16xi32>
        %max3A_420 = arith.constant 0 : i32
        %max3A_421 = vector.broadcast %max3A_420 : i32 to vector<16xi32>
        %max3A_422 = arith.maxsi %sub3A_416, %max3A_421 : vector<16xi32>
        %broadcast_in_dim3A_423 = vector.shape_cast %max3A_422 : vector<16xi32> to vector<16x1xi32>
        %gather3A_424 = vector.shape_cast %broadcast_in_dim3A_423 : vector<16x1xi32> to vector<16xi32>
        %gather3A_425 = tpu.dynamic_gather %get3A_369[%gather3A_424] in [0] : vector<16xi32>, vector<16xi32> -> vector<16xi32>
        %eq3A_426 = arith.cmpi eq, %gather3A_425, %get3A_369 : vector<16xi32>
        %and3A_427 = arith.andi %ge3A_419, %eq3A_426 : vector<16xi1>
        %select_n3A_428 = arith.select %and3A_427, %sub3A_416, %select_n3A_413 : vector<16xi1>, vector<16xi32>
        %sub3A_429 = arith.constant 1 : i32
        %sub3A_430 = vector.broadcast %sub3A_429 : i32 to vector<16xi32>
        %sub3A_431 = arith.subi %select_n3A_428, %sub3A_430 : vector<16xi32>
        %ge3A_432 = arith.constant 0 : i32
        %ge3A_433 = vector.broadcast %ge3A_432 : i32 to vector<16xi32>
        %ge3A_434 = arith.cmpi sge, %sub3A_431, %ge3A_433 : vector<16xi32>
        %max3A_435 = arith.constant 0 : i32
        %max3A_436 = vector.broadcast %max3A_435 : i32 to vector<16xi32>
        %max3A_437 = arith.maxsi %sub3A_431, %max3A_436 : vector<16xi32>
        %broadcast_in_dim3A_438 = vector.shape_cast %max3A_437 : vector<16xi32> to vector<16x1xi32>
        %gather3A_439 = vector.shape_cast %broadcast_in_dim3A_438 : vector<16x1xi32> to vector<16xi32>
        %gather3A_440 = tpu.dynamic_gather %get3A_369[%gather3A_439] in [0] : vector<16xi32>, vector<16xi32> -> vector<16xi32>
        %eq3A_441 = arith.cmpi eq, %gather3A_440, %get3A_369 : vector<16xi32>
        %and3A_442 = arith.andi %ge3A_434, %eq3A_441 : vector<16xi1>
        %select_n3A_443 = arith.select %and3A_442, %sub3A_431, %select_n3A_428 : vector<16xi1>, vector<16xi32>
        %sub3A_444 = arith.subi %iota3A, %select_n3A_443 : vector<16xi32>
        %add3A_445 = arith.constant 1 : i32
        %add3A_446 = vector.broadcast %add3A_445 : i32 to vector<16xi32>
        %add3A_447 = arith.addi %sub3A_444, %add3A_446 : vector<16xi32>
        %convert_element_type3A_448 = arith.sitofp %add3A_447 : vector<16xi32> to vector<16xf32>
        tpu.vector_store_idx %arg12[%get3A_369], %convert_element_type3A_448 masked %or3A_383 {add = true} : memref<10240xf32, #tpu.memory_space<vmem>>[vector<16xi32>], vector<16xf32>, vector<16xi1>
        %get3A_449 = arith.constant 0 : i32
        %get3A_450 = arith.index_cast %get3A_449 : i32 to index
        %get3A_451 = arith.constant 64 : index
        %get3A_452 = tpu.vector_load %arg11[%get3A_450, %get3A_451] {strides = array<i32>} : memref<1x128xi32, #tpu.memory_space<vmem>>, vector<16xi32>,
        %add3A_453 = arith.constant 1 : i32
        %add3A_454 = vector.broadcast %add3A_453 : i32 to vector<16xi32>
        %add3A_455 = arith.addi %iota3A, %add3A_454 : vector<16xi32>
        %min3A_456 = arith.constant 15 : i32
        %min3A_457 = vector.broadcast %min3A_456 : i32 to vector<16xi32>
        %min3A_458 = arith.minsi %add3A_455, %min3A_457 : vector<16xi32>
        %broadcast_in_dim3A_459 = vector.shape_cast %min3A_458 : vector<16xi32> to vector<16x1xi32>
        %gather3A_460 = vector.shape_cast %broadcast_in_dim3A_459 : vector<16x1xi32> to vector<16xi32>
        %gather3A_461 = tpu.dynamic_gather %get3A_452[%gather3A_460] in [0] : vector<16xi32>, vector<16xi32> -> vector<16xi32>
        %eq3A_462 = arith.constant 15 : i32
        %eq3A_463 = vector.broadcast %eq3A_462 : i32 to vector<16xi32>
        %eq3A_464 = arith.cmpi eq, %iota3A, %eq3A_463 : vector<16xi32>
        %ne3A_465 = arith.cmpi ne, %get3A_452, %gather3A_461 : vector<16xi32>
        %or3A_466 = arith.ori %eq3A_464, %ne3A_465 : vector<16xi1>
        %sub3A_467 = arith.constant 8 : i32
        %sub3A_468 = vector.broadcast %sub3A_467 : i32 to vector<16xi32>
        %sub3A_469 = arith.subi %iota3A, %sub3A_468 : vector<16xi32>
        %ge3A_470 = arith.constant 0 : i32
        %ge3A_471 = vector.broadcast %ge3A_470 : i32 to vector<16xi32>
        %ge3A_472 = arith.cmpi sge, %sub3A_469, %ge3A_471 : vector<16xi32>
        %max3A_473 = arith.constant 0 : i32
        %max3A_474 = vector.broadcast %max3A_473 : i32 to vector<16xi32>
        %max3A_475 = arith.maxsi %sub3A_469, %max3A_474 : vector<16xi32>
        %broadcast_in_dim3A_476 = vector.shape_cast %max3A_475 : vector<16xi32> to vector<16x1xi32>
        %gather3A_477 = vector.shape_cast %broadcast_in_dim3A_476 : vector<16x1xi32> to vector<16xi32>
        %gather3A_478 = tpu.dynamic_gather %get3A_452[%gather3A_477] in [0] : vector<16xi32>, vector<16xi32> -> vector<16xi32>
        %eq3A_479 = arith.cmpi eq, %gather3A_478, %get3A_452 : vector<16xi32>
        %and3A_480 = arith.andi %ge3A_472, %eq3A_479 : vector<16xi1>
        %select_n3A_481 = arith.select %and3A_480, %sub3A_469, %iota3A : vector<16xi1>, vector<16xi32>
        %sub3A_482 = arith.constant 4 : i32
        %sub3A_483 = vector.broadcast %sub3A_482 : i32 to vector<16xi32>
        %sub3A_484 = arith.subi %select_n3A_481, %sub3A_483 : vector<16xi32>
        %ge3A_485 = arith.constant 0 : i32
        %ge3A_486 = vector.broadcast %ge3A_485 : i32 to vector<16xi32>
        %ge3A_487 = arith.cmpi sge, %sub3A_484, %ge3A_486 : vector<16xi32>
        %max3A_488 = arith.constant 0 : i32
        %max3A_489 = vector.broadcast %max3A_488 : i32 to vector<16xi32>
        %max3A_490 = arith.maxsi %sub3A_484, %max3A_489 : vector<16xi32>
        %broadcast_in_dim3A_491 = vector.shape_cast %max3A_490 : vector<16xi32> to vector<16x1xi32>
        %gather3A_492 = vector.shape_cast %broadcast_in_dim3A_491 : vector<16x1xi32> to vector<16xi32>
        %gather3A_493 = tpu.dynamic_gather %get3A_452[%gather3A_492] in [0] : vector<16xi32>, vector<16xi32> -> vector<16xi32>
        %eq3A_494 = arith.cmpi eq, %gather3A_493, %get3A_452 : vector<16xi32>
        %and3A_495 = arith.andi %ge3A_487, %eq3A_494 : vector<16xi1>
        %select_n3A_496 = arith.select %and3A_495, %sub3A_484, %select_n3A_481 : vector<16xi1>, vector<16xi32>
        %sub3A_497 = arith.constant 2 : i32
        %sub3A_498 = vector.broadcast %sub3A_497 : i32 to vector<16xi32>
        %sub3A_499 = arith.subi %select_n3A_496, %sub3A_498 : vector<16xi32>
        %ge3A_500 = arith.constant 0 : i32
        %ge3A_501 = vector.broadcast %ge3A_500 : i32 to vector<16xi32>
        %ge3A_502 = arith.cmpi sge, %sub3A_499, %ge3A_501 : vector<16xi32>
        %max3A_503 = arith.constant 0 : i32
        %max3A_504 = vector.broadcast %max3A_503 : i32 to vector<16xi32>
        %max3A_505 = arith.maxsi %sub3A_499, %max3A_504 : vector<16xi32>
        %broadcast_in_dim3A_506 = vector.shape_cast %max3A_505 : vector<16xi32> to vector<16x1xi32>
        %gather3A_507 = vector.shape_cast %broadcast_in_dim3A_506 : vector<16x1xi32> to vector<16xi32>
        %gather3A_508 = tpu.dynamic_gather %get3A_452[%gather3A_507] in [0] : vector<16xi32>, vector<16xi32> -> vector<16xi32>
        %eq3A_509 = arith.cmpi eq, %gather3A_508, %get3A_452 : vector<16xi32>
        %and3A_510 = arith.andi %ge3A_502, %eq3A_509 : vector<16xi1>
        %select_n3A_511 = arith.select %and3A_510, %sub3A_499, %select_n3A_496 : vector<16xi1>, vector<16xi32>
        %sub3A_512 = arith.constant 1 : i32
        %sub3A_513 = vector.broadcast %sub3A_512 : i32 to vector<16xi32>
        %sub3A_514 = arith.subi %select_n3A_511, %sub3A_513 : vector<16xi32>
        %ge3A_515 = arith.constant 0 : i32
        %ge3A_516 = vector.broadcast %ge3A_515 : i32 to vector<16xi32>
        %ge3A_517 = arith.cmpi sge, %sub3A_514, %ge3A_516 : vector<16xi32>
        %max3A_518 = arith.constant 0 : i32
        %max3A_519 = vector.broadcast %max3A_518 : i32 to vector<16xi32>
        %max3A_520 = arith.maxsi %sub3A_514, %max3A_519 : vector<16xi32>
        %broadcast_in_dim3A_521 = vector.shape_cast %max3A_520 : vector<16xi32> to vector<16x1xi32>
        %gather3A_522 = vector.shape_cast %broadcast_in_dim3A_521 : vector<16x1xi32> to vector<16xi32>
        %gather3A_523 = tpu.dynamic_gather %get3A_452[%gather3A_522] in [0] : vector<16xi32>, vector<16xi32> -> vector<16xi32>
        %eq3A_524 = arith.cmpi eq, %gather3A_523, %get3A_452 : vector<16xi32>
        %and3A_525 = arith.andi %ge3A_517, %eq3A_524 : vector<16xi1>
        %select_n3A_526 = arith.select %and3A_525, %sub3A_514, %select_n3A_511 : vector<16xi1>, vector<16xi32>
        %sub3A_527 = arith.subi %iota3A, %select_n3A_526 : vector<16xi32>
        %add3A_528 = arith.constant 1 : i32
        %add3A_529 = vector.broadcast %add3A_528 : i32 to vector<16xi32>
        %add3A_530 = arith.addi %sub3A_527, %add3A_529 : vector<16xi32>
        %convert_element_type3A_531 = arith.sitofp %add3A_530 : vector<16xi32> to vector<16xf32>
        tpu.vector_store_idx %arg12[%get3A_452], %convert_element_type3A_531 masked %or3A_466 {add = true} : memref<10240xf32, #tpu.memory_space<vmem>>[vector<16xi32>], vector<16xf32>, vector<16xi1>
        %get3A_532 = arith.constant 0 : i32
        %get3A_533 = arith.index_cast %get3A_532 : i32 to index
        %get3A_534 = arith.constant 80 : index
        %get3A_535 = tpu.vector_load %arg11[%get3A_533, %get3A_534] {strides = array<i32>} : memref<1x128xi32, #tpu.memory_space<vmem>>, vector<16xi32>,
        %add3A_536 = arith.constant 1 : i32
        %add3A_537 = vector.broadcast %add3A_536 : i32 to vector<16xi32>
        %add3A_538 = arith.addi %iota3A, %add3A_537 : vector<16xi32>
        %min3A_539 = arith.constant 15 : i32
        %min3A_540 = vector.broadcast %min3A_539 : i32 to vector<16xi32>
        %min3A_541 = arith.minsi %add3A_538, %min3A_540 : vector<16xi32>
        %broadcast_in_dim3A_542 = vector.shape_cast %min3A_541 : vector<16xi32> to vector<16x1xi32>
        %gather3A_543 = vector.shape_cast %broadcast_in_dim3A_542 : vector<16x1xi32> to vector<16xi32>
        %gather3A_544 = tpu.dynamic_gather %get3A_535[%gather3A_543] in [0] : vector<16xi32>, vector<16xi32> -> vector<16xi32>
        %eq3A_545 = arith.constant 15 : i32
        %eq3A_546 = vector.broadcast %eq3A_545 : i32 to vector<16xi32>
        %eq3A_547 = arith.cmpi eq, %iota3A, %eq3A_546 : vector<16xi32>
        %ne3A_548 = arith.cmpi ne, %get3A_535, %gather3A_544 : vector<16xi32>
        %or3A_549 = arith.ori %eq3A_547, %ne3A_548 : vector<16xi1>
        %sub3A_550 = arith.constant 8 : i32
        %sub3A_551 = vector.broadcast %sub3A_550 : i32 to vector<16xi32>
        %sub3A_552 = arith.subi %iota3A, %sub3A_551 : vector<16xi32>
        %ge3A_553 = arith.constant 0 : i32
        %ge3A_554 = vector.broadcast %ge3A_553 : i32 to vector<16xi32>
        %ge3A_555 = arith.cmpi sge, %sub3A_552, %ge3A_554 : vector<16xi32>
        %max3A_556 = arith.constant 0 : i32
        %max3A_557 = vector.broadcast %max3A_556 : i32 to vector<16xi32>
        %max3A_558 = arith.maxsi %sub3A_552, %max3A_557 : vector<16xi32>
        %broadcast_in_dim3A_559 = vector.shape_cast %max3A_558 : vector<16xi32> to vector<16x1xi32>
        %gather3A_560 = vector.shape_cast %broadcast_in_dim3A_559 : vector<16x1xi32> to vector<16xi32>
        %gather3A_561 = tpu.dynamic_gather %get3A_535[%gather3A_560] in [0] : vector<16xi32>, vector<16xi32> -> vector<16xi32>
        %eq3A_562 = arith.cmpi eq, %gather3A_561, %get3A_535 : vector<16xi32>
        %and3A_563 = arith.andi %ge3A_555, %eq3A_562 : vector<16xi1>
        %select_n3A_564 = arith.select %and3A_563, %sub3A_552, %iota3A : vector<16xi1>, vector<16xi32>
        %sub3A_565 = arith.constant 4 : i32
        %sub3A_566 = vector.broadcast %sub3A_565 : i32 to vector<16xi32>
        %sub3A_567 = arith.subi %select_n3A_564, %sub3A_566 : vector<16xi32>
        %ge3A_568 = arith.constant 0 : i32
        %ge3A_569 = vector.broadcast %ge3A_568 : i32 to vector<16xi32>
        %ge3A_570 = arith.cmpi sge, %sub3A_567, %ge3A_569 : vector<16xi32>
        %max3A_571 = arith.constant 0 : i32
        %max3A_572 = vector.broadcast %max3A_571 : i32 to vector<16xi32>
        %max3A_573 = arith.maxsi %sub3A_567, %max3A_572 : vector<16xi32>
        %broadcast_in_dim3A_574 = vector.shape_cast %max3A_573 : vector<16xi32> to vector<16x1xi32>
        %gather3A_575 = vector.shape_cast %broadcast_in_dim3A_574 : vector<16x1xi32> to vector<16xi32>
        %gather3A_576 = tpu.dynamic_gather %get3A_535[%gather3A_575] in [0] : vector<16xi32>, vector<16xi32> -> vector<16xi32>
        %eq3A_577 = arith.cmpi eq, %gather3A_576, %get3A_535 : vector<16xi32>
        %and3A_578 = arith.andi %ge3A_570, %eq3A_577 : vector<16xi1>
        %select_n3A_579 = arith.select %and3A_578, %sub3A_567, %select_n3A_564 : vector<16xi1>, vector<16xi32>
        %sub3A_580 = arith.constant 2 : i32
        %sub3A_581 = vector.broadcast %sub3A_580 : i32 to vector<16xi32>
        %sub3A_582 = arith.subi %select_n3A_579, %sub3A_581 : vector<16xi32>
        %ge3A_583 = arith.constant 0 : i32
        %ge3A_584 = vector.broadcast %ge3A_583 : i32 to vector<16xi32>
        %ge3A_585 = arith.cmpi sge, %sub3A_582, %ge3A_584 : vector<16xi32>
        %max3A_586 = arith.constant 0 : i32
        %max3A_587 = vector.broadcast %max3A_586 : i32 to vector<16xi32>
        %max3A_588 = arith.maxsi %sub3A_582, %max3A_587 : vector<16xi32>
        %broadcast_in_dim3A_589 = vector.shape_cast %max3A_588 : vector<16xi32> to vector<16x1xi32>
        %gather3A_590 = vector.shape_cast %broadcast_in_dim3A_589 : vector<16x1xi32> to vector<16xi32>
        %gather3A_591 = tpu.dynamic_gather %get3A_535[%gather3A_590] in [0] : vector<16xi32>, vector<16xi32> -> vector<16xi32>
        %eq3A_592 = arith.cmpi eq, %gather3A_591, %get3A_535 : vector<16xi32>
        %and3A_593 = arith.andi %ge3A_585, %eq3A_592 : vector<16xi1>
        %select_n3A_594 = arith.select %and3A_593, %sub3A_582, %select_n3A_579 : vector<16xi1>, vector<16xi32>
        %sub3A_595 = arith.constant 1 : i32
        %sub3A_596 = vector.broadcast %sub3A_595 : i32 to vector<16xi32>
        %sub3A_597 = arith.subi %select_n3A_594, %sub3A_596 : vector<16xi32>
        %ge3A_598 = arith.constant 0 : i32
        %ge3A_599 = vector.broadcast %ge3A_598 : i32 to vector<16xi32>
        %ge3A_600 = arith.cmpi sge, %sub3A_597, %ge3A_599 : vector<16xi32>
        %max3A_601 = arith.constant 0 : i32
        %max3A_602 = vector.broadcast %max3A_601 : i32 to vector<16xi32>
        %max3A_603 = arith.maxsi %sub3A_597, %max3A_602 : vector<16xi32>
        %broadcast_in_dim3A_604 = vector.shape_cast %max3A_603 : vector<16xi32> to vector<16x1xi32>
        %gather3A_605 = vector.shape_cast %broadcast_in_dim3A_604 : vector<16x1xi32> to vector<16xi32>
        %gather3A_606 = tpu.dynamic_gather %get3A_535[%gather3A_605] in [0] : vector<16xi32>, vector<16xi32> -> vector<16xi32>
        %eq3A_607 = arith.cmpi eq, %gather3A_606, %get3A_535 : vector<16xi32>
        %and3A_608 = arith.andi %ge3A_600, %eq3A_607 : vector<16xi1>
        %select_n3A_609 = arith.select %and3A_608, %sub3A_597, %select_n3A_594 : vector<16xi1>, vector<16xi32>
        %sub3A_610 = arith.subi %iota3A, %select_n3A_609 : vector<16xi32>
        %add3A_611 = arith.constant 1 : i32
        %add3A_612 = vector.broadcast %add3A_611 : i32 to vector<16xi32>
        %add3A_613 = arith.addi %sub3A_610, %add3A_612 : vector<16xi32>
        %convert_element_type3A_614 = arith.sitofp %add3A_613 : vector<16xi32> to vector<16xf32>
        tpu.vector_store_idx %arg12[%get3A_535], %convert_element_type3A_614 masked %or3A_549 {add = true} : memref<10240xf32, #tpu.memory_space<vmem>>[vector<16xi32>], vector<16xf32>, vector<16xi1>
        %get3A_615 = arith.constant 0 : i32
        %get3A_616 = arith.index_cast %get3A_615 : i32 to index
        %get3A_617 = arith.constant 96 : index
        %get3A_618 = tpu.vector_load %arg11[%get3A_616, %get3A_617] {strides = array<i32>} : memref<1x128xi32, #tpu.memory_space<vmem>>, vector<16xi32>,
        %add3A_619 = arith.constant 1 : i32
        %add3A_620 = vector.broadcast %add3A_619 : i32 to vector<16xi32>
        %add3A_621 = arith.addi %iota3A, %add3A_620 : vector<16xi32>
        %min3A_622 = arith.constant 15 : i32
        %min3A_623 = vector.broadcast %min3A_622 : i32 to vector<16xi32>
        %min3A_624 = arith.minsi %add3A_621, %min3A_623 : vector<16xi32>
        %broadcast_in_dim3A_625 = vector.shape_cast %min3A_624 : vector<16xi32> to vector<16x1xi32>
        %gather3A_626 = vector.shape_cast %broadcast_in_dim3A_625 : vector<16x1xi32> to vector<16xi32>
        %gather3A_627 = tpu.dynamic_gather %get3A_618[%gather3A_626] in [0] : vector<16xi32>, vector<16xi32> -> vector<16xi32>
        %eq3A_628 = arith.constant 15 : i32
        %eq3A_629 = vector.broadcast %eq3A_628 : i32 to vector<16xi32>
        %eq3A_630 = arith.cmpi eq, %iota3A, %eq3A_629 : vector<16xi32>
        %ne3A_631 = arith.cmpi ne, %get3A_618, %gather3A_627 : vector<16xi32>
        %or3A_632 = arith.ori %eq3A_630, %ne3A_631 : vector<16xi1>
        %sub3A_633 = arith.constant 8 : i32
        %sub3A_634 = vector.broadcast %sub3A_633 : i32 to vector<16xi32>
        %sub3A_635 = arith.subi %iota3A, %sub3A_634 : vector<16xi32>
        %ge3A_636 = arith.constant 0 : i32
        %ge3A_637 = vector.broadcast %ge3A_636 : i32 to vector<16xi32>
        %ge3A_638 = arith.cmpi sge, %sub3A_635, %ge3A_637 : vector<16xi32>
        %max3A_639 = arith.constant 0 : i32
        %max3A_640 = vector.broadcast %max3A_639 : i32 to vector<16xi32>
        %max3A_641 = arith.maxsi %sub3A_635, %max3A_640 : vector<16xi32>
        %broadcast_in_dim3A_642 = vector.shape_cast %max3A_641 : vector<16xi32> to vector<16x1xi32>
        %gather3A_643 = vector.shape_cast %broadcast_in_dim3A_642 : vector<16x1xi32> to vector<16xi32>
        %gather3A_644 = tpu.dynamic_gather %get3A_618[%gather3A_643] in [0] : vector<16xi32>, vector<16xi32> -> vector<16xi32>
        %eq3A_645 = arith.cmpi eq, %gather3A_644, %get3A_618 : vector<16xi32>
        %and3A_646 = arith.andi %ge3A_638, %eq3A_645 : vector<16xi1>
        %select_n3A_647 = arith.select %and3A_646, %sub3A_635, %iota3A : vector<16xi1>, vector<16xi32>
        %sub3A_648 = arith.constant 4 : i32
        %sub3A_649 = vector.broadcast %sub3A_648 : i32 to vector<16xi32>
        %sub3A_650 = arith.subi %select_n3A_647, %sub3A_649 : vector<16xi32>
        %ge3A_651 = arith.constant 0 : i32
        %ge3A_652 = vector.broadcast %ge3A_651 : i32 to vector<16xi32>
        %ge3A_653 = arith.cmpi sge, %sub3A_650, %ge3A_652 : vector<16xi32>
        %max3A_654 = arith.constant 0 : i32
        %max3A_655 = vector.broadcast %max3A_654 : i32 to vector<16xi32>
        %max3A_656 = arith.maxsi %sub3A_650, %max3A_655 : vector<16xi32>
        %broadcast_in_dim3A_657 = vector.shape_cast %max3A_656 : vector<16xi32> to vector<16x1xi32>
        %gather3A_658 = vector.shape_cast %broadcast_in_dim3A_657 : vector<16x1xi32> to vector<16xi32>
        %gather3A_659 = tpu.dynamic_gather %get3A_618[%gather3A_658] in [0] : vector<16xi32>, vector<16xi32> -> vector<16xi32>
        %eq3A_660 = arith.cmpi eq, %gather3A_659, %get3A_618 : vector<16xi32>
        %and3A_661 = arith.andi %ge3A_653, %eq3A_660 : vector<16xi1>
        %select_n3A_662 = arith.select %and3A_661, %sub3A_650, %select_n3A_647 : vector<16xi1>, vector<16xi32>
        %sub3A_663 = arith.constant 2 : i32
        %sub3A_664 = vector.broadcast %sub3A_663 : i32 to vector<16xi32>
        %sub3A_665 = arith.subi %select_n3A_662, %sub3A_664 : vector<16xi32>
        %ge3A_666 = arith.constant 0 : i32
        %ge3A_667 = vector.broadcast %ge3A_666 : i32 to vector<16xi32>
        %ge3A_668 = arith.cmpi sge, %sub3A_665, %ge3A_667 : vector<16xi32>
        %max3A_669 = arith.constant 0 : i32
        %max3A_670 = vector.broadcast %max3A_669 : i32 to vector<16xi32>
        %max3A_671 = arith.maxsi %sub3A_665, %max3A_670 : vector<16xi32>
        %broadcast_in_dim3A_672 = vector.shape_cast %max3A_671 : vector<16xi32> to vector<16x1xi32>
        %gather3A_673 = vector.shape_cast %broadcast_in_dim3A_672 : vector<16x1xi32> to vector<16xi32>
        %gather3A_674 = tpu.dynamic_gather %get3A_618[%gather3A_673] in [0] : vector<16xi32>, vector<16xi32> -> vector<16xi32>
        %eq3A_675 = arith.cmpi eq, %gather3A_674, %get3A_618 : vector<16xi32>
        %and3A_676 = arith.andi %ge3A_668, %eq3A_675 : vector<16xi1>
        %select_n3A_677 = arith.select %and3A_676, %sub3A_665, %select_n3A_662 : vector<16xi1>, vector<16xi32>
        %sub3A_678 = arith.constant 1 : i32
        %sub3A_679 = vector.broadcast %sub3A_678 : i32 to vector<16xi32>
        %sub3A_680 = arith.subi %select_n3A_677, %sub3A_679 : vector<16xi32>
        %ge3A_681 = arith.constant 0 : i32
        %ge3A_682 = vector.broadcast %ge3A_681 : i32 to vector<16xi32>
        %ge3A_683 = arith.cmpi sge, %sub3A_680, %ge3A_682 : vector<16xi32>
        %max3A_684 = arith.constant 0 : i32
        %max3A_685 = vector.broadcast %max3A_684 : i32 to vector<16xi32>
        %max3A_686 = arith.maxsi %sub3A_680, %max3A_685 : vector<16xi32>
        %broadcast_in_dim3A_687 = vector.shape_cast %max3A_686 : vector<16xi32> to vector<16x1xi32>
        %gather3A_688 = vector.shape_cast %broadcast_in_dim3A_687 : vector<16x1xi32> to vector<16xi32>
        %gather3A_689 = tpu.dynamic_gather %get3A_618[%gather3A_688] in [0] : vector<16xi32>, vector<16xi32> -> vector<16xi32>
        %eq3A_690 = arith.cmpi eq, %gather3A_689, %get3A_618 : vector<16xi32>
        %and3A_691 = arith.andi %ge3A_683, %eq3A_690 : vector<16xi1>
        %select_n3A_692 = arith.select %and3A_691, %sub3A_680, %select_n3A_677 : vector<16xi1>, vector<16xi32>
        %sub3A_693 = arith.subi %iota3A, %select_n3A_692 : vector<16xi32>
        %add3A_694 = arith.constant 1 : i32
        %add3A_695 = vector.broadcast %add3A_694 : i32 to vector<16xi32>
        %add3A_696 = arith.addi %sub3A_693, %add3A_695 : vector<16xi32>
        %convert_element_type3A_697 = arith.sitofp %add3A_696 : vector<16xi32> to vector<16xf32>
        tpu.vector_store_idx %arg12[%get3A_618], %convert_element_type3A_697 masked %or3A_632 {add = true} : memref<10240xf32, #tpu.memory_space<vmem>>[vector<16xi32>], vector<16xf32>, vector<16xi1>
        %get3A_698 = arith.constant 0 : i32
        %get3A_699 = arith.index_cast %get3A_698 : i32 to index
        %get3A_700 = arith.constant 112 : index
        %get3A_701 = tpu.vector_load %arg11[%get3A_699, %get3A_700] {strides = array<i32>} : memref<1x128xi32, #tpu.memory_space<vmem>>, vector<16xi32>,
        %add3A_702 = arith.constant 1 : i32
        %add3A_703 = vector.broadcast %add3A_702 : i32 to vector<16xi32>
        %add3A_704 = arith.addi %iota3A, %add3A_703 : vector<16xi32>
        %min3A_705 = arith.constant 15 : i32
        %min3A_706 = vector.broadcast %min3A_705 : i32 to vector<16xi32>
        %min3A_707 = arith.minsi %add3A_704, %min3A_706 : vector<16xi32>
        %broadcast_in_dim3A_708 = vector.shape_cast %min3A_707 : vector<16xi32> to vector<16x1xi32>
        %gather3A_709 = vector.shape_cast %broadcast_in_dim3A_708 : vector<16x1xi32> to vector<16xi32>
        %gather3A_710 = tpu.dynamic_gather %get3A_701[%gather3A_709] in [0] : vector<16xi32>, vector<16xi32> -> vector<16xi32>
        %eq3A_711 = arith.constant 15 : i32
        %eq3A_712 = vector.broadcast %eq3A_711 : i32 to vector<16xi32>
        %eq3A_713 = arith.cmpi eq, %iota3A, %eq3A_712 : vector<16xi32>
        %ne3A_714 = arith.cmpi ne, %get3A_701, %gather3A_710 : vector<16xi32>
        %or3A_715 = arith.ori %eq3A_713, %ne3A_714 : vector<16xi1>
        %sub3A_716 = arith.constant 8 : i32
        %sub3A_717 = vector.broadcast %sub3A_716 : i32 to vector<16xi32>
        %sub3A_718 = arith.subi %iota3A, %sub3A_717 : vector<16xi32>
        %ge3A_719 = arith.constant 0 : i32
        %ge3A_720 = vector.broadcast %ge3A_719 : i32 to vector<16xi32>
        %ge3A_721 = arith.cmpi sge, %sub3A_718, %ge3A_720 : vector<16xi32>
        %max3A_722 = arith.constant 0 : i32
        %max3A_723 = vector.broadcast %max3A_722 : i32 to vector<16xi32>
        %max3A_724 = arith.maxsi %sub3A_718, %max3A_723 : vector<16xi32>
        %broadcast_in_dim3A_725 = vector.shape_cast %max3A_724 : vector<16xi32> to vector<16x1xi32>
        %gather3A_726 = vector.shape_cast %broadcast_in_dim3A_725 : vector<16x1xi32> to vector<16xi32>
        %gather3A_727 = tpu.dynamic_gather %get3A_701[%gather3A_726] in [0] : vector<16xi32>, vector<16xi32> -> vector<16xi32>
        %eq3A_728 = arith.cmpi eq, %gather3A_727, %get3A_701 : vector<16xi32>
        %and3A_729 = arith.andi %ge3A_721, %eq3A_728 : vector<16xi1>
        %select_n3A_730 = arith.select %and3A_729, %sub3A_718, %iota3A : vector<16xi1>, vector<16xi32>
        %sub3A_731 = arith.constant 4 : i32
        %sub3A_732 = vector.broadcast %sub3A_731 : i32 to vector<16xi32>
        %sub3A_733 = arith.subi %select_n3A_730, %sub3A_732 : vector<16xi32>
        %ge3A_734 = arith.constant 0 : i32
        %ge3A_735 = vector.broadcast %ge3A_734 : i32 to vector<16xi32>
        %ge3A_736 = arith.cmpi sge, %sub3A_733, %ge3A_735 : vector<16xi32>
        %max3A_737 = arith.constant 0 : i32
        %max3A_738 = vector.broadcast %max3A_737 : i32 to vector<16xi32>
        %max3A_739 = arith.maxsi %sub3A_733, %max3A_738 : vector<16xi32>
        %broadcast_in_dim3A_740 = vector.shape_cast %max3A_739 : vector<16xi32> to vector<16x1xi32>
        %gather3A_741 = vector.shape_cast %broadcast_in_dim3A_740 : vector<16x1xi32> to vector<16xi32>
        %gather3A_742 = tpu.dynamic_gather %get3A_701[%gather3A_741] in [0] : vector<16xi32>, vector<16xi32> -> vector<16xi32>
        %eq3A_743 = arith.cmpi eq, %gather3A_742, %get3A_701 : vector<16xi32>
        %and3A_744 = arith.andi %ge3A_736, %eq3A_743 : vector<16xi1>
        %select_n3A_745 = arith.select %and3A_744, %sub3A_733, %select_n3A_730 : vector<16xi1>, vector<16xi32>
        %sub3A_746 = arith.constant 2 : i32
        %sub3A_747 = vector.broadcast %sub3A_746 : i32 to vector<16xi32>
        %sub3A_748 = arith.subi %select_n3A_745, %sub3A_747 : vector<16xi32>
        %ge3A_749 = arith.constant 0 : i32
        %ge3A_750 = vector.broadcast %ge3A_749 : i32 to vector<16xi32>
        %ge3A_751 = arith.cmpi sge, %sub3A_748, %ge3A_750 : vector<16xi32>
        %max3A_752 = arith.constant 0 : i32
        %max3A_753 = vector.broadcast %max3A_752 : i32 to vector<16xi32>
        %max3A_754 = arith.maxsi %sub3A_748, %max3A_753 : vector<16xi32>
        %broadcast_in_dim3A_755 = vector.shape_cast %max3A_754 : vector<16xi32> to vector<16x1xi32>
        %gather3A_756 = vector.shape_cast %broadcast_in_dim3A_755 : vector<16x1xi32> to vector<16xi32>
        %gather3A_757 = tpu.dynamic_gather %get3A_701[%gather3A_756] in [0] : vector<16xi32>, vector<16xi32> -> vector<16xi32>
        %eq3A_758 = arith.cmpi eq, %gather3A_757, %get3A_701 : vector<16xi32>
        %and3A_759 = arith.andi %ge3A_751, %eq3A_758 : vector<16xi1>
        %select_n3A_760 = arith.select %and3A_759, %sub3A_748, %select_n3A_745 : vector<16xi1>, vector<16xi32>
        %sub3A_761 = arith.constant 1 : i32
        %sub3A_762 = vector.broadcast %sub3A_761 : i32 to vector<16xi32>
        %sub3A_763 = arith.subi %select_n3A_760, %sub3A_762 : vector<16xi32>
        %ge3A_764 = arith.constant 0 : i32
        %ge3A_765 = vector.broadcast %ge3A_764 : i32 to vector<16xi32>
        %ge3A_766 = arith.cmpi sge, %sub3A_763, %ge3A_765 : vector<16xi32>
        %max3A_767 = arith.constant 0 : i32
        %max3A_768 = vector.broadcast %max3A_767 : i32 to vector<16xi32>
        %max3A_769 = arith.maxsi %sub3A_763, %max3A_768 : vector<16xi32>
        %broadcast_in_dim3A_770 = vector.shape_cast %max3A_769 : vector<16xi32> to vector<16x1xi32>
        %gather3A_771 = vector.shape_cast %broadcast_in_dim3A_770 : vector<16x1xi32> to vector<16xi32>
        %gather3A_772 = tpu.dynamic_gather %get3A_701[%gather3A_771] in [0] : vector<16xi32>, vector<16xi32> -> vector<16xi32>
        %eq3A_773 = arith.cmpi eq, %gather3A_772, %get3A_701 : vector<16xi32>
        %and3A_774 = arith.andi %ge3A_766, %eq3A_773 : vector<16xi1>
        %select_n3A_775 = arith.select %and3A_774, %sub3A_763, %select_n3A_760 : vector<16xi1>, vector<16xi32>
        %sub3A_776 = arith.subi %iota3A, %select_n3A_775 : vector<16xi32>
        %add3A_777 = arith.constant 1 : i32
        %add3A_778 = vector.broadcast %add3A_777 : i32 to vector<16xi32>
        %add3A_779 = arith.addi %sub3A_776, %add3A_778 : vector<16xi32>
        %convert_element_type3A_780 = arith.sitofp %add3A_779 : vector<16xi32> to vector<16xf32>
        tpu.vector_store_idx %arg12[%get3A_701], %convert_element_type3A_780 masked %or3A_715 {add = true} : memref<10240xf32, #tpu.memory_space<vmem>>[vector<16xi32>], vector<16xf32>, vector<16xi1>
        %dma_wait3A_781 = arith.constant 0 : i32
        %dma_wait3A_782 = arith.constant 0 : i32
        %dma_wait3A_783 = tpu.memref_slice %arg11[%dma_wait3A_781, %dma_wait3A_782] : memref<1x128xi32, #tpu.memory_space<vmem>> -> memref<1x128xi32, #tpu.memory_space<vmem>>
        %dma_wait3A_784 = tpu.memref_squeeze %dma_wait3A_783 : memref<1x128xi32, #tpu.memory_space<vmem>> -> memref<128xi32, #tpu.memory_space<vmem>>
        %dma_wait3A_785 = arith.constant 0 : i32
        %dma_wait3A_786 = arith.constant 0 : i32
        %dma_wait3A_787 = tpu.memref_slice %arg13[%dma_wait3A_785, %dma_wait3A_786] : memref<10000x128xf32, #tpu.memory_space<vmem_shared>> -> memref<10000x128xf32, #tpu.memory_space<vmem_shared>>
        tpu.wait_indirect_dma semaphore(%arg16 : memref<!tpu.dma_semaphore, #tpu.memory_space<semaphore_mem>>) src(%arg9 : memref<128x128xf32, #tpu.memory_space<vmem>>) dst(%dma_wait3A_787 : memref<10000x128xf32, #tpu.memory_space<vmem_shared>>)
      } else {
      }
      %add3A_97 = arith.constant 2 : i32
      %add3A_98 = arith.addi %add3A_92, %add3A_97 : i32
      %lt3A_99 = arith.cmpi slt, %add3A_98, %select_n3A : i32
      %convert_element_type3A_100 = arith.extui %lt3A_99 : i1 to i32
      %cond3A_101 = arith.constant 0 : i32
      %cond3A_102 = arith.cmpi ne, %convert_element_type3A_100, %cond3A_101 : i32
      scf.if %cond3A_102 {
        %add3A_103 = arith.constant 2 : i32
        %add3A_104 = arith.addi %add3A_92, %add3A_103 : i32
        %mul3A_105 = arith.constant 32 : i32
        %mul3A_106 = arith.muli %mul3A_105, %add3A_104 : i32
        %add3A_107 = arith.addi %add3A, %mul3A_106 : i32
        %mul3A_108 = arith.constant 128 : i32
        %mul3A_109 = arith.muli %add3A_107, %mul3A_108 : i32
        %dma_start3A_110 = arith.constant 0 : i32
        %dma_start3A_111 = tpu.memref_slice %arg2[%mul3A_109, %dma_start3A_110] : memref<320000x128xf32, #tpu.memory_space<hbm>> -> memref<128x128xf32, #tpu.memory_space<hbm>>
        %dma_start3A_112 = arith.constant 0 : i32
        %dma_start3A_113 = tpu.memref_slice %arg2[%mul3A_109, %dma_start3A_112] : memref<320000x128xf32, #tpu.memory_space<hbm>> -> memref<128x128xf32, #tpu.memory_space<hbm>>
        tpu.enqueue_dma source(%dma_start3A_113 : memref<128x128xf32, #tpu.memory_space<hbm>>) target(%arg9 : memref<128x128xf32, #tpu.memory_space<vmem>>) target_semaphore(%arg15 : memref<!tpu.dma_semaphore, #tpu.memory_space<semaphore_mem>>)
        %dma_start3A_114 = arith.constant 0 : i32
        %dma_start3A_115 = arith.constant 0 : i32
        %dma_start3A_116 = tpu.memref_slice %arg11[%dma_start3A_114, %dma_start3A_115] : memref<1x128xi32, #tpu.memory_space<vmem>> -> memref<1x128xi32, #tpu.memory_space<vmem>>
        %dma_start3A_117 = tpu.memref_squeeze %dma_start3A_116 : memref<1x128xi32, #tpu.memory_space<vmem>> -> memref<128xi32, #tpu.memory_space<vmem>>
        %dma_start3A_118 = tpu.memref_slice %arg3[%mul3A_109] : memref<320000xi32, #tpu.memory_space<hbm>> -> memref<128xi32, #tpu.memory_space<hbm>>
        %dma_start3A_119 = arith.constant 0 : i32
        %dma_start3A_120 = tpu.memref_slice %arg11[%dma_start3A_114, %dma_start3A_119] : memref<1x128xi32, #tpu.memory_space<vmem>> -> memref<1x128xi32, #tpu.memory_space<vmem>>
        %dma_start3A_121 = tpu.memref_squeeze %dma_start3A_120 : memref<1x128xi32, #tpu.memory_space<vmem>> -> memref<128xi32, #tpu.memory_space<vmem>>
        %dma_start3A_122 = tpu.memref_slice %arg3[%mul3A_109] : memref<320000xi32, #tpu.memory_space<hbm>> -> memref<128xi32, #tpu.memory_space<hbm>>
        tpu.enqueue_dma source(%dma_start3A_122 : memref<128xi32, #tpu.memory_space<hbm>>) target(%dma_start3A_121 : memref<128xi32, #tpu.memory_space<vmem>>) target_semaphore(%arg15 : memref<!tpu.dma_semaphore, #tpu.memory_space<semaphore_mem>>)
      } else {
      }
    }
    %scan3A_53 = arith.constant 40 : i32
    %barrier3A_54 = arith.constant 0 : index
    tpu.barrier barrier_id(%barrier3A_54)
    %add3A_55 = arith.constant 0 : i32
    %add3A_56 = arith.addi %mul3A_2, %add3A_55 : i32
    "tpu.region"() ({
      %run_scoped3A_70 = tpu.sem_alloc : memref<!tpu.dma_semaphore, #tpu.memory_space<semaphore_mem>>
      %dma_start3A_71 = arith.constant 0 : i32
      %dma_start3A_72 = arith.constant 0 : i32
      %dma_start3A_73 = tpu.memref_slice %arg8[%dma_start3A_71, %dma_start3A_72] : memref<128x128xf32, #tpu.memory_space<vmem>> -> memref<128x128xf32, #tpu.memory_space<vmem>>
      %dma_start3A_74 = arith.constant 0 : i32
      %dma_start3A_75 = tpu.memref_slice %arg13[%add3A_56, %dma_start3A_74] : memref<10000x128xf32, #tpu.memory_space<vmem_shared>> -> memref<128x128xf32, #tpu.memory_space<vmem_shared>>
      %dma_start3A_76 = arith.constant 0 : i32
      %dma_start3A_77 = arith.constant 0 : i32
      %dma_start3A_78 = tpu.memref_slice %arg8[%dma_start3A_76, %dma_start3A_77] : memref<128x128xf32, #tpu.memory_space<vmem>> -> memref<128x128xf32, #tpu.memory_space<vmem>>
      %dma_start3A_79 = arith.constant 0 : i32
      %dma_start3A_80 = tpu.memref_slice %arg13[%add3A_56, %dma_start3A_79] : memref<10000x128xf32, #tpu.memory_space<vmem_shared>> -> memref<128x128xf32, #tpu.memory_space<vmem_shared>>
      tpu.enqueue_dma source(%dma_start3A_80 : memref<128x128xf32, #tpu.memory_space<vmem_shared>>) target(%dma_start3A_78 : memref<128x128xf32, #tpu.memory_space<vmem>>) target_semaphore(%run_scoped3A_70 : memref<!tpu.dma_semaphore, #tpu.memory_space<semaphore_mem>>)
      %dma_wait3A = arith.constant 0 : i32
      %dma_wait3A_81 = arith.constant 0 : i32
      %dma_wait3A_82 = tpu.memref_slice %arg8[%dma_wait3A, %dma_wait3A_81] : memref<128x128xf32, #tpu.memory_space<vmem>> -> memref<128x128xf32, #tpu.memory_space<vmem>>
      %dma_wait3A_83 = arith.constant 0 : i32
      %dma_wait3A_84 = tpu.memref_slice %arg13[%add3A_56, %dma_wait3A_83] : memref<10000x128xf32, #tpu.memory_space<vmem_shared>> -> memref<128x128xf32, #tpu.memory_space<vmem_shared>>
      %dma_wait3A_85 = arith.constant 0 : i32
      %dma_wait3A_86 = arith.constant 0 : i32
      %dma_wait3A_87 = tpu.memref_slice %arg8[%dma_wait3A_85, %dma_wait3A_86] : memref<128x128xf32, #tpu.memory_space<vmem>> -> memref<128x128xf32, #tpu.memory_space<vmem>>
      %dma_wait3A_88 = arith.constant 0 : i32
      %dma_wait3A_89 = tpu.memref_slice %arg13[%add3A_56, %dma_wait3A_88] : memref<10000x128xf32, #tpu.memory_space<vmem_shared>> -> memref<128x128xf32, #tpu.memory_space<vmem_shared>>
      tpu.wait_dma2 semaphore(%run_scoped3A_70 : memref<!tpu.dma_semaphore, #tpu.memory_space<semaphore_mem>>) src(%dma_wait3A_89 : memref<128x128xf32, #tpu.memory_space<vmem_shared>>) dst(%dma_wait3A_87 : memref<128x128xf32, #tpu.memory_space<vmem>>)
      tpu.yield
    }) : () -> ()
    "tpu.region"() ({
      %run_scoped3A_70 = tpu.sem_alloc : memref<!tpu.dma_semaphore, #tpu.memory_space<semaphore_mem>>
      %dma_start3A_71 = arith.constant 0 : i32
      %dma_start3A_72 = arith.constant 0 : i32
      %dma_start3A_73 = tpu.memref_slice %arg8[%dma_start3A_71, %dma_start3A_72] : memref<128x128xf32, #tpu.memory_space<vmem>> -> memref<128x128xf32, #tpu.memory_space<vmem>>
      %dma_start3A_74 = arith.constant 0 : i32
      %dma_start3A_75 = tpu.memref_slice %arg6[%arg0, %add3A_56, %dma_start3A_74] : memref<2x10240x128xf32, #tpu.memory_space<hbm>> -> memref<1x128x128xf32, #tpu.memory_space<hbm>>
      %dma_start3A_76 = tpu.memref_squeeze %dma_start3A_75 : memref<1x128x128xf32, #tpu.memory_space<hbm>> -> memref<128x128xf32, #tpu.memory_space<hbm>>
      %dma_start3A_77 = arith.constant 0 : i32
      %dma_start3A_78 = tpu.memref_slice %arg6[%arg0, %add3A_56, %dma_start3A_77] : memref<2x10240x128xf32, #tpu.memory_space<hbm>> -> memref<1x128x128xf32, #tpu.memory_space<hbm>>
      %dma_start3A_79 = tpu.memref_squeeze %dma_start3A_78 : memref<1x128x128xf32, #tpu.memory_space<hbm>> -> memref<128x128xf32, #tpu.memory_space<hbm>>
      %dma_start3A_80 = arith.constant 0 : i32
      %dma_start3A_81 = arith.constant 0 : i32
      %dma_start3A_82 = tpu.memref_slice %arg8[%dma_start3A_80, %dma_start3A_81] : memref<128x128xf32, #tpu.memory_space<vmem>> -> memref<128x128xf32, #tpu.memory_space<vmem>>
      tpu.enqueue_dma source(%dma_start3A_82 : memref<128x128xf32, #tpu.memory_space<vmem>>) target(%dma_start3A_79 : memref<128x128xf32, #tpu.memory_space<hbm>>) target_semaphore(%run_scoped3A_70 : memref<!tpu.dma_semaphore, #tpu.memory_space<semaphore_mem>>)
      %dma_wait3A = arith.constant 0 : i32
      %dma_wait3A_83 = arith.constant 0 : i32
      %dma_wait3A_84 = tpu.memref_slice %arg8[%dma_wait3A, %dma_wait3A_83] : memref<128x128xf32, #tpu.memory_space<vmem>> -> memref<128x128xf32, #tpu.memory_space<vmem>>
      %dma_wait3A_85 = arith.constant 0 : i32
      %dma_wait3A_86 = tpu.memref_slice %arg6[%arg0, %add3A_56, %dma_wait3A_85] : memref<2x10240x128xf32, #tpu.memory_space<hbm>> -> memref<1x128x128xf32, #tpu.memory_space<hbm>>
      %dma_wait3A_87 = tpu.memref_squeeze %dma_wait3A_86 : memref<1x128x128xf32, #tpu.memory_space<hbm>> -> memref<128x128xf32, #tpu.memory_space<hbm>>
      %dma_wait3A_88 = arith.constant 0 : i32
      %dma_wait3A_89 = tpu.memref_slice %arg6[%arg0, %add3A_56, %dma_wait3A_88] : memref<2x10240x128xf32, #tpu.memory_space<hbm>> -> memref<1x128x128xf32, #tpu.memory_space<hbm>>
      %dma_wait3A_90 = tpu.memref_squeeze %dma_wait3A_89 : memref<1x128x128xf32, #tpu.memory_space<hbm>> -> memref<128x128xf32, #tpu.memory_space<hbm>>
      %dma_wait3A_91 = arith.constant 0 : i32
      %dma_wait3A_92 = arith.constant 0 : i32
      %dma_wait3A_93 = tpu.memref_slice %arg8[%dma_wait3A_91, %dma_wait3A_92] : memref<128x128xf32, #tpu.memory_space<vmem>> -> memref<128x128xf32, #tpu.memory_space<vmem>>
      tpu.wait_dma2 semaphore(%run_scoped3A_70 : memref<!tpu.dma_semaphore, #tpu.memory_space<semaphore_mem>>) src(%dma_wait3A_93 : memref<128x128xf32, #tpu.memory_space<vmem>>) dst(%dma_wait3A_90 : memref<128x128xf32, #tpu.memory_space<hbm>>)
      tpu.yield
    }) : () -> ()
    %add3A_57 = arith.constant 128 : i32
    %add3A_58 = arith.addi %mul3A_2, %add3A_57 : i32
    "tpu.region"() ({
      %run_scoped3A_70 = tpu.sem_alloc : memref<!tpu.dma_semaphore, #tpu.memory_space<semaphore_mem>>
      %dma_start3A_71 = arith.constant 0 : i32
      %dma_start3A_72 = arith.constant 0 : i32
      %dma_start3A_73 = tpu.memref_slice %arg8[%dma_start3A_71, %dma_start3A_72] : memref<128x128xf32, #tpu.memory_space<vmem>> -> memref<128x128xf32, #tpu.memory_space<vmem>>
      %dma_start3A_74 = arith.constant 0 : i32
      %dma_start3A_75 = tpu.memref_slice %arg13[%add3A_58, %dma_start3A_74] : memref<10000x128xf32, #tpu.memory_space<vmem_shared>> -> memref<128x128xf32, #tpu.memory_space<vmem_shared>>
      %dma_start3A_76 = arith.constant 0 : i32
      %dma_start3A_77 = arith.constant 0 : i32
      %dma_start3A_78 = tpu.memref_slice %arg8[%dma_start3A_76, %dma_start3A_77] : memref<128x128xf32, #tpu.memory_space<vmem>> -> memref<128x128xf32, #tpu.memory_space<vmem>>
      %dma_start3A_79 = arith.constant 0 : i32
      %dma_start3A_80 = tpu.memref_slice %arg13[%add3A_58, %dma_start3A_79] : memref<10000x128xf32, #tpu.memory_space<vmem_shared>> -> memref<128x128xf32, #tpu.memory_space<vmem_shared>>
      tpu.enqueue_dma source(%dma_start3A_80 : memref<128x128xf32, #tpu.memory_space<vmem_shared>>) target(%dma_start3A_78 : memref<128x128xf32, #tpu.memory_space<vmem>>) target_semaphore(%run_scoped3A_70 : memref<!tpu.dma_semaphore, #tpu.memory_space<semaphore_mem>>)
      %dma_wait3A = arith.constant 0 : i32
      %dma_wait3A_81 = arith.constant 0 : i32
      %dma_wait3A_82 = tpu.memref_slice %arg8[%dma_wait3A, %dma_wait3A_81] : memref<128x128xf32, #tpu.memory_space<vmem>> -> memref<128x128xf32, #tpu.memory_space<vmem>>
      %dma_wait3A_83 = arith.constant 0 : i32
      %dma_wait3A_84 = tpu.memref_slice %arg13[%add3A_58, %dma_wait3A_83] : memref<10000x128xf32, #tpu.memory_space<vmem_shared>> -> memref<128x128xf32, #tpu.memory_space<vmem_shared>>
      %dma_wait3A_85 = arith.constant 0 : i32
      %dma_wait3A_86 = arith.constant 0 : i32
      %dma_wait3A_87 = tpu.memref_slice %arg8[%dma_wait3A_85, %dma_wait3A_86] : memref<128x128xf32, #tpu.memory_space<vmem>> -> memref<128x128xf32, #tpu.memory_space<vmem>>
      %dma_wait3A_88 = arith.constant 0 : i32
      %dma_wait3A_89 = tpu.memref_slice %arg13[%add3A_58, %dma_wait3A_88] : memref<10000x128xf32, #tpu.memory_space<vmem_shared>> -> memref<128x128xf32, #tpu.memory_space<vmem_shared>>
      tpu.wait_dma2 semaphore(%run_scoped3A_70 : memref<!tpu.dma_semaphore, #tpu.memory_space<semaphore_mem>>) src(%dma_wait3A_89 : memref<128x128xf32, #tpu.memory_space<vmem_shared>>) dst(%dma_wait3A_87 : memref<128x128xf32, #tpu.memory_space<vmem>>)
      tpu.yield
    }) : () -> ()
    "tpu.region"() ({
      %run_scoped3A_70 = tpu.sem_alloc : memref<!tpu.dma_semaphore, #tpu.memory_space<semaphore_mem>>
      %dma_start3A_71 = arith.constant 0 : i32
      %dma_start3A_72 = arith.constant 0 : i32
      %dma_start3A_73 = tpu.memref_slice %arg8[%dma_start3A_71, %dma_start3A_72] : memref<128x128xf32, #tpu.memory_space<vmem>> -> memref<128x128xf32, #tpu.memory_space<vmem>>
      %dma_start3A_74 = arith.constant 0 : i32
      %dma_start3A_75 = tpu.memref_slice %arg6[%arg0, %add3A_58, %dma_start3A_74] : memref<2x10240x128xf32, #tpu.memory_space<hbm>> -> memref<1x128x128xf32, #tpu.memory_space<hbm>>
      %dma_start3A_76 = tpu.memref_squeeze %dma_start3A_75 : memref<1x128x128xf32, #tpu.memory_space<hbm>> -> memref<128x128xf32, #tpu.memory_space<hbm>>
      %dma_start3A_77 = arith.constant 0 : i32
      %dma_start3A_78 = tpu.memref_slice %arg6[%arg0, %add3A_58, %dma_start3A_77] : memref<2x10240x128xf32, #tpu.memory_space<hbm>> -> memref<1x128x128xf32, #tpu.memory_space<hbm>>
      %dma_start3A_79 = tpu.memref_squeeze %dma_start3A_78 : memref<1x128x128xf32, #tpu.memory_space<hbm>> -> memref<128x128xf32, #tpu.memory_space<hbm>>
      %dma_start3A_80 = arith.constant 0 : i32
      %dma_start3A_81 = arith.constant 0 : i32
      %dma_start3A_82 = tpu.memref_slice %arg8[%dma_start3A_80, %dma_start3A_81] : memref<128x128xf32, #tpu.memory_space<vmem>> -> memref<128x128xf32, #tpu.memory_space<vmem>>
      tpu.enqueue_dma source(%dma_start3A_82 : memref<128x128xf32, #tpu.memory_space<vmem>>) target(%dma_start3A_79 : memref<128x128xf32, #tpu.memory_space<hbm>>) target_semaphore(%run_scoped3A_70 : memref<!tpu.dma_semaphore, #tpu.memory_space<semaphore_mem>>)
      %dma_wait3A = arith.constant 0 : i32
      %dma_wait3A_83 = arith.constant 0 : i32
      %dma_wait3A_84 = tpu.memref_slice %arg8[%dma_wait3A, %dma_wait3A_83] : memref<128x128xf32, #tpu.memory_space<vmem>> -> memref<128x128xf32, #tpu.memory_space<vmem>>
      %dma_wait3A_85 = arith.constant 0 : i32
      %dma_wait3A_86 = tpu.memref_slice %arg6[%arg0, %add3A_58, %dma_wait3A_85] : memref<2x10240x128xf32, #tpu.memory_space<hbm>> -> memref<1x128x128xf32, #tpu.memory_space<hbm>>
      %dma_wait3A_87 = tpu.memref_squeeze %dma_wait3A_86 : memref<1x128x128xf32, #tpu.memory_space<hbm>> -> memref<128x128xf32, #tpu.memory_space<hbm>>
      %dma_wait3A_88 = arith.constant 0 : i32
      %dma_wait3A_89 = tpu.memref_slice %arg6[%arg0, %add3A_58, %dma_wait3A_88] : memref<2x10240x128xf32, #tpu.memory_space<hbm>> -> memref<1x128x128xf32, #tpu.memory_space<hbm>>
      %dma_wait3A_90 = tpu.memref_squeeze %dma_wait3A_89 : memref<1x128x128xf32, #tpu.memory_space<hbm>> -> memref<128x128xf32, #tpu.memory_space<hbm>>
      %dma_wait3A_91 = arith.constant 0 : i32
      %dma_wait3A_92 = arith.constant 0 : i32
      %dma_wait3A_93 = tpu.memref_slice %arg8[%dma_wait3A_91, %dma_wait3A_92] : memref<128x128xf32, #tpu.memory_space<vmem>> -> memref<128x128xf32, #tpu.memory_space<vmem>>
      tpu.wait_dma2 semaphore(%run_scoped3A_70 : memref<!tpu.dma_semaphore, #tpu.memory_space<semaphore_mem>>) src(%dma_wait3A_93 : memref<128x128xf32, #tpu.memory_space<vmem>>) dst(%dma_wait3A_90 : memref<128x128xf32, #tpu.memory_space<hbm>>)
      tpu.yield
    }) : () -> ()
    %add3A_59 = arith.constant 256 : i32
    %add3A_60 = arith.addi %mul3A_2, %add3A_59 : i32
    "tpu.region"() ({
      %run_scoped3A_70 = tpu.sem_alloc : memref<!tpu.dma_semaphore, #tpu.memory_space<semaphore_mem>>
      %dma_start3A_71 = arith.constant 0 : i32
      %dma_start3A_72 = arith.constant 0 : i32
      %dma_start3A_73 = tpu.memref_slice %arg8[%dma_start3A_71, %dma_start3A_72] : memref<128x128xf32, #tpu.memory_space<vmem>> -> memref<128x128xf32, #tpu.memory_space<vmem>>
      %dma_start3A_74 = arith.constant 0 : i32
      %dma_start3A_75 = tpu.memref_slice %arg13[%add3A_60, %dma_start3A_74] : memref<10000x128xf32, #tpu.memory_space<vmem_shared>> -> memref<128x128xf32, #tpu.memory_space<vmem_shared>>
      %dma_start3A_76 = arith.constant 0 : i32
      %dma_start3A_77 = arith.constant 0 : i32
      %dma_start3A_78 = tpu.memref_slice %arg8[%dma_start3A_76, %dma_start3A_77] : memref<128x128xf32, #tpu.memory_space<vmem>> -> memref<128x128xf32, #tpu.memory_space<vmem>>
      %dma_start3A_79 = arith.constant 0 : i32
      %dma_start3A_80 = tpu.memref_slice %arg13[%add3A_60, %dma_start3A_79] : memref<10000x128xf32, #tpu.memory_space<vmem_shared>> -> memref<128x128xf32, #tpu.memory_space<vmem_shared>>
      tpu.enqueue_dma source(%dma_start3A_80 : memref<128x128xf32, #tpu.memory_space<vmem_shared>>) target(%dma_start3A_78 : memref<128x128xf32, #tpu.memory_space<vmem>>) target_semaphore(%run_scoped3A_70 : memref<!tpu.dma_semaphore, #tpu.memory_space<semaphore_mem>>)
      %dma_wait3A = arith.constant 0 : i32
      %dma_wait3A_81 = arith.constant 0 : i32
      %dma_wait3A_82 = tpu.memref_slice %arg8[%dma_wait3A, %dma_wait3A_81] : memref<128x128xf32, #tpu.memory_space<vmem>> -> memref<128x128xf32, #tpu.memory_space<vmem>>
      %dma_wait3A_83 = arith.constant 0 : i32
      %dma_wait3A_84 = tpu.memref_slice %arg13[%add3A_60, %dma_wait3A_83] : memref<10000x128xf32, #tpu.memory_space<vmem_shared>> -> memref<128x128xf32, #tpu.memory_space<vmem_shared>>
      %dma_wait3A_85 = arith.constant 0 : i32
      %dma_wait3A_86 = arith.constant 0 : i32
      %dma_wait3A_87 = tpu.memref_slice %arg8[%dma_wait3A_85, %dma_wait3A_86] : memref<128x128xf32, #tpu.memory_space<vmem>> -> memref<128x128xf32, #tpu.memory_space<vmem>>
      %dma_wait3A_88 = arith.constant 0 : i32
      %dma_wait3A_89 = tpu.memref_slice %arg13[%add3A_60, %dma_wait3A_88] : memref<10000x128xf32, #tpu.memory_space<vmem_shared>> -> memref<128x128xf32, #tpu.memory_space<vmem_shared>>
      tpu.wait_dma2 semaphore(%run_scoped3A_70 : memref<!tpu.dma_semaphore, #tpu.memory_space<semaphore_mem>>) src(%dma_wait3A_89 : memref<128x128xf32, #tpu.memory_space<vmem_shared>>) dst(%dma_wait3A_87 : memref<128x128xf32, #tpu.memory_space<vmem>>)
      tpu.yield
    }) : () -> ()
    "tpu.region"() ({
      %run_scoped3A_70 = tpu.sem_alloc : memref<!tpu.dma_semaphore, #tpu.memory_space<semaphore_mem>>
      %dma_start3A_71 = arith.constant 0 : i32
      %dma_start3A_72 = arith.constant 0 : i32
      %dma_start3A_73 = tpu.memref_slice %arg8[%dma_start3A_71, %dma_start3A_72] : memref<128x128xf32, #tpu.memory_space<vmem>> -> memref<128x128xf32, #tpu.memory_space<vmem>>
      %dma_start3A_74 = arith.constant 0 : i32
      %dma_start3A_75 = tpu.memref_slice %arg6[%arg0, %add3A_60, %dma_start3A_74] : memref<2x10240x128xf32, #tpu.memory_space<hbm>> -> memref<1x128x128xf32, #tpu.memory_space<hbm>>
      %dma_start3A_76 = tpu.memref_squeeze %dma_start3A_75 : memref<1x128x128xf32, #tpu.memory_space<hbm>> -> memref<128x128xf32, #tpu.memory_space<hbm>>
      %dma_start3A_77 = arith.constant 0 : i32
      %dma_start3A_78 = tpu.memref_slice %arg6[%arg0, %add3A_60, %dma_start3A_77] : memref<2x10240x128xf32, #tpu.memory_space<hbm>> -> memref<1x128x128xf32, #tpu.memory_space<hbm>>
      %dma_start3A_79 = tpu.memref_squeeze %dma_start3A_78 : memref<1x128x128xf32, #tpu.memory_space<hbm>> -> memref<128x128xf32, #tpu.memory_space<hbm>>
      %dma_start3A_80 = arith.constant 0 : i32
      %dma_start3A_81 = arith.constant 0 : i32
      %dma_start3A_82 = tpu.memref_slice %arg8[%dma_start3A_80, %dma_start3A_81] : memref<128x128xf32, #tpu.memory_space<vmem>> -> memref<128x128xf32, #tpu.memory_space<vmem>>
      tpu.enqueue_dma source(%dma_start3A_82 : memref<128x128xf32, #tpu.memory_space<vmem>>) target(%dma_start3A_79 : memref<128x128xf32, #tpu.memory_space<hbm>>) target_semaphore(%run_scoped3A_70 : memref<!tpu.dma_semaphore, #tpu.memory_space<semaphore_mem>>)
      %dma_wait3A = arith.constant 0 : i32
      %dma_wait3A_83 = arith.constant 0 : i32
      %dma_wait3A_84 = tpu.memref_slice %arg8[%dma_wait3A, %dma_wait3A_83] : memref<128x128xf32, #tpu.memory_space<vmem>> -> memref<128x128xf32, #tpu.memory_space<vmem>>
      %dma_wait3A_85 = arith.constant 0 : i32
      %dma_wait3A_86 = tpu.memref_slice %arg6[%arg0, %add3A_60, %dma_wait3A_85] : memref<2x10240x128xf32, #tpu.memory_space<hbm>> -> memref<1x128x128xf32, #tpu.memory_space<hbm>>
      %dma_wait3A_87 = tpu.memref_squeeze %dma_wait3A_86 : memref<1x128x128xf32, #tpu.memory_space<hbm>> -> memref<128x128xf32, #tpu.memory_space<hbm>>
      %dma_wait3A_88 = arith.constant 0 : i32
      %dma_wait3A_89 = tpu.memref_slice %arg6[%arg0, %add3A_60, %dma_wait3A_88] : memref<2x10240x128xf32, #tpu.memory_space<hbm>> -> memref<1x128x128xf32, #tpu.memory_space<hbm>>
      %dma_wait3A_90 = tpu.memref_squeeze %dma_wait3A_89 : memref<1x128x128xf32, #tpu.memory_space<hbm>> -> memref<128x128xf32, #tpu.memory_space<hbm>>
      %dma_wait3A_91 = arith.constant 0 : i32
      %dma_wait3A_92 = arith.constant 0 : i32
      %dma_wait3A_93 = tpu.memref_slice %arg8[%dma_wait3A_91, %dma_wait3A_92] : memref<128x128xf32, #tpu.memory_space<vmem>> -> memref<128x128xf32, #tpu.memory_space<vmem>>
      tpu.wait_dma2 semaphore(%run_scoped3A_70 : memref<!tpu.dma_semaphore, #tpu.memory_space<semaphore_mem>>) src(%dma_wait3A_93 : memref<128x128xf32, #tpu.memory_space<vmem>>) dst(%dma_wait3A_90 : memref<128x128xf32, #tpu.memory_space<hbm>>)
      tpu.yield
    }) : () -> ()
    %add3A_61 = arith.constant 384 : i32
    %add3A_62 = arith.addi %mul3A_2, %add3A_61 : i32
    "tpu.region"() ({
      %run_scoped3A_70 = tpu.sem_alloc : memref<!tpu.dma_semaphore, #tpu.memory_space<semaphore_mem>>
      %dma_start3A_71 = arith.constant 0 : i32
      %dma_start3A_72 = arith.constant 0 : i32
      %dma_start3A_73 = tpu.memref_slice %arg8[%dma_start3A_71, %dma_start3A_72] : memref<128x128xf32, #tpu.memory_space<vmem>> -> memref<128x128xf32, #tpu.memory_space<vmem>>
      %dma_start3A_74 = arith.constant 0 : i32
      %dma_start3A_75 = tpu.memref_slice %arg13[%add3A_62, %dma_start3A_74] : memref<10000x128xf32, #tpu.memory_space<vmem_shared>> -> memref<128x128xf32, #tpu.memory_space<vmem_shared>>
      %dma_start3A_76 = arith.constant 0 : i32
      %dma_start3A_77 = arith.constant 0 : i32
      %dma_start3A_78 = tpu.memref_slice %arg8[%dma_start3A_76, %dma_start3A_77] : memref<128x128xf32, #tpu.memory_space<vmem>> -> memref<128x128xf32, #tpu.memory_space<vmem>>
      %dma_start3A_79 = arith.constant 0 : i32
      %dma_start3A_80 = tpu.memref_slice %arg13[%add3A_62, %dma_start3A_79] : memref<10000x128xf32, #tpu.memory_space<vmem_shared>> -> memref<128x128xf32, #tpu.memory_space<vmem_shared>>
      tpu.enqueue_dma source(%dma_start3A_80 : memref<128x128xf32, #tpu.memory_space<vmem_shared>>) target(%dma_start3A_78 : memref<128x128xf32, #tpu.memory_space<vmem>>) target_semaphore(%run_scoped3A_70 : memref<!tpu.dma_semaphore, #tpu.memory_space<semaphore_mem>>)
      %dma_wait3A = arith.constant 0 : i32
      %dma_wait3A_81 = arith.constant 0 : i32
      %dma_wait3A_82 = tpu.memref_slice %arg8[%dma_wait3A, %dma_wait3A_81] : memref<128x128xf32, #tpu.memory_space<vmem>> -> memref<128x128xf32, #tpu.memory_space<vmem>>
      %dma_wait3A_83 = arith.constant 0 : i32
      %dma_wait3A_84 = tpu.memref_slice %arg13[%add3A_62, %dma_wait3A_83] : memref<10000x128xf32, #tpu.memory_space<vmem_shared>> -> memref<128x128xf32, #tpu.memory_space<vmem_shared>>
      %dma_wait3A_85 = arith.constant 0 : i32
      %dma_wait3A_86 = arith.constant 0 : i32
      %dma_wait3A_87 = tpu.memref_slice %arg8[%dma_wait3A_85, %dma_wait3A_86] : memref<128x128xf32, #tpu.memory_space<vmem>> -> memref<128x128xf32, #tpu.memory_space<vmem>>
      %dma_wait3A_88 = arith.constant 0 : i32
      %dma_wait3A_89 = tpu.memref_slice %arg13[%add3A_62, %dma_wait3A_88] : memref<10000x128xf32, #tpu.memory_space<vmem_shared>> -> memref<128x128xf32, #tpu.memory_space<vmem_shared>>
      tpu.wait_dma2 semaphore(%run_scoped3A_70 : memref<!tpu.dma_semaphore, #tpu.memory_space<semaphore_mem>>) src(%dma_wait3A_89 : memref<128x128xf32, #tpu.memory_space<vmem_shared>>) dst(%dma_wait3A_87 : memref<128x128xf32, #tpu.memory_space<vmem>>)
      tpu.yield
    }) : () -> ()
    "tpu.region"() ({
      %run_scoped3A_70 = tpu.sem_alloc : memref<!tpu.dma_semaphore, #tpu.memory_space<semaphore_mem>>
      %dma_start3A_71 = arith.constant 0 : i32
      %dma_start3A_72 = arith.constant 0 : i32
      %dma_start3A_73 = tpu.memref_slice %arg8[%dma_start3A_71, %dma_start3A_72] : memref<128x128xf32, #tpu.memory_space<vmem>> -> memref<128x128xf32, #tpu.memory_space<vmem>>
      %dma_start3A_74 = arith.constant 0 : i32
      %dma_start3A_75 = tpu.memref_slice %arg6[%arg0, %add3A_62, %dma_start3A_74] : memref<2x10240x128xf32, #tpu.memory_space<hbm>> -> memref<1x128x128xf32, #tpu.memory_space<hbm>>
      %dma_start3A_76 = tpu.memref_squeeze %dma_start3A_75 : memref<1x128x128xf32, #tpu.memory_space<hbm>> -> memref<128x128xf32, #tpu.memory_space<hbm>>
      %dma_start3A_77 = arith.constant 0 : i32
      %dma_start3A_78 = tpu.memref_slice %arg6[%arg0, %add3A_62, %dma_start3A_77] : memref<2x10240x128xf32, #tpu.memory_space<hbm>> -> memref<1x128x128xf32, #tpu.memory_space<hbm>>
      %dma_start3A_79 = tpu.memref_squeeze %dma_start3A_78 : memref<1x128x128xf32, #tpu.memory_space<hbm>> -> memref<128x128xf32, #tpu.memory_space<hbm>>
      %dma_start3A_80 = arith.constant 0 : i32
      %dma_start3A_81 = arith.constant 0 : i32
      %dma_start3A_82 = tpu.memref_slice %arg8[%dma_start3A_80, %dma_start3A_81] : memref<128x128xf32, #tpu.memory_space<vmem>> -> memref<128x128xf32, #tpu.memory_space<vmem>>
      tpu.enqueue_dma source(%dma_start3A_82 : memref<128x128xf32, #tpu.memory_space<vmem>>) target(%dma_start3A_79 : memref<128x128xf32, #tpu.memory_space<hbm>>) target_semaphore(%run_scoped3A_70 : memref<!tpu.dma_semaphore, #tpu.memory_space<semaphore_mem>>)
      %dma_wait3A = arith.constant 0 : i32
      %dma_wait3A_83 = arith.constant 0 : i32
      %dma_wait3A_84 = tpu.memref_slice %arg8[%dma_wait3A, %dma_wait3A_83] : memref<128x128xf32, #tpu.memory_space<vmem>> -> memref<128x128xf32, #tpu.memory_space<vmem>>
      %dma_wait3A_85 = arith.constant 0 : i32
      %dma_wait3A_86 = tpu.memref_slice %arg6[%arg0, %add3A_62, %dma_wait3A_85] : memref<2x10240x128xf32, #tpu.memory_space<hbm>> -> memref<1x128x128xf32, #tpu.memory_space<hbm>>
      %dma_wait3A_87 = tpu.memref_squeeze %dma_wait3A_86 : memref<1x128x128xf32, #tpu.memory_space<hbm>> -> memref<128x128xf32, #tpu.memory_space<hbm>>
      %dma_wait3A_88 = arith.constant 0 : i32
      %dma_wait3A_89 = tpu.memref_slice %arg6[%arg0, %add3A_62, %dma_wait3A_88] : memref<2x10240x128xf32, #tpu.memory_space<hbm>> -> memref<1x128x128xf32, #tpu.memory_space<hbm>>
      %dma_wait3A_90 = tpu.memref_squeeze %dma_wait3A_89 : memref<1x128x128xf32, #tpu.memory_space<hbm>> -> memref<128x128xf32, #tpu.memory_space<hbm>>
      %dma_wait3A_91 = arith.constant 0 : i32
      %dma_wait3A_92 = arith.constant 0 : i32
      %dma_wait3A_93 = tpu.memref_slice %arg8[%dma_wait3A_91, %dma_wait3A_92] : memref<128x128xf32, #tpu.memory_space<vmem>> -> memref<128x128xf32, #tpu.memory_space<vmem>>
      tpu.wait_dma2 semaphore(%run_scoped3A_70 : memref<!tpu.dma_semaphore, #tpu.memory_space<semaphore_mem>>) src(%dma_wait3A_93 : memref<128x128xf32, #tpu.memory_space<vmem>>) dst(%dma_wait3A_90 : memref<128x128xf32, #tpu.memory_space<hbm>>)
      tpu.yield
    }) : () -> ()
    %add3A_63 = arith.constant 512 : i32
    %add3A_64 = arith.addi %mul3A_2, %add3A_63 : i32
    "tpu.region"() ({
      %run_scoped3A_70 = tpu.sem_alloc : memref<!tpu.dma_semaphore, #tpu.memory_space<semaphore_mem>>
      %dma_start3A_71 = arith.constant 0 : i32
      %dma_start3A_72 = arith.constant 0 : i32
      %dma_start3A_73 = tpu.memref_slice %arg8[%dma_start3A_71, %dma_start3A_72] : memref<128x128xf32, #tpu.memory_space<vmem>> -> memref<112x128xf32, #tpu.memory_space<vmem>>
      %dma_start3A_74 = arith.constant 0 : i32
      %dma_start3A_75 = tpu.memref_slice %arg13[%add3A_64, %dma_start3A_74] : memref<10000x128xf32, #tpu.memory_space<vmem_shared>> -> memref<112x128xf32, #tpu.memory_space<vmem_shared>>
      %dma_start3A_76 = arith.constant 0 : i32
      %dma_start3A_77 = arith.constant 0 : i32
      %dma_start3A_78 = tpu.memref_slice %arg8[%dma_start3A_76, %dma_start3A_77] : memref<128x128xf32, #tpu.memory_space<vmem>> -> memref<112x128xf32, #tpu.memory_space<vmem>>
      %dma_start3A_79 = arith.constant 0 : i32
      %dma_start3A_80 = tpu.memref_slice %arg13[%add3A_64, %dma_start3A_79] : memref<10000x128xf32, #tpu.memory_space<vmem_shared>> -> memref<112x128xf32, #tpu.memory_space<vmem_shared>>
      tpu.enqueue_dma source(%dma_start3A_80 : memref<112x128xf32, #tpu.memory_space<vmem_shared>>) target(%dma_start3A_78 : memref<112x128xf32, #tpu.memory_space<vmem>>) target_semaphore(%run_scoped3A_70 : memref<!tpu.dma_semaphore, #tpu.memory_space<semaphore_mem>>)
      %dma_wait3A = arith.constant 0 : i32
      %dma_wait3A_81 = arith.constant 0 : i32
      %dma_wait3A_82 = tpu.memref_slice %arg8[%dma_wait3A, %dma_wait3A_81] : memref<128x128xf32, #tpu.memory_space<vmem>> -> memref<112x128xf32, #tpu.memory_space<vmem>>
      %dma_wait3A_83 = arith.constant 0 : i32
      %dma_wait3A_84 = tpu.memref_slice %arg13[%add3A_64, %dma_wait3A_83] : memref<10000x128xf32, #tpu.memory_space<vmem_shared>> -> memref<112x128xf32, #tpu.memory_space<vmem_shared>>
      %dma_wait3A_85 = arith.constant 0 : i32
      %dma_wait3A_86 = arith.constant 0 : i32
      %dma_wait3A_87 = tpu.memref_slice %arg8[%dma_wait3A_85, %dma_wait3A_86] : memref<128x128xf32, #tpu.memory_space<vmem>> -> memref<112x128xf32, #tpu.memory_space<vmem>>
      %dma_wait3A_88 = arith.constant 0 : i32
      %dma_wait3A_89 = tpu.memref_slice %arg13[%add3A_64, %dma_wait3A_88] : memref<10000x128xf32, #tpu.memory_space<vmem_shared>> -> memref<112x128xf32, #tpu.memory_space<vmem_shared>>
      tpu.wait_dma2 semaphore(%run_scoped3A_70 : memref<!tpu.dma_semaphore, #tpu.memory_space<semaphore_mem>>) src(%dma_wait3A_89 : memref<112x128xf32, #tpu.memory_space<vmem_shared>>) dst(%dma_wait3A_87 : memref<112x128xf32, #tpu.memory_space<vmem>>)
      tpu.yield
    }) : () -> ()
    "tpu.region"() ({
      %run_scoped3A_70 = tpu.sem_alloc : memref<!tpu.dma_semaphore, #tpu.memory_space<semaphore_mem>>
      %dma_start3A_71 = arith.constant 0 : i32
      %dma_start3A_72 = arith.constant 0 : i32
      %dma_start3A_73 = tpu.memref_slice %arg8[%dma_start3A_71, %dma_start3A_72] : memref<128x128xf32, #tpu.memory_space<vmem>> -> memref<112x128xf32, #tpu.memory_space<vmem>>
      %dma_start3A_74 = arith.constant 0 : i32
      %dma_start3A_75 = tpu.memref_slice %arg6[%arg0, %add3A_64, %dma_start3A_74] : memref<2x10240x128xf32, #tpu.memory_space<hbm>> -> memref<1x112x128xf32, #tpu.memory_space<hbm>>
      %dma_start3A_76 = tpu.memref_squeeze %dma_start3A_75 : memref<1x112x128xf32, #tpu.memory_space<hbm>> -> memref<112x128xf32, #tpu.memory_space<hbm>>
      %dma_start3A_77 = arith.constant 0 : i32
      %dma_start3A_78 = tpu.memref_slice %arg6[%arg0, %add3A_64, %dma_start3A_77] : memref<2x10240x128xf32, #tpu.memory_space<hbm>> -> memref<1x112x128xf32, #tpu.memory_space<hbm>>
      %dma_start3A_79 = tpu.memref_squeeze %dma_start3A_78 : memref<1x112x128xf32, #tpu.memory_space<hbm>> -> memref<112x128xf32, #tpu.memory_space<hbm>>
      %dma_start3A_80 = arith.constant 0 : i32
      %dma_start3A_81 = arith.constant 0 : i32
      %dma_start3A_82 = tpu.memref_slice %arg8[%dma_start3A_80, %dma_start3A_81] : memref<128x128xf32, #tpu.memory_space<vmem>> -> memref<112x128xf32, #tpu.memory_space<vmem>>
      tpu.enqueue_dma source(%dma_start3A_82 : memref<112x128xf32, #tpu.memory_space<vmem>>) target(%dma_start3A_79 : memref<112x128xf32, #tpu.memory_space<hbm>>) target_semaphore(%run_scoped3A_70 : memref<!tpu.dma_semaphore, #tpu.memory_space<semaphore_mem>>)
      %dma_wait3A = arith.constant 0 : i32
      %dma_wait3A_83 = arith.constant 0 : i32
      %dma_wait3A_84 = tpu.memref_slice %arg8[%dma_wait3A, %dma_wait3A_83] : memref<128x128xf32, #tpu.memory_space<vmem>> -> memref<112x128xf32, #tpu.memory_space<vmem>>
      %dma_wait3A_85 = arith.constant 0 : i32
      %dma_wait3A_86 = tpu.memref_slice %arg6[%arg0, %add3A_64, %dma_wait3A_85] : memref<2x10240x128xf32, #tpu.memory_space<hbm>> -> memref<1x112x128xf32, #tpu.memory_space<hbm>>
      %dma_wait3A_87 = tpu.memref_squeeze %dma_wait3A_86 : memref<1x112x128xf32, #tpu.memory_space<hbm>> -> memref<112x128xf32, #tpu.memory_space<hbm>>
      %dma_wait3A_88 = arith.constant 0 : i32
      %dma_wait3A_89 = tpu.memref_slice %arg6[%arg0, %add3A_64, %dma_wait3A_88] : memref<2x10240x128xf32, #tpu.memory_space<hbm>> -> memref<1x112x128xf32, #tpu.memory_space<hbm>>
      %dma_wait3A_90 = tpu.memref_squeeze %dma_wait3A_89 : memref<1x112x128xf32, #tpu.memory_space<hbm>> -> memref<112x128xf32, #tpu.memory_space<hbm>>
      %dma_wait3A_91 = arith.constant 0 : i32
      %dma_wait3A_92 = arith.constant 0 : i32
      %dma_wait3A_93 = tpu.memref_slice %arg8[%dma_wait3A_91, %dma_wait3A_92] : memref<128x128xf32, #tpu.memory_space<vmem>> -> memref<112x128xf32, #tpu.memory_space<vmem>>
      tpu.wait_dma2 semaphore(%run_scoped3A_70 : memref<!tpu.dma_semaphore, #tpu.memory_space<semaphore_mem>>) src(%dma_wait3A_93 : memref<112x128xf32, #tpu.memory_space<vmem>>) dst(%dma_wait3A_90 : memref<112x128xf32, #tpu.memory_space<hbm>>)
      tpu.yield
    }) : () -> ()
    %eq3A_65 = arith.constant 15 : i32
    %eq3A_66 = arith.cmpi eq, %arg1, %eq3A_65 : i32
    %convert_element_type3A_67 = arith.extui %eq3A_66 : i1 to i32
    %cond3A_68 = arith.constant 0 : i32
    %cond3A_69 = arith.cmpi ne, %convert_element_type3A_67, %cond3A_68 : i32
    scf.if %cond3A_69 {
      "tpu.region"() ({
        %run_scoped3A_70 = tpu.sem_alloc : memref<!tpu.dma_semaphore, #tpu.memory_space<semaphore_mem>>
        %dma_start3A_71 = arith.constant 0 : i32
        %dma_start3A_72 = arith.constant 0 : i32
        %dma_start3A_73 = tpu.memref_slice %arg8[%dma_start3A_71, %dma_start3A_72] : memref<128x128xf32, #tpu.memory_space<vmem>> -> memref<16x128xf32, #tpu.memory_space<vmem>>
        %dma_start3A_74 = arith.constant 9984 : i32
        %dma_start3A_75 = arith.constant 0 : i32
        %dma_start3A_76 = tpu.memref_slice %arg13[%dma_start3A_74, %dma_start3A_75] : memref<10000x128xf32, #tpu.memory_space<vmem_shared>> -> memref<16x128xf32, #tpu.memory_space<vmem_shared>>
        %dma_start3A_77 = arith.constant 0 : i32
        %dma_start3A_78 = arith.constant 0 : i32
        %dma_start3A_79 = tpu.memref_slice %arg8[%dma_start3A_77, %dma_start3A_78] : memref<128x128xf32, #tpu.memory_space<vmem>> -> memref<16x128xf32, #tpu.memory_space<vmem>>
        %dma_start3A_80 = arith.constant 9984 : i32
        %dma_start3A_81 = arith.constant 0 : i32
        %dma_start3A_82 = tpu.memref_slice %arg13[%dma_start3A_80, %dma_start3A_81] : memref<10000x128xf32, #tpu.memory_space<vmem_shared>> -> memref<16x128xf32, #tpu.memory_space<vmem_shared>>
        tpu.enqueue_dma source(%dma_start3A_82 : memref<16x128xf32, #tpu.memory_space<vmem_shared>>) target(%dma_start3A_79 : memref<16x128xf32, #tpu.memory_space<vmem>>) target_semaphore(%run_scoped3A_70 : memref<!tpu.dma_semaphore, #tpu.memory_space<semaphore_mem>>)
        %dma_wait3A = arith.constant 0 : i32
        %dma_wait3A_83 = arith.constant 0 : i32
        %dma_wait3A_84 = tpu.memref_slice %arg8[%dma_wait3A, %dma_wait3A_83] : memref<128x128xf32, #tpu.memory_space<vmem>> -> memref<16x128xf32, #tpu.memory_space<vmem>>
        %dma_wait3A_85 = arith.constant 9984 : i32
        %dma_wait3A_86 = arith.constant 0 : i32
        %dma_wait3A_87 = tpu.memref_slice %arg13[%dma_wait3A_85, %dma_wait3A_86] : memref<10000x128xf32, #tpu.memory_space<vmem_shared>> -> memref<16x128xf32, #tpu.memory_space<vmem_shared>>
        %dma_wait3A_88 = arith.constant 0 : i32
        %dma_wait3A_89 = arith.constant 0 : i32
        %dma_wait3A_90 = tpu.memref_slice %arg8[%dma_wait3A_88, %dma_wait3A_89] : memref<128x128xf32, #tpu.memory_space<vmem>> -> memref<16x128xf32, #tpu.memory_space<vmem>>
        %dma_wait3A_91 = arith.constant 9984 : i32
        %dma_wait3A_92 = arith.constant 0 : i32
        %dma_wait3A_93 = tpu.memref_slice %arg13[%dma_wait3A_91, %dma_wait3A_92] : memref<10000x128xf32, #tpu.memory_space<vmem_shared>> -> memref<16x128xf32, #tpu.memory_space<vmem_shared>>
        tpu.wait_dma2 semaphore(%run_scoped3A_70 : memref<!tpu.dma_semaphore, #tpu.memory_space<semaphore_mem>>) src(%dma_wait3A_93 : memref<16x128xf32, #tpu.memory_space<vmem_shared>>) dst(%dma_wait3A_90 : memref<16x128xf32, #tpu.memory_space<vmem>>)
        tpu.yield
      }) : () -> ()
      "tpu.region"() ({
        %run_scoped3A_70 = tpu.sem_alloc : memref<!tpu.dma_semaphore, #tpu.memory_space<semaphore_mem>>
        %dma_start3A_71 = arith.constant 0 : i32
        %dma_start3A_72 = arith.constant 0 : i32
        %dma_start3A_73 = tpu.memref_slice %arg8[%dma_start3A_71, %dma_start3A_72] : memref<128x128xf32, #tpu.memory_space<vmem>> -> memref<16x128xf32, #tpu.memory_space<vmem>>
        %dma_start3A_74 = arith.constant 9984 : i32
        %dma_start3A_75 = arith.constant 0 : i32
        %dma_start3A_76 = tpu.memref_slice %arg6[%arg0, %dma_start3A_74, %dma_start3A_75] : memref<2x10240x128xf32, #tpu.memory_space<hbm>> -> memref<1x16x128xf32, #tpu.memory_space<hbm>>
        %dma_start3A_77 = tpu.memref_squeeze %dma_start3A_76 : memref<1x16x128xf32, #tpu.memory_space<hbm>> -> memref<16x128xf32, #tpu.memory_space<hbm>>
        %dma_start3A_78 = arith.constant 9984 : i32
        %dma_start3A_79 = arith.constant 0 : i32
        %dma_start3A_80 = tpu.memref_slice %arg6[%arg0, %dma_start3A_78, %dma_start3A_79] : memref<2x10240x128xf32, #tpu.memory_space<hbm>> -> memref<1x16x128xf32, #tpu.memory_space<hbm>>
        %dma_start3A_81 = tpu.memref_squeeze %dma_start3A_80 : memref<1x16x128xf32, #tpu.memory_space<hbm>> -> memref<16x128xf32, #tpu.memory_space<hbm>>
        %dma_start3A_82 = arith.constant 0 : i32
        %dma_start3A_83 = arith.constant 0 : i32
        %dma_start3A_84 = tpu.memref_slice %arg8[%dma_start3A_82, %dma_start3A_83] : memref<128x128xf32, #tpu.memory_space<vmem>> -> memref<16x128xf32, #tpu.memory_space<vmem>>
        tpu.enqueue_dma source(%dma_start3A_84 : memref<16x128xf32, #tpu.memory_space<vmem>>) target(%dma_start3A_81 : memref<16x128xf32, #tpu.memory_space<hbm>>) target_semaphore(%run_scoped3A_70 : memref<!tpu.dma_semaphore, #tpu.memory_space<semaphore_mem>>)
        %dma_wait3A = arith.constant 0 : i32
        %dma_wait3A_85 = arith.constant 0 : i32
        %dma_wait3A_86 = tpu.memref_slice %arg8[%dma_wait3A, %dma_wait3A_85] : memref<128x128xf32, #tpu.memory_space<vmem>> -> memref<16x128xf32, #tpu.memory_space<vmem>>
        %dma_wait3A_87 = arith.constant 9984 : i32
        %dma_wait3A_88 = arith.constant 0 : i32
        %dma_wait3A_89 = tpu.memref_slice %arg6[%arg0, %dma_wait3A_87, %dma_wait3A_88] : memref<2x10240x128xf32, #tpu.memory_space<hbm>> -> memref<1x16x128xf32, #tpu.memory_space<hbm>>
        %dma_wait3A_90 = tpu.memref_squeeze %dma_wait3A_89 : memref<1x16x128xf32, #tpu.memory_space<hbm>> -> memref<16x128xf32, #tpu.memory_space<hbm>>
        %dma_wait3A_91 = arith.constant 9984 : i32
        %dma_wait3A_92 = arith.constant 0 : i32
        %dma_wait3A_93 = tpu.memref_slice %arg6[%arg0, %dma_wait3A_91, %dma_wait3A_92] : memref<2x10240x128xf32, #tpu.memory_space<hbm>> -> memref<1x16x128xf32, #tpu.memory_space<hbm>>
        %dma_wait3A_94 = tpu.memref_squeeze %dma_wait3A_93 : memref<1x16x128xf32, #tpu.memory_space<hbm>> -> memref<16x128xf32, #tpu.memory_space<hbm>>
        %dma_wait3A_95 = arith.constant 0 : i32
        %dma_wait3A_96 = arith.constant 0 : i32
        %dma_wait3A_97 = tpu.memref_slice %arg8[%dma_wait3A_95, %dma_wait3A_96] : memref<128x128xf32, #tpu.memory_space<vmem>> -> memref<16x128xf32, #tpu.memory_space<vmem>>
        tpu.wait_dma2 semaphore(%run_scoped3A_70 : memref<!tpu.dma_semaphore, #tpu.memory_space<semaphore_mem>>) src(%dma_wait3A_97 : memref<16x128xf32, #tpu.memory_space<vmem>>) dst(%dma_wait3A_94 : memref<16x128xf32, #tpu.memory_space<hbm>>)
        tpu.yield
      }) : () -> ()
    } else {
    }
    %run_scoped3A = arith.constant 0 : i32
    "tpu.region"() ({
      %run_scoped3A_70 = tpu.sem_alloc : memref<!tpu.dma_semaphore, #tpu.memory_space<semaphore_mem>>
      %dma_start3A_71 = arith.constant 0 : i32
      %dma_start3A_72 = tpu.memref_slice %arg7[%add3A, %run_scoped3A, %dma_start3A_71] : memref<32x1x10240xf32, #tpu.memory_space<hbm>> -> memref<1x1x10240xf32, #tpu.memory_space<hbm>>
      %dma_start3A_73 = tpu.memref_squeeze %dma_start3A_72 : memref<1x1x10240xf32, #tpu.memory_space<hbm>> -> memref<10240xf32, #tpu.memory_space<hbm>>
      %dma_start3A_74 = arith.constant 0 : i32
      %dma_start3A_75 = tpu.memref_slice %arg7[%add3A, %run_scoped3A, %dma_start3A_74] : memref<32x1x10240xf32, #tpu.memory_space<hbm>> -> memref<1x1x10240xf32, #tpu.memory_space<hbm>>
      %dma_start3A_76 = tpu.memref_squeeze %dma_start3A_75 : memref<1x1x10240xf32, #tpu.memory_space<hbm>> -> memref<10240xf32, #tpu.memory_space<hbm>>
      tpu.enqueue_dma source(%arg12 : memref<10240xf32, #tpu.memory_space<vmem>>) target(%dma_start3A_76 : memref<10240xf32, #tpu.memory_space<hbm>>) target_semaphore(%run_scoped3A_70 : memref<!tpu.dma_semaphore, #tpu.memory_space<semaphore_mem>>)
      %dma_wait3A = arith.constant 0 : i32
      %dma_wait3A_77 = tpu.memref_slice %arg7[%add3A, %run_scoped3A, %dma_wait3A] : memref<32x1x10240xf32, #tpu.memory_space<hbm>> -> memref<1x1x10240xf32, #tpu.memory_space<hbm>>
      %dma_wait3A_78 = tpu.memref_squeeze %dma_wait3A_77 : memref<1x1x10240xf32, #tpu.memory_space<hbm>> -> memref<10240xf32, #tpu.memory_space<hbm>>
      %dma_wait3A_79 = arith.constant 0 : i32
      %dma_wait3A_80 = tpu.memref_slice %arg7[%add3A, %run_scoped3A, %dma_wait3A_79] : memref<32x1x10240xf32, #tpu.memory_space<hbm>> -> memref<1x1x10240xf32, #tpu.memory_space<hbm>>
      %dma_wait3A_81 = tpu.memref_squeeze %dma_wait3A_80 : memref<1x1x10240xf32, #tpu.memory_space<hbm>> -> memref<10240xf32, #tpu.memory_space<hbm>>
      tpu.wait_dma2 semaphore(%run_scoped3A_70 : memref<!tpu.dma_semaphore, #tpu.memory_space<semaphore_mem>>) src(%arg12 : memref<10240xf32, #tpu.memory_space<vmem>>) dst(%dma_wait3A_81 : memref<10240xf32, #tpu.memory_space<hbm>>)
      tpu.yield
    }) : () -> ()
    return
  }
}

module attributes {stable_mosaic.version = 14 : i64} {
  func.func @_finish_body(%arg0: i32, %arg1: memref<2x1024x128xf32, #tpu.memory_space<vmem>>, %arg2: memref<32x1x1024xf32, #tpu.memory_space<vmem>>, %arg3: memref<128x512xf32, #tpu.memory_space<vmem>>, %arg4: memref<1024x512xf32, #tpu.memory_space<vmem>>) attributes {dimension_semantics = [#tpu.dimension_semantics<arbitrary>], iteration_bounds = array<i64: 10>, scalar_prefetch = 0 : i64, scratch_operands = 0 : i64, tpu.core_type = #tpu.core_type<tc>, window_params = [{transform_indices = @transform_0, window_bounds = array<i64: 2, 1024, 128>}, {transform_indices = @transform_1, window_bounds = array<i64: 32, 1, 1024>}, {pipeline_mode = #tpu.pipeline_mode<synchronous>, transform_indices = @transform_2, window_bounds = array<i64: 128, 512>}, {transform_indices = @transform_3, window_bounds = array<i64: 1024, 512>}]} {
    %get3A = arith.constant 0 : index
    %get3A_0 = arith.constant 0 : index
    %get3A_1 = arith.constant 0 : index
    %get3A_2 = vector.load %arg1[%get3A, %get3A_0, %get3A_1] : memref<2x1024x128xf32, #tpu.memory_space<vmem>>, vector<1x1024x128xf32>
    %get3A_3 = vector.shape_cast %get3A_2 : vector<1x1024x128xf32> to vector<1024x128xf32>
    %get3A_4 = arith.constant 1 : index
    %get3A_5 = arith.constant 0 : index
    %get3A_6 = arith.constant 0 : index
    %get3A_7 = vector.load %arg1[%get3A_4, %get3A_5, %get3A_6] : memref<2x1024x128xf32, #tpu.memory_space<vmem>>, vector<1x1024x128xf32>
    %get3A_8 = vector.shape_cast %get3A_7 : vector<1x1024x128xf32> to vector<1024x128xf32>
    %add3A = arith.addf %get3A_3, %get3A_8 : vector<1024x128xf32>
    %get3A_9 = arith.constant 0 : index
    %get3A_10 = arith.constant 0 : index
    %get3A_11 = arith.constant 0 : index
    %get3A_12 = vector.load %arg2[%get3A_9, %get3A_10, %get3A_11] : memref<32x1x1024xf32, #tpu.memory_space<vmem>>, vector<32x1x1024xf32>
    %get3A_13 = vector.shape_cast %get3A_12 : vector<32x1x1024xf32> to vector<32x1024xf32>
    %reduce_sum3A = arith.constant dense<0.000000e+00> : vector<1024xf32>
    %reduce_sum3A_14 = vector.multi_reduction <add>, %get3A_13, %reduce_sum3A [0] : vector<32x1024xf32> to vector<1024xf32>
    %broadcast_in_dim3A = vector.shape_cast %reduce_sum3A_14 : vector<1024xf32> to vector<1024x1xf32>
    %max3A = arith.constant 1.000000e+00 : f32
    %max3A_15 = vector.broadcast %max3A : f32 to vector<1024x1xf32>
    %max3A_16 = arith.maximumf %broadcast_in_dim3A, %max3A_15 : vector<1024x1xf32>
    %div3A = arith.constant 1.000000e+00 : f32
    %div3A_17 = vector.broadcast %div3A : f32 to vector<1024x1xf32>
    %div3A_18 = arith.divf %div3A_17, %max3A_16 : vector<1024x1xf32>
    %mul3A = vector.broadcast %div3A_18 : vector<1024x1xf32> to vector<1024x128xf32>
    %mul3A_19 = arith.mulf %add3A, %mul3A : vector<1024x128xf32>
    %get3A_20 = arith.constant 0 : index
    %get3A_21 = arith.constant 0 : index
    %get3A_22 = vector.load %arg3[%get3A_20, %get3A_21] : memref<128x512xf32, #tpu.memory_space<vmem>>, vector<128x512xf32>
    %dot_general3A = arith.constant dense<0.000000e+00> : vector<1024x512xf32>
    %dot_general3A_23 = tpu.matmul %mul3A_19, %get3A_22, %dot_general3A {dimension_numbers = #tpu.dot_dimension_numbers<[1], [0], [0], [1], [0, 0, 1, 1], [], []>, precision = #tpu.contract_precision<fp32>, transpose_lhs_hint = false} : vector<1024x128xf32>, vector<128x512xf32>, vector<1024x512xf32> -> vector<1024x512xf32>
    %swap3A = arith.constant 0 : index
    %swap3A_24 = arith.constant 0 : index
    %swap3A_25 = vector.load %arg4[%swap3A, %swap3A_24] : memref<1024x512xf32, #tpu.memory_space<vmem>>, vector<1024x512xf32>
    tpu.vector_store %arg4[%swap3A, %swap3A_24], %dot_general3A_23 {strides = array<i32>} : memref<1024x512xf32, #tpu.memory_space<vmem>>, vector<1024x512xf32>,
    return
  }
  func.func @transform_0(%arg0: i32) -> (i32, i32, i32) {
    %c0_i32 = arith.constant 0 : i32
    %c0_i32_0 = arith.constant 0 : i32
    %c0_i32_1 = arith.constant 0 : i32
    return %c0_i32, %arg0, %c0_i32_0 : i32, i32, i32
  }
  func.func @transform_1(%arg0: i32) -> (i32, i32, i32) {
    %c0_i32 = arith.constant 0 : i32
    %c0_i32_0 = arith.constant 0 : i32
    %c0_i32_1 = arith.constant 0 : i32
    return %c0_i32, %c0_i32_0, %arg0 : i32, i32, i32
  }
  func.func @transform_2(%arg0: i32) -> (i32, i32) {
    %c0_i32 = arith.constant 0 : i32
    %c0_i32_0 = arith.constant 0 : i32
    %c0_i32_1 = arith.constant 0 : i32
    return %c0_i32, %c0_i32_0 : i32, i32
  }
  func.func @transform_3(%arg0: i32) -> (i32, i32) {
    %c0_i32 = arith.constant 0 : i32
    %c0_i32_0 = arith.constant 0 : i32
    return %arg0, %c0_i32 : i32, i32
  }
}

</mosaic_0001>

<sc_bundles>
// kernel: kernel.4.cloned.1.call-start
scs
__scs_entry_jumppad:
0x0: {  	(pc) =	sbr.rel $0x88, $3  }
0x1: {  	(tag) =	ssettag $0x0;
	lr =	simm.s32 $0x1  }
0x2: {  	[smem:$0x3F9E] =	sst lr;
	_ =	strace $0xD0000000  }
0x3: {  	_ = 	snop  }
0x4: {  	_ = 	snop  }
0x5: {  	_ = 	snop  }
0x6: {  	_ = 	snop  }
0x7: {  	_ = 	snop  }
__scs_overlays_trampoline_lowered:
0x8: {  	[smem:$0x3FAD] =	sst s0  }
0x9: {  	[smem:$0x3FAE] =	sst s1  }
0xa: {  	[smem:$0x3FAF] =	sst s2  }
0xb: {  	[smem:$0x3FB0] =	sst s3  }
0xc: {  	[smem:$0x3FB1] =	sst s4  }
0xd: {  	[smem:$0x3FB2] =	sst s5  }
0xe: {  	[smem:$0x3FB3] =	sst s6  }
0xf: {  	[smem:$0x3FB4] =	sst s7  }
0x10: {  	[smem:$0x3FB5] =	sst s8  }
0x11: {  	[smem:$0x3FB6] =	sst s9;
	s0 =	simm.s32 @!p0 $0x0  }
0x12: {  	s1 =	sld [smem:$0x3F9C];
	s0 =	simm.s32 @p0 $0x1  }
0x13: {  	[smem:$0x3FB7] =	sst s0;
	s0 =	simm.s32 @!p1 $0x0  }
0x14: {  	s2 =	sld [smem:$0x3F9B];
	s0 =	simm.s32 @p1 $0x1  }
0x15: {  	[smem:$0x3FB8] =	sst s0;
	s0 =	simm.s32 @!p2 $0x0  }
0x16: {  	s3 =	sld [smem:$0x3FDB];
	s0 =	simm.s32 @p2 $0x1  }
0x17: {  	s4 =	simm.s32 $0x1BF5;
	[smem:$0x3FBA] =	sst s0  }
0x18: {  	s0 =	sld [smem:$0x3F9D];
	_ =	swait.ge [sflag:s4], $0x0  }
0x19: {  	s7 =	sld [smem:$0x3F9E]  }
0x1a: {  	s8 =	sadd.s32 $0xFFFFE003, lr  }
0x1b: {  	s9 =	sadd.s32 $0xFFFFFEF7, lr;
	s5 =	simm.s32 $0xFFFFFFFF;
	p2 =	slt.u32 s8, $0xFFFFF086  }
0x1c: {  	p1 =	slt.u32 s9, $0xF7A;
	s5 =	simm.s32 @!p2 $0x0  }
0x1d: {  	s5 =	simm.s32 @p1 $0x1;
	p0 =	seq.s32 s7, s2  }
0x1e: {  	s7 =	smul.u32 @!p0 $0xF7A, s2;
	p2 =	seq.s32 @!p0 s5, $0x0  }
0x1f: {  	s9 =	smul.u32 $0xF7A, s1;
	s8 =	simm.s32 @!p0 $0x1BF5;
	p2 =	por !p2, p0  }
0x20: {  	[sflag:s8] =	ssyncset.s32 @!p0 $0xFFFFF086;
	s6 =	sadd.s32 @!p0 s3, s7;
	s7 =	simm.s32 @!p0 $0x108  }
0x21: {  	s3 =	sadd.s32 s3, s9;
	s6 =	sadd.s32 @!p0 $0x88, s6;
	s7 =	simm.s32 @p2 $0x1082  }
0x22: {  	[simem:s7], [sflag:s8] =	dma.local @!p0 [hbm:s6], $0xF7A  }
0x23: {  	s9 =	sor.u32 $0xD0000000, s2;
	s6 =	simm.s32 $0x108;
	_ =	swait.ge @!p0 [sflag:s8], $0x0  }
0x24: {  	s3 =	sadd.s32 $0x88, s3;
	s6 =	simm.s32 @!p1 $0x1082;
	[sflag:s4] =	ssyncset.s32 $0xFFFFF086  }
0x25: {  	[simem:s6], [sflag:s4] =	dma.local [hbm:s3], $0xF7A  }
0x26: {  	[smem:$0x3F9E] =	sst s1;
	(tag) =	ssettag s2;
	_ =	strace s9  }
0x27: {  	s1 =	sld [smem:$0x3FAE]  }
0x28: {  	s2 =	sld [smem:$0x3FAF]  }
0x29: {  	s4 =	sld [smem:$0x3FB1]  }
0x2a: {  	p0 =	seq.s32 s5, $0x0;
	s5 =	sld [smem:$0x3FB2]  }
0x2b: {  	s6 =	sld [smem:$0x3FB3]  }
0x2c: {  	s7 =	sld [smem:$0x3FB4]  }
0x2d: {  	s3 =	simm.s32 $0x108;
	s8 =	sld [smem:$0x3FB5]  }
0x2e: {  	s3 =	simm.s32 @!p0 $0x1082;
	s9 =	sld [smem:$0x3FB6]  }
0x2f: {  	lr =	sadd.s32 s0, s3;
	s0 =	sld [smem:$0x3FAD]  }
0x30: {  	s3 =	sld [smem:$0x3FB0]  }
0x31: {  	[smem:$0x3FB9] =	sst s10  }
0x32: {  	s10 =	sld [smem:$0x3FB7];
	_ =	sdelay $0x3  }
0x33: {  	p0 =	seq.s32 s10, $0x1;
	s10 =	sld [smem:$0x3FB9];
	_ =	sdelay $0x3  }
0x34: {  	[smem:$0x3FB9] =	sst s10  }
0x35: {  	s10 =	sld [smem:$0x3FB8];
	_ =	sdelay $0x3  }
0x36: {  	p1 =	seq.s32 s10, $0x1;
	s10 =	sld [smem:$0x3FB9];
	_ =	sdelay $0x3  }
0x37: {  	[smem:$0x3FB9] =	sst s10  }
0x38: {  	s10 =	sld [smem:$0x3FBA]  }
0x39: {  	_ = 	snop;
	(pc) =	sbr.ind lr, $3  }
0x3a: {  	_ = 	snop  }
0x3b: {  	_ = 	snop  }
0x3c: {  	p2 =	seq.s32 s10, $0x1;
	s10 =	sld [smem:$0x3FB9]  }
0x3d: {  	_ =	shalt  }
0x3e: {  	_ =	shalt  }
0x3f: {  	_ =	shalt  }
0x40: {  	_ =	shalt  }
0x41: {  	_ =	shalt  }
0x42: {  	_ =	shalt  }
0x43: {  	_ =	shalt  }
0x44: {  	_ =	shalt  }
0x45: {  	_ =	shalt  }
0x46: {  	_ =	shalt  }
0x47: {  	_ =	shalt  }
0x48: {  	_ =	shalt  }
0x49: {  	_ =	shalt  }
0x4a: {  	_ =	shalt  }
0x4b: {  	_ =	shalt  }
0x4c: {  	_ =	shalt  }
0x4d: {  	_ =	shalt  }
0x4e: {  	_ =	shalt  }
0x4f: {  	_ =	shalt  }
0x50: {  	_ =	shalt  }
0x51: {  	_ =	shalt  }
0x52: {  	_ =	shalt  }
0x53: {  	_ =	shalt  }
0x54: {  	_ =	shalt  }
0x55: {  	_ =	shalt  }
0x56: {  	_ =	shalt  }
0x57: {  	_ =	shalt  }
0x58: {  	_ =	shalt  }
0x59: {  	_ =	shalt  }
0x5a: {  	_ =	shalt  }
0x5b: {  	_ =	shalt  }
0x5c: {  	_ =	shalt  }
0x5d: {  	_ =	shalt  }
0x5e: {  	_ =	shalt  }
0x5f: {  	_ =	shalt  }
0x60: {  	_ =	shalt  }
0x61: {  	_ =	shalt  }
0x62: {  	_ =	shalt  }
0x63: {  	_ =	shalt  }
0x64: {  	_ =	shalt  }
0x65: {  	_ =	shalt  }
0x66: {  	_ =	shalt  }
0x67: {  	_ =	shalt  }
0x68: {  	_ =	shalt  }
0x69: {  	_ =	shalt  }
0x6a: {  	_ =	shalt  }
0x6b: {  	_ =	shalt  }
0x6c: {  	_ =	shalt  }
0x6d: {  	_ =	shalt  }
0x6e: {  	_ =	shalt  }
0x6f: {  	_ =	shalt  }
0x70: {  	_ =	shalt  }
0x71: {  	_ =	shalt  }
0x72: {  	_ =	shalt  }
0x73: {  	_ =	shalt  }
0x74: {  	_ =	shalt  }
0x75: {  	_ =	shalt  }
0x76: {  	_ =	shalt  }
0x77: {  	_ =	shalt  }
0x78: {  	_ =	shalt  }
0x79: {  	_ =	shalt  }
0x7a: {  	_ =	shalt  }
0x7b: {  	_ =	shalt  }
0x7c: {  	_ =	shalt  }
0x7d: {  	_ =	shalt  }
0x7e: {  	_ =	shalt  }
0x7f: {  	_ =	shalt  }
0x80: {  	_ =	shalt  }
0x81: {  	_ =	shalt  }
0x82: {  	_ =	shalt  }
0x83: {  	_ =	shalt  }
0x84: {  	_ =	shalt  }
0x85: {  	_ =	shalt  }
0x86: {  	_ =	shalt  }
0x87: {  	_ =	shalt  }
.Lfunc_end0:
.L_simem_size_0:
called_computation_lowered:
.L_overlay_start_0:
0x88: {  	s2 =	sld [smem:$0x3FD9]  }
0x89: {  	s3 =	sld [smem:$0x3FFE];
	_ =	sdelay $0x1  }
0x8a: {  	s1 =	srdreg.scid  }
0x8b: {  	s0 =	sand.u32 $0x1, s1  }
0x8c: {  	s17 =	sshll.u32 s0, $0xA;
	s2 =	sadd.s32 s3, s2  }
0x8d: {  	s2 =	sadd.s32 s2, s17  }
0x8e: {  	[smem:$0x3FC5] =	sst s2  }
0x8f: {  	_ = 	snop  }
0x90: {  	s2 =	sld [smem:$0x3FC9]  }
0x91: {  	s18 =	sld [smem:$0x3FC8]  }
0x92: {  	s4 =	sld [smem:$0x3FD0];
	(tm) =	ssettm $0x1  }
0x93: {  	s5 =	sld [smem:$0x3FFB];
	_ =	sdelay $0x3  }
0x94: {  	_ =	strace s5  }
0x95: {  	s5 =	sld [smem:$0x3FFC];
	_ =	sdelay $0x3  }
0x96: {  	_ =	strace s5  }
0x97: {  	s5 =	sld [smem:$0x3FFD];
	_ =	sdelay $0x3  }
0x98: {  	_ =	strace s5  }
0x99: {  	_ =	strace $0x8FFFFFFF  }
0x9a: {  	s19 =	sld [smem:$0x3FDB];
	_ =	sdelay $0x1  }
0x9b: {  	s6 =	simm.s32 $_scs_section_size  }
0x9c: {  	s7 =	simm.s32 $_size__tile_overlayer_lowered;
	s8 =	simm.s32 $_tile_overlayer_lowered  }
0x9d: {  	s22 =	simm.s32 $0x1BFF;
	s21 =	sshll.u32 s8, $0x1;
	s5 =	sadd.s32 s6, s19  }
0x9e: {  	s9 =	simm.s32 $0x0;
	s20 =	sshll.u32 s7, $0x1;
	s7 =	sadd.s32 s21, s5  }
0x9f: {  	[timem:s9], [sflag:s22] =	dma.local [hbm:s7], s20  }
0xa0: {  	_ =	swait.ge [sflag:s22], s20  }
0xa1: {  	s6 =	ssub.s32 $0x0, s20;
	[sflag:s22] =	ssyncset.done $0x0  }
0xa2: {  	[sflag:s22] =	ssyncadd.s32 s6;
	_ =	sdelay $0x1  }
0xa3: {  	s23 =	simm.s32 $0x1B8B  }
0xa4: {  	_ =	swait.ge [sflag:s23], $0x1  }
0xa5: {  	[sflag:s23] =	ssyncset.done $0x0  }
0xa6: {  	s25 =	simm.s32 $0x1B8E;
	s24 =	sld [smem:$0x3FFE];
	[sflag:s23] =	ssyncadd.s32 $0xFFFFFFFF  }
0xa7: {  	s26 =	simm.s32 $execute0_lowered;
	[smem:$0x3FD2] =	sst s25  }
0xa8: {  	s7 =	sshll.u32 s26, $0x1;
	_ =	strace $0x80000046;
	[dreg:$0x1] =	wrdreg $0xFFFFFFFF  }
0xa9: {  	s28 =	simm.s32 $_size_execute0_lowered;
	s5 =	sadd.s32 s5, s7;
	[dreg:$0x0] =	wrdreg $0x0  }
0xaa: {  	s7 =	sshll.u32 s28, $0x1;
	[dreg:$0x2] =	wrdreg s5  }
0xab: {  	[dreg:$0x3] =	wrdreg s7  }
0xac: {  	[dreg:$0x4] =	wrdreg $0xC0  }
0xad: {  	_ =	task [dreg:s9], $0x5FFFF  }
0xae: {  	[dreg:$0x1] =	wrdreg $0xFFFFFFFF  }
0xaf: {  	[dreg:$0x0] =	wrdreg $0x60  }
0xb0: {  	[dreg:$0x2] =	wrdreg s2  }
0xb1: {  	[dreg:$0x3] =	wrdreg s18  }
0xb2: {  	[dreg:$0x4] =	wrdreg s24  }
0xb3: {  	[dreg:$0x5] =	wrdreg s4  }
0xb4: {  	[dreg:$0x6] =	wrdreg $0xA9000  }
0xb5: {  	[dreg:$0x7] =	wrdreg $0x9  }
0xb6: {  	_ =	task.clear_ibuf [dreg:s9], $0x8FFFF;
	_ =	strace $0x90000046  }
0xb7: {  	s29 =	simm.s32 $0x9;
	_ =	strace $0x80000048  }
0xb8: {  	_ =	swait.ge [sflag:s29], $0x1  }
0xb9: {  	[sflag:s29] =	ssyncadd.s32 $0xFFFFFFFF  }
0xba: {  	_ =	strace $0x90000048  }
0xbb: {  	_ =	sfence  }
0xbc: {  	s30 =	sld [smem:$0x0];
	_ =	sdelay $0x2  }
0xbd: {  	s31 =	sshll.u32 s1, $0xD;
	s1 =	sshrl.u32 s1, $0x2  }
0xbe: {  	s3 =	sand.u32 $0x4000, s31;
	s1 =	sadd.s32 s1, s30  }
0xbf: {  	s0 =	sor.u32 s3, s0;
	s1 =	sshll.u32 s1, $0x11  }
0xc0: {  	s0 =	sor.u32 s1, s0  }
0xc1: {  	s0 =	sadd.s32 $0x8F2B, s0  }
0xc2: {  	[sflag:s0] =	ssyncadd.remote.s32 $0x1  }
0xc3: {  	_ =	sfence.sel $0xFFFF  }
0xc4: {  	[dreg:$0x0] =	wrdreg $0xFFFFFFFF;
	(pc) =	sbr.abs _section_cstart, $3  }
0xc5: {  	[dreg:$0x1] =	wrdreg $0xFFFFFFFF  }
0xc6: {  	_ =	task.clear_ibuf [dreg:s9], $0x2FFFF;
	_ =	strace $0x9FFFFFFF  }
0xc7: {  	(tm) =	ssettm $0x7FFFFFFF  }
tec
execute0_lowered:
.L_overlay_start_1:
0x0: {  	(tag) =	ssettag $0x1  }
0x1: {  	s2 =	rddreg [dreg:$0x0]  }
0x2: {  	s1 =	rddreg [dreg:$0x1]  }
0x3: {  	s5 =	rddreg [dreg:$0x2]  }
0x4: {  	s6 =	rddreg [dreg:$0x3]  }
0x5: {  	s3 =	rddreg [dreg:$0x4]  }
0x6: {  	s0 =	srdreg.scid;
	s20 =	stileid.u32;
	s4 =	simm.s32 $0x0  }
0x7: {  	s31 =	simm.s32 $0x8100;
	s7 =	sand.u32 $0x1, s0;
	s21 =	sshll.u32 s20, $0x1  }
0x8: {  	s9 =	smul.u32 $0x13800, s20;
	[smem:$0x7FF] =	sst s4;
	p0 =	slt.u32 s20, $0x2  }
0x9: {  	s8 =	sor.u32 s7, s21;
	s22 =	ssub.s32 $0x2, s7;
	s14 =	smul.u32 $0x140000, s7  }
0xa: {  	s29 =	sadd.s32 $0x138000, s3;
	s10 =	smul.u32 $0x500, s8;
	s11 =	sshrl.u32 s22, $0x1  }
0xb: {  	s12 =	sadd.s32 $0x4000, s9;
	s13 =	sadd.s32 $0x8000, s9;
	s17 =	sadd.s32 $0xC000, s9  }
0xc: {  	s18 =	sadd.s32 $0x10000, s9;
	s15 =	sshll.u32 s8, $0xB;
	s16 =	sshll.u32 s8, $0x7  }
0xd: {  	s0 =	ssub.s32 s22, s11;
	s11 =	smul.u32 $0x4E000, s20;
	s15 =	sadd.s32 s2, s15  }
0xe: {  	s19 =	sor.u32 $0x1000, s16;
	s9 =	sadd.s32 s9, s14;
	s23 =	sadd.s32 s14, s12  }
0xf: {  	s25 =	sadd.s32 s14, s13;
	s28 =	sadd.s32 s14, s17;
	s21 =	sadd.s32 s14, s18  }
0x10: {  	s14 =	sshrl.u32 s14, $0x3;
	s17 =	sadd.s32 s17, s3;
	s18 =	sadd.s32 s18, s3  }
0x11: {  	[dreg:$0x6] =	wrdreg s15;
	s15 =	sshll.u32 s19, $0x4;
	s9 =	sshrl.u32 s9, $0x3  }
0x12: {  	s24 =	sshrl.u32 s23, $0x3;
	s26 =	sshrl.u32 s25, $0x3;
	s16 =	sshrl.u32 s28, $0x3  }
0x13: {  	s22 =	sshrl.u32 s21, $0x3;
	s23 =	sshll.u32 s20, $0xC;
	s25 =	sshll.u32 s7, $0xB  }
0x14: {  	s7 =	sshll.u32 s7, $0x7;
	s28 =	sadd.s32 $0x1400, s5;
	s10 =	sadd.s32 s10, s5  }
0x15: {  	s5 =	sadd.s32 $0xE00, s5;
	s21 =	sshrl.u32 s19, $0x3;
	s19 =	simm.s32 $0x4F  }
0x16: {  	s0 =	smax.u32 s0, $0x1;
	s9 =	sadd.s32 s6, s9;
	s11 =	sshrl.u32 s11, $0x2  }
0x17: {  	s19 =	simm.s32 @!p0 $0x4E;
	p0 =	sne.s32 s20, $0xF;
	[dreg:$0x7] =	wrdreg s9  }
0x18: {  	s9 =	sadd.s32 s6, s24;
	s24 =	sadd.s32 s2, s15;
	s2 =	sadd.s32 s23, s2  }
0x19: {  	s15 =	sadd.s32 s12, s3;
	s30 =	sadd.s32 $0xFFFFFFFF, s19;
	[dreg:$0x8] =	wrdreg s9  }
0x1a: {  	s9 =	sadd.s32 s6, s26;
	[dreg:$0xc] =	wrdreg s24;
	s2 =	sadd.s32 s25, s2  }
0x1b: {  	s26 =	sshll.u32 s20, $0x8;
	s24 =	sadd.s32 $0x1C00, s10;
	s10 =	simm.s32 $0x2  }
0x1c: {  	[dreg:$0x9] =	wrdreg s9;
	s9 =	sadd.s32 s6, s16;
	s7 =	sor.u32 s7, s26  }
0x1d: {  	v0 =	vimm.s32 $0xFFEDCBA9;
	s16 =	sadd.s32 s13, s3;
	[dreg:$0xa] =	wrdreg s9;
	s9 =	sadd.s32 s6, s22  }
0x1e: {  	v1 =	vimm.s32 $0x87654321;
	v2 =	vimm.s32 $0xE40000;
	s13 =	sshll.u32 s8, $0x4;
	s26 =	sadd.s32 $0x20000, s2;
	[dreg:$0xb] =	wrdreg s9  }
0x1f: {  	v0 =	vunpack.c.l.s4.s8 v0;
	v1 =	vunpack.c.l.s4.s8 v1;
	v2 =	vunpack.c.l.s2.s4 v2;
	s2 =	simm.s32 $0x8000;
	_ =	strace $0x80000047;
	[dreg:$0xd] =	wrdreg s28  }
0x20: {  	s6 =	sadd.s32 s6, s14;
	s22 =	sadd.s32 s1, s21;
	[dreg:$0xe] =	wrdreg s5  }
0x21: {  	v0 =	vunpack.c.0.s8.s32 v0;
	v1 =	vunpack.c.0.s8.s32 v1;
	v2 =	vunpack.c.l.s4.s8 v2;
	s8 =	simm.s32 $0x80;
	s23 =	sadd.s32 $0x27000, s6;
	[dreg:$0x10] =	wrdreg s22  }
0x22: {  	s14 =	sadd.s32 s11, s3;
	s25 =	sor.u32 $0x3000, s7;
	[dreg:$0x11] =	wrdreg s23  }
.Ltmp0:
0x23: {  	v0 =	vcombine.low v1, v0;
	v1 =	vimm.s32 $0x7060504;
	v2 =	vunpack.c.0.s8.s32 v2;
	s11 =	simm.s32 $0x0;
	[dreg:$0x12] =	wrdreg s24;
	(pc) =	sbr.rel .LBB2_1-.Ltmp0, $4  }
0x24: {  	vm0 =	vcmask $0x3F3C;
	vm1 =	vcmask $0x3F30;
	v3 =	vunpack.c.0.s8.s32 v1;
	s6 =	simm.s32 $0x8080;
	s9 =	simm.s32 $0x3;
	[dreg:$0x13] =	wrdreg s0  }
0x25: {  	vm2 =	vcmask $0x1F10;
	v1 =	vlaneseq.u32;
	v2 =	vand.u32 $0x3, v2;
	s5 =	sadd.s32 s1, s13;
	[dreg:$0x14] =	wrdreg s26;
	s28 =	sshrl.u32 s25, $0x3  }
0x26: {  	v0 =	vand.u32 $0xF, v0;
	v4 =	vadd.s32 $0x1, v1;
	v2 =	vsel vm1, v3, v2;
	s13 =	sor.u32 $0x2000, s7;
	s0 =	simm.s32 $0x4;
	s7 =	simm.s32 $0x1  }
0x27: {  	v3 =	vand.u32 $0x7, v1;
	vm1 =	vmor vm2, vm1;
	vm2 =	vcmask $0x3F10;
	[dreg:$0xf] =	wrdreg s5;
	s12 =	sadd.s32 s28, s1;
	s5 =	simm.s32 $0x4000  }
.LBB2_7:
0x28: {  	[bflag:$0x0] =	sbarrier.arrive $0xFFFF  }
0x29: {  	[tilespmem:s4], [sflag:$0x4] =	stream.linear.gather [spmem:s14], $0x4000, $0x38;
	[tilespmem:$0x1E180] =	vst v63  }
0x2a: {  	_ =	swait.ge [sflag:s0], $0x4000  }
0x2b: {  	[sflag:s0] =	ssyncset.done $0x0  }
0x2c: {  	s20 =	rddreg [dreg:$0x7];
	[sflag:s0] =	ssyncadd.s32 $0xFFFFC000  }
0x2d: {  	[hbm4b:s20+s4] =	stream.linear.scatter [tilespmem:s4], [sflag:$0x4], $0x4000, $0x38;
	[tilespmem:$0x1E180] =	vst v63  }
0x2e: {  	_ =	swait.ge [sflag:s0], $0x4000  }
0x2f: {  	[sflag:s0] =	ssyncset.done $0x0  }
0x30: {  	[sflag:s0] =	ssyncadd.s32 $0xFFFFC000  }
0x31: {  	[tilespmem:s4], [sflag:$0x4] =	stream.linear.gather [spmem:s15], $0x4000, $0x38;
	[tilespmem:$0x1E180] =	vst v63  }
0x32: {  	_ =	swait.ge [sflag:s0], $0x4000  }
0x33: {  	[sflag:s0] =	ssyncset.done $0x0  }
0x34: {  	s22 =	rddreg [dreg:$0x8];
	[sflag:s0] =	ssyncadd.s32 $0xFFFFC000  }
0x35: {  	[hbm4b:s22+s4] =	stream.linear.scatter [tilespmem:s4], [sflag:$0x4], $0x4000, $0x38;
	[tilespmem:$0x1E180] =	vst v63  }
0x36: {  	_ =	swait.ge [sflag:s0], $0x4000  }
0x37: {  	[sflag:s0] =	ssyncset.done $0x0  }
0x38: {  	[sflag:s0] =	ssyncadd.s32 $0xFFFFC000  }
0x39: {  	[tilespmem:s4], [sflag:$0x4] =	stream.linear.gather [spmem:s16], $0x4000, $0x38;
	[tilespmem:$0x1E180] =	vst v63  }
0x3a: {  	_ =	swait.ge [sflag:s0], $0x4000  }
0x3b: {  	[sflag:s0] =	ssyncset.done $0x0  }
0x3c: {  	s23 =	rddreg [dreg:$0x9];
	[sflag:s0] =	ssyncadd.s32 $0xFFFFC000  }
0x3d: {  	[hbm4b:s23+s4] =	stream.linear.scatter [tilespmem:s4], [sflag:$0x4], $0x4000, $0x38;
	[tilespmem:$0x1E180] =	vst v63  }
0x3e: {  	_ =	swait.ge [sflag:s0], $0x4000  }
0x3f: {  	[sflag:s0] =	ssyncset.done $0x0  }
0x40: {  	[sflag:s0] =	ssyncadd.s32 $0xFFFFC000  }
0x41: {  	[tilespmem:s4], [sflag:$0x4] =	stream.linear.gather [spmem:s17], $0x4000, $0x38;
	[tilespmem:$0x1E180] =	vst v63  }
0x42: {  	_ =	swait.ge [sflag:s0], $0x4000  }
0x43: {  	[sflag:s0] =	ssyncset.done $0x0  }
0x44: {  	s24 =	rddreg [dreg:$0xa];
	[sflag:s0] =	ssyncadd.s32 $0xFFFFC000  }
0x45: {  	[hbm4b:s24+s4] =	stream.linear.scatter [tilespmem:s4], [sflag:$0x4], $0x4000, $0x38;
	[tilespmem:$0x1E180] =	vst v63  }
0x46: {  	_ =	swait.ge [sflag:s0], $0x4000  }
0x47: {  	[sflag:s0] =	ssyncset.done $0x0  }
0x48: {  	[sflag:s0] =	ssyncadd.s32 $0xFFFFC000  }
0x49: {  	[tilespmem:s4], [sflag:$0x4] =	stream.linear.gather [spmem:s18], $0x3800, $0x38;
	[tilespmem:$0x1E180] =	vst v63  }
0x4a: {  	_ =	swait.ge [sflag:s0], $0x3800  }
0x4b: {  	[sflag:s0] =	ssyncset.done $0x0  }
0x4c: {  	s25 =	rddreg [dreg:$0xb];
	[sflag:s0] =	ssyncadd.s32 $0xFFFFC800  }
0x4d: {  	[hbm4b:s25+s4] =	stream.linear.scatter [tilespmem:s4], [sflag:$0x4], $0x3800, $0x38;
	[tilespmem:$0x1E180] =	vst v63  }
0x4e: {  	_ =	swait.ge [sflag:s0], $0x3800  }
0x4f: {  	[sflag:s0] =	ssyncset.done $0x0  }
0x50: {  	s21 =	simm.s32 @!p0 $0x4;
	s20 =	simm.s32 @!p0 $0x0;
	[sflag:s0] =	ssyncadd.s32 $0xFFFFC800  }
0x51: {  	[tilespmem:s20], [sflag:$0x4] =	stream.linear.gather @!p0 [spmem:s29], $0x800, $0x38;
	[tilespmem:$0x1E180] =	vst v63  }
0x52: {  	_ =	swait.ge @!p0 [sflag:s21], $0x800  }
0x53: {  	[sflag:s21] =	ssyncset.done @!p0 $0x0  }
0x54: {  	s22 =	rddreg [dreg:$0x11];
	[sflag:s21] =	ssyncadd.s32 @!p0 $0xFFFFF800  }
0x55: {  	[hbm4b:s22+s20] =	stream.linear.scatter @!p0 [tilespmem:s20], [sflag:$0x4], $0x800, $0x38;
	[tilespmem:$0x1E180] =	vst v63  }
0x56: {  	_ =	swait.ge @!p0 [sflag:s21], $0x800  }
0x57: {  	[sflag:s21] =	ssyncset.done @!p0 $0x0  }
0x58: {  	s26 =	rddreg [dreg:$0x12];
	[sflag:s21] =	ssyncadd.s32 @!p0 $0xFFFFF800  }
0x59: {  	[hbm4b:s26+s4] =	stream.linear.scatter [tilespmem:s31], [sflag:$0x4], $0x2800, $0x38;
	[tilespmem:$0x1E180] =	vst v63  }
0x5a: {  	_ =	swait.ge [sflag:s0], $0x2800  }
0x5b: {  	s11 =	sadd.s32 $0x1, s11;
	s28 =	rddreg [dreg:$0x13]  }
0x5c: {  	p1 =	sne.s32 s11, s28  }
.Ltmp1:
0x5d: {  	_ = 	snop;
	(pc) =	sbr.rel @!p1 .LBB2_8-.Ltmp1, $3  }
0x5e: {  	_ =	sdelay $0x1  }
0x5f: {  	[sflag:s0] =	ssyncset.done $0x0  }
0x60: {  	[sflag:s0] =	ssyncadd.s32 $0xFFFFD800  }
.LBB2_1:
0x61: {  	s20 =	rddreg [dreg:$0xe]  }
0x62: {  	[tilespmem:s31], [sflag:$0x4] =	stream.linear.gather [hbm4b:s20+s4], $0x2800, $0x38;
	[tilespmem:$0x1E180] =	vst v63  }
0x63: {  	_ =	swait.ge [sflag:s0], $0x2800  }
0x64: {  	[sflag:s0] =	ssyncset.done $0x0  }
0x65: {  	s22 =	rddreg [dreg:$0xd];
	[sflag:s0] =	ssyncadd.s32 $0xFFFFD800  }
0x66: {  	[tilespmem:s4], [sflag:$0x4] =	stream.linear.gather [hbm4b:s22+s4], $0x4000, $0x38;
	[tilespmem:$0x1E180] =	vst v63  }
0x67: {  	_ =	swait.ge [sflag:s0], $0x4000  }
0x68: {  	[sflag:s0] =	ssyncset.done $0x0  }
0x69: {  	[sflag:s0] =	ssyncadd.s32 $0xFFFFC000  }
0x6a: {  	[spmem:s14] =	stream.linear.scatter [tilespmem:s4], [sflag:$0x4], $0x4000, $0x38;
	[tilespmem:$0x1E180] =	vst v63  }
0x6b: {  	_ =	swait.ge [sflag:s0], $0x4000  }
0x6c: {  	[sflag:s0] =	ssyncset.done $0x0  }
0x6d: {  	[sflag:s0] =	ssyncadd.s32 $0xFFFFC000  }
0x6e: {  	[spmem:s15] =	stream.linear.scatter [tilespmem:s4], [sflag:$0x4], $0x4000, $0x38;
	[tilespmem:$0x1E180] =	vst v63  }
0x6f: {  	_ =	swait.ge [sflag:s0], $0x4000  }
0x70: {  	[sflag:s0] =	ssyncset.done $0x0  }
0x71: {  	[sflag:s0] =	ssyncadd.s32 $0xFFFFC000  }
0x72: {  	[spmem:s16] =	stream.linear.scatter [tilespmem:s4], [sflag:$0x4], $0x4000, $0x38;
	[tilespmem:$0x1E180] =	vst v63  }
0x73: {  	_ =	swait.ge [sflag:s0], $0x4000  }
0x74: {  	[sflag:s0] =	ssyncset.done $0x0  }
0x75: {  	[sflag:s0] =	ssyncadd.s32 $0xFFFFC000  }
0x76: {  	[spmem:s17] =	stream.linear.scatter [tilespmem:s4], [sflag:$0x4], $0x4000, $0x38;
	[tilespmem:$0x1E180] =	vst v63  }
0x77: {  	_ =	swait.ge [sflag:s0], $0x4000  }
0x78: {  	[sflag:s0] =	ssyncset.done $0x0  }
0x79: {  	[sflag:s0] =	ssyncadd.s32 $0xFFFFC000  }
0x7a: {  	[spmem:s18] =	stream.linear.scatter [tilespmem:s4], [sflag:$0x4], $0x3800, $0x38;
	[tilespmem:$0x1E180] =	vst v63  }
0x7b: {  	_ =	swait.ge [sflag:s0], $0x3800  }
0x7c: {  	[sflag:s0] =	ssyncset.done $0x0  }
0x7d: {  	s21 =	simm.s32 @!p0 $0x0;
	[sflag:s0] =	ssyncadd.s32 $0xFFFFC800  }
0x7e: {  	[spmem:s29] =	stream.linear.scatter @!p0 [tilespmem:s21], [sflag:$0x4], $0x800, $0x38;
	[tilespmem:$0x1E180] =	vst v63  }
0x7f: {  	s21 =	simm.s32 @!p0 $0x4  }
0x80: {  	_ =	swait.ge @!p0 [sflag:s21], $0x800  }
0x81: {  	[sflag:s21] =	ssyncset.done @!p0 $0x0  }
0x82: {  	[sflag:s21] =	ssyncadd.s32 @!p0 $0xFFFFF800  }
0x83: {  	[bflag:$0x0] =	sbarrier.arrive $0xFFFF  }
0x84: {  	s23 =	rddreg [dreg:$0x6]  }
0x85: {  	[tilespmem:s4], [sflag:$0x1] =	stream.linear.gather [hbm4b:s23+s4], $0x4000, $0x38;
	[tilespmem:$0x1E180] =	vst v63  }
0x86: {  	s24 =	rddreg [dreg:$0xf]  }
0x87: {  	[tilespmem:s2], [sflag:$0x1] =	stream.linear.gather [hbm4b:s24+s4], $0x80, $0x38;
	[tilespmem:$0x1E180] =	vst v63  }
.Ltmp2:
0x88: {  	s25 =	rddreg [dreg:$0xc];
	(pc) =	sbr.rel .LBB2_2-.Ltmp2, $4  }
0x89: {  	[tilespmem:s5], [sflag:$0x2] =	stream.linear.gather [hbm4b:s25+s4], $0x4000, $0x38;
	[tilespmem:$0x1E180] =	vst v63  }
0x8a: {  	s28 =	smov.u32 s12;
	s26 =	rddreg [dreg:$0x10]  }
0x8b: {  	[tilespmem:s6], [sflag:$0x2] =	stream.linear.gather [hbm4b:s26+s4], $0x80, $0x38;
	[tilespmem:$0x1E180] =	vst v63  }
0x8c: {  	s22 =	simm.s32 $0x0;
	s25 =	rddreg [dreg:$0x14];
	s26 =	smov.u32 s13  }
.LBB2_6:
0x8d: {  	s20 =	sadd.s32 $0x3, s22  }
0x8e: {  	p1 =	sge.u32 s20, s19  }
0x8f: {  	s20 =	sadd.s32 @!p1 $0x10000, s25;
	s22 =	simm.s32 @!p1 $0x0;
	s23 =	simm.s32 @!p1 $0x4000  }
0x90: {  	[tilespmem:s23], [sflag:$0x2] =	stream.linear.gather @!p1 [hbm4b:s20+s22], $0x4000, $0x38;
	[tilespmem:$0x1E180] =	vst v63  }
0x91: {  	s20 =	simm.s32 @!p1 $0x8080  }
0x92: {  	[tilespmem:s20], [sflag:$0x2] =	stream.linear.gather @!p1 [hbm4b:s28+s22], $0x80, $0x38;
	[tilespmem:$0x1E180] =	vst v63  }
0x93: {  	p1 =	sne.s32 s21, $0x50  }
.Ltmp3:
0x94: {  	_ = 	snop;
	(pc) =	sbr.rel @!p1 .LBB2_7-.Ltmp3, $3  }
0x95: {  	_ =	sdelay $0x1  }
0x96: {  	s26 =	sadd.s32 $0x2000, s26  }
0x97: {  	s25 =	sadd.s32 $0x20000, s25;
	s28 =	sadd.s32 $0x400, s28;
	s22 =	smov.u32 s21  }
.LBB2_2:
0x98: {  	p1 =	sge.u32 s22, s19  }
.Ltmp4:
0x99: {  	_ = 	snop;
	(pc) =	sbr.rel @p1 .LBB2_4-.Ltmp4, $1  }
0x9a: {  	_ =	sdelay $0x3  }
0x9b: {  	_ =	swait.ge [sflag:s7], $0x4000  }
0x9c: {  	[sflag:s7] =	ssyncset.done $0x0  }
0x9d: {  	[sflag:s7] =	ssyncadd.s32 $0xFFFFC000  }
0x9e: {  	_ =	swait.ge [sflag:s7], $0x80  }
0x9f: {  	[sflag:s7] =	ssyncset.done $0x0  }
0xa0: {  	[sflag:s7] =	ssyncadd.s32 $0xFFFFFF80  }
0xa1: {  	[spmem:s3] =	stream.indirect.scatter.add.f32 [tilespmem:s4], [sflag:$0x3], $0x80, s2, s8, $0xb8;
	[tilespmem:$0x1E180] =	vst v63  }
0xa2: {  	v5 =	vld [tilespmem:$0x8000];
	_ =	sdelay $0x4  }
0xa3: {  	v6 =	vperm.xlane v5, v2;
	_ =	sdelay $0x1  }
0xa4: {  	vm3 =	veq.s32 v6, v5  }
0xa5: {  	v6 =	vsel vm3, v3, v1  }
0xa6: {  	v7 =	vadd.s32 $0xFFFFFFFC, v6  }
0xa7: {  	vm4 =	vgt.s32 v7, $0x0  }
0xa8: {  	v8 =	vnsel vm4, $0x0, v7  }
0xa9: {  	vm10 =	vmneg vm3;
	v8 =	vperm.xlane v5, v8  }
0xaa: {  	vm3 =	vmand vm3, vm1;
	vm4 =	vmand vm10, vm2  }
0xab: {  	vm3 =	vmor vm3, vm4;
	vm11 =	veq.s32 v8, v5  }
0xac: {  	vm3 =	vmand vm3, vm11  }
0xad: {  	v6 =	vsel vm3, v7, v6  }
0xae: {  	v7 =	vadd.s32 $0xFFFFFFFE, v6  }
0xaf: {  	vm3 =	vgt.s32 v7, $0x0  }
0xb0: {  	v34 =	vnsel vm3, $0x0, v7  }
0xb1: {  	v8 =	vperm.xlane v5, v34;
	_ =	sdelay $0x1  }
0xb2: {  	vm3 =	vgt.s32 v6, $0x1;
	vm12 =	veq.s32 v8, v5  }
0xb3: {  	vm3 =	vmand vm12, vm3  }
0xb4: {  	v6 =	vsel vm3, v7, v6  }
0xb5: {  	v7 =	vadd.s32 $0xFFFFFFFF, v6  }
0xb6: {  	vm3 =	vgt.s32 v7, $0x0  }
0xb7: {  	v35 =	vperm.xlane v5, v0;
	v9 =	vnsel vm3, $0x0, v7  }
0xb8: {  	v9 =	vperm.xlane v5, v9  }
0xb9: {  	vm3 =	vne.s32 v5, v35  }
0xba: {  	vm13 =	vgt.s32 v6, $0x0;
	vm3 =	vmor vm3, vm0;
	vm5 =	veq.s32 v9, v5  }
0xbb: {  	vm4 =	vmand vm5, vm13  }
0xbc: {  	v6 =	vsel vm4, v7, v6  }
0xbd: {  	v6 =	vsub.s32 v4, v6  }
0xbe: {  	v6 =	vcvt.s32.f32 v6;
	_ =	sdelay $0x1  }
0xbf: {  	[tilespmem:v5+s31+$0x0] =	vst.idx.add.f32.msk vm3, v6  }
0xc0: {  	v5 =	vld [tilespmem:$0x8010];
	_ =	sdelay $0x4  }
0xc1: {  	v6 =	vperm.xlane v5, v2;
	_ =	sdelay $0x1  }
0xc2: {  	vm3 =	veq.s32 v6, v5  }
0xc3: {  	v6 =	vsel vm3, v3, v1  }
0xc4: {  	v7 =	vadd.s32 $0xFFFFFFFC, v6  }
0xc5: {  	vm14 =	vgt.s32 v7, $0x0  }
0xc6: {  	v36 =	vnsel vm14, $0x0, v7  }
0xc7: {  	vm15 =	vmneg vm3;
	v8 =	vperm.xlane v5, v36  }
0xc8: {  	vm3 =	vmand vm3, vm1;
	vm4 =	vmand vm15, vm2  }
0xc9: {  	vm3 =	vmor vm3, vm4;
	vm8 =	veq.s32 v8, v5  }
0xca: {  	vm3 =	vmand vm3, vm8  }
0xcb: {  	v6 =	vsel vm3, v7, v6  }
0xcc: {  	v7 =	vadd.s32 $0xFFFFFFFE, v6  }
0xcd: {  	vm3 =	vgt.s32 v7, $0x0  }
0xce: {  	v37 =	vnsel vm3, $0x0, v7  }
0xcf: {  	v8 =	vperm.xlane v5, v37;
	_ =	sdelay $0x1  }
0xd0: {  	vm3 =	vgt.s32 v6, $0x1;
	vm9 =	veq.s32 v8, v5  }
0xd1: {  	vm3 =	vmand vm9, vm3  }
0xd2: {  	v6 =	vsel vm3, v7, v6  }
0xd3: {  	v7 =	vadd.s32 $0xFFFFFFFF, v6  }
0xd4: {  	vm3 =	vgt.s32 v7, $0x0  }
0xd5: {  	v38 =	vperm.xlane v5, v0;
	v39 =	vnsel vm3, $0x0, v7  }
0xd6: {  	v9 =	vperm.xlane v5, v39  }
0xd7: {  	vm3 =	vne.s32 v5, v38  }
0xd8: {  	vm10 =	vgt.s32 v6, $0x0;
	vm3 =	vmor vm3, vm0;
	vm11 =	veq.s32 v9, v5  }
0xd9: {  	vm4 =	vmand vm11, vm10  }
0xda: {  	v6 =	vsel vm4, v7, v6  }
0xdb: {  	v6 =	vsub.s32 v4, v6  }
0xdc: {  	v6 =	vcvt.s32.f32 v6;
	_ =	sdelay $0x1  }
0xdd: {  	[tilespmem:v5+s31+$0x0] =	vst.idx.add.f32.msk vm3, v6  }
0xde: {  	v5 =	vld [tilespmem:$0x8020];
	_ =	sdelay $0x4  }
0xdf: {  	v6 =	vperm.xlane v5, v2;
	_ =	sdelay $0x1  }
0xe0: {  	vm3 =	veq.s32 v6, v5  }
0xe1: {  	v6 =	vsel vm3, v3, v1  }
0xe2: {  	v7 =	vadd.s32 $0xFFFFFFFC, v6  }
0xe3: {  	vm12 =	vgt.s32 v7, $0x0  }
0xe4: {  	v40 =	vnsel vm12, $0x0, v7  }
0xe5: {  	vm13 =	vmneg vm3;
	v8 =	vperm.xlane v5, v40  }
0xe6: {  	vm3 =	vmand vm3, vm1;
	vm4 =	vmand vm13, vm2  }
0xe7: {  	vm3 =	vmor vm3, vm4;
	vm14 =	veq.s32 v8, v5  }
0xe8: {  	vm3 =	vmand vm3, vm14  }
0xe9: {  	v6 =	vsel vm3, v7, v6  }
0xea: {  	v7 =	vadd.s32 $0xFFFFFFFE, v6  }
0xeb: {  	vm3 =	vgt.s32 v7, $0x0  }
0xec: {  	v41 =	vnsel vm3, $0x0, v7  }
0xed: {  	v8 =	vperm.xlane v5, v41;
	_ =	sdelay $0x1  }
0xee: {  	vm3 =	vgt.s32 v6, $0x1;
	vm15 =	veq.s32 v8, v5  }
0xef: {  	vm3 =	vmand vm15, vm3  }
0xf0: {  	v6 =	vsel vm3, v7, v6  }
0xf1: {  	v7 =	vadd.s32 $0xFFFFFFFF, v6  }
0xf2: {  	vm3 =	vgt.s32 v7, $0x0  }
0xf3: {  	v42 =	vperm.xlane v5, v0;
	v43 =	vnsel vm3, $0x0, v7  }
0xf4: {  	v9 =	vperm.xlane v5, v43  }
0xf5: {  	vm3 =	vne.s32 v5, v42  }
0xf6: {  	vm8 =	vgt.s32 v6, $0x0;
	vm3 =	vmor vm3, vm0;
	vm9 =	veq.s32 v9, v5  }
0xf7: {  	vm4 =	vmand vm9, vm8  }
0xf8: {  	v6 =	vsel vm4, v7, v6  }
0xf9: {  	v6 =	vsub.s32 v4, v6  }
0xfa: {  	v6 =	vcvt.s32.f32 v6;
	_ =	sdelay $0x1  }
0xfb: {  	[tilespmem:v5+s31+$0x0] =	vst.idx.add.f32.msk vm3, v6  }
0xfc: {  	v5 =	vld [tilespmem:$0x8030];
	_ =	sdelay $0x4  }
0xfd: {  	v6 =	vperm.xlane v5, v2;
	_ =	sdelay $0x1  }
0xfe: {  	vm3 =	veq.s32 v6, v5  }
0xff: {  	v6 =	vsel vm3, v3, v1  }
0x100: {  	v7 =	vadd.s32 $0xFFFFFFFC, v6  }
0x101: {  	vm10 =	vgt.s32 v7, $0x0  }
0x102: {  	v44 =	vnsel vm10, $0x0, v7  }
0x103: {  	vm11 =	vmneg vm3;
	v8 =	vperm.xlane v5, v44  }
0x104: {  	vm3 =	vmand vm3, vm1;
	vm4 =	vmand vm11, vm2  }
0x105: {  	vm3 =	vmor vm3, vm4;
	vm12 =	veq.s32 v8, v5  }
0x106: {  	vm3 =	vmand vm3, vm12  }
0x107: {  	v6 =	vsel vm3, v7, v6  }
0x108: {  	v7 =	vadd.s32 $0xFFFFFFFE, v6  }
0x109: {  	vm3 =	vgt.s32 v7, $0x0  }
0x10a: {  	v45 =	vnsel vm3, $0x0, v7  }
0x10b: {  	v8 =	vperm.xlane v5, v45;
	_ =	sdelay $0x1  }
0x10c: {  	vm3 =	vgt.s32 v6, $0x1;
	vm13 =	veq.s32 v8, v5  }
0x10d: {  	vm3 =	vmand vm13, vm3  }
0x10e: {  	v6 =	vsel vm3, v7, v6  }
0x10f: {  	v7 =	vadd.s32 $0xFFFFFFFF, v6  }
0x110: {  	vm3 =	vgt.s32 v7, $0x0  }
0x111: {  	v46 =	vperm.xlane v5, v0;
	v47 =	vnsel vm3, $0x0, v7  }
0x112: {  	v9 =	vperm.xlane v5, v47  }
0x113: {  	vm3 =	vne.s32 v5, v46  }
0x114: {  	vm14 =	vgt.s32 v6, $0x0;
	vm3 =	vmor vm3, vm0;
	vm15 =	veq.s32 v9, v5  }
0x115: {  	vm4 =	vmand vm15, vm14  }
0x116: {  	v6 =	vsel vm4, v7, v6  }
0x117: {  	v6 =	vsub.s32 v4, v6  }
0x118: {  	v6 =	vcvt.s32.f32 v6;
	_ =	sdelay $0x1  }
0x119: {  	[tilespmem:v5+s31+$0x0] =	vst.idx.add.f32.msk vm3, v6  }
0x11a: {  	v5 =	vld [tilespmem:$0x8040];
	_ =	sdelay $0x4  }
0x11b: {  	v6 =	vperm.xlane v5, v2;
	_ =	sdelay $0x1  }
0x11c: {  	vm3 =	veq.s32 v6, v5  }
0x11d: {  	v6 =	vsel vm3, v3, v1  }
0x11e: {  	v7 =	vadd.s32 $0xFFFFFFFC, v6  }
0x11f: {  	vm8 =	vgt.s32 v7, $0x0  }
0x120: {  	v48 =	vnsel vm8, $0x0, v7  }
0x121: {  	vm9 =	vmneg vm3;
	v8 =	vperm.xlane v5, v48  }
0x122: {  	vm3 =	vmand vm3, vm1;
	vm4 =	vmand vm9, vm2  }
0x123: {  	vm3 =	vmor vm3, vm4;
	vm10 =	veq.s32 v8, v5  }
0x124: {  	vm3 =	vmand vm3, vm10  }
0x125: {  	v6 =	vsel vm3, v7, v6  }
0x126: {  	v7 =	vadd.s32 $0xFFFFFFFE, v6  }
0x127: {  	vm3 =	vgt.s32 v7, $0x0  }
0x128: {  	v49 =	vnsel vm3, $0x0, v7  }
0x129: {  	v8 =	vperm.xlane v5, v49;
	_ =	sdelay $0x1  }
0x12a: {  	vm3 =	vgt.s32 v6, $0x1;
	vm11 =	veq.s32 v8, v5  }
0x12b: {  	vm3 =	vmand vm11, vm3  }
0x12c: {  	v6 =	vsel vm3, v7, v6  }
0x12d: {  	v7 =	vadd.s32 $0xFFFFFFFF, v6  }
0x12e: {  	vm3 =	vgt.s32 v7, $0x0  }
0x12f: {  	v50 =	vperm.xlane v5, v0;
	v51 =	vnsel vm3, $0x0, v7  }
0x130: {  	v9 =	vperm.xlane v5, v51  }
0x131: {  	vm3 =	vne.s32 v5, v50  }
0x132: {  	vm12 =	vgt.s32 v6, $0x0;
	vm3 =	vmor vm3, vm0;
	vm13 =	veq.s32 v9, v5  }
0x133: {  	vm4 =	vmand vm13, vm12  }
0x134: {  	v6 =	vsel vm4, v7, v6  }
0x135: {  	v6 =	vsub.s32 v4, v6  }
0x136: {  	v6 =	vcvt.s32.f32 v6;
	_ =	sdelay $0x1  }
0x137: {  	[tilespmem:v5+s31+$0x0] =	vst.idx.add.f32.msk vm3, v6  }
0x138: {  	v5 =	vld [tilespmem:$0x8050];
	_ =	sdelay $0x4  }
0x139: {  	v6 =	vperm.xlane v5, v2;
	_ =	sdelay $0x1  }
0x13a: {  	vm3 =	veq.s32 v6, v5  }
0x13b: {  	v6 =	vsel vm3, v3, v1  }
0x13c: {  	v7 =	vadd.s32 $0xFFFFFFFC, v6  }
0x13d: {  	vm14 =	vgt.s32 v7, $0x0  }
0x13e: {  	v52 =	vnsel vm14, $0x0, v7  }
0x13f: {  	vm15 =	vmneg vm3;
	v8 =	vperm.xlane v5, v52  }
0x140: {  	vm3 =	vmand vm3, vm1;
	vm4 =	vmand vm15, vm2  }
0x141: {  	vm3 =	vmor vm3, vm4;
	vm8 =	veq.s32 v8, v5  }
0x142: {  	vm3 =	vmand vm3, vm8  }
0x143: {  	v6 =	vsel vm3, v7, v6  }
0x144: {  	v7 =	vadd.s32 $0xFFFFFFFE, v6  }
0x145: {  	vm3 =	vgt.s32 v7, $0x0  }
0x146: {  	v53 =	vnsel vm3, $0x0, v7  }
0x147: {  	v8 =	vperm.xlane v5, v53;
	_ =	sdelay $0x1  }
0x148: {  	vm3 =	vgt.s32 v6, $0x1;
	vm9 =	veq.s32 v8, v5  }
0x149: {  	vm3 =	vmand vm9, vm3  }
0x14a: {  	v6 =	vsel vm3, v7, v6  }
0x14b: {  	v7 =	vadd.s32 $0xFFFFFFFF, v6  }
0x14c: {  	vm3 =	vgt.s32 v7, $0x0  }
0x14d: {  	v54 =	vperm.xlane v5, v0;
	v55 =	vnsel vm3, $0x0, v7  }
0x14e: {  	v9 =	vperm.xlane v5, v55  }
0x14f: {  	vm3 =	vne.s32 v5, v54  }
0x150: {  	vm10 =	vgt.s32 v6, $0x0;
	vm3 =	vmor vm3, vm0;
	vm11 =	veq.s32 v9, v5  }
0x151: {  	vm4 =	vmand vm11, vm10  }
0x152: {  	v6 =	vsel vm4, v7, v6  }
0x153: {  	v6 =	vsub.s32 v4, v6  }
0x154: {  	v6 =	vcvt.s32.f32 v6;
	_ =	sdelay $0x1  }
0x155: {  	[tilespmem:v5+s31+$0x0] =	vst.idx.add.f32.msk vm3, v6  }
0x156: {  	v5 =	vld [tilespmem:$0x8060];
	_ =	sdelay $0x4  }
0x157: {  	v6 =	vperm.xlane v5, v2;
	_ =	sdelay $0x1  }
0x158: {  	vm3 =	veq.s32 v6, v5  }
0x159: {  	v6 =	vsel vm3, v3, v1  }
0x15a: {  	v7 =	vadd.s32 $0xFFFFFFFC, v6  }
0x15b: {  	vm12 =	vgt.s32 v7, $0x0  }
0x15c: {  	v56 =	vnsel vm12, $0x0, v7  }
0x15d: {  	vm13 =	vmneg vm3;
	v8 =	vperm.xlane v5, v56  }
0x15e: {  	vm3 =	vmand vm3, vm1;
	vm4 =	vmand vm13, vm2  }
0x15f: {  	vm3 =	vmor vm3, vm4;
	vm14 =	veq.s32 v8, v5  }
0x160: {  	vm3 =	vmand vm3, vm14  }
0x161: {  	v6 =	vsel vm3, v7, v6  }
0x162: {  	v7 =	vadd.s32 $0xFFFFFFFE, v6  }
0x163: {  	vm3 =	vgt.s32 v7, $0x0  }
0x164: {  	v57 =	vnsel vm3, $0x0, v7  }
0x165: {  	v8 =	vperm.xlane v5, v57;
	_ =	sdelay $0x1  }
0x166: {  	vm3 =	vgt.s32 v6, $0x1;
	vm15 =	veq.s32 v8, v5  }
0x167: {  	vm3 =	vmand vm15, vm3  }
0x168: {  	v6 =	vsel vm3, v7, v6  }
0x169: {  	v7 =	vadd.s32 $0xFFFFFFFF, v6  }
0x16a: {  	vm3 =	vgt.s32 v7, $0x0  }
0x16b: {  	v58 =	vperm.xlane v5, v0;
	v59 =	vnsel vm3, $0x0, v7  }
0x16c: {  	v9 =	vperm.xlane v5, v59  }
0x16d: {  	vm3 =	vne.s32 v5, v58  }
0x16e: {  	vm8 =	vgt.s32 v6, $0x0;
	vm3 =	vmor vm3, vm0;
	vm9 =	veq.s32 v9, v5  }
0x16f: {  	vm4 =	vmand vm9, vm8  }
0x170: {  	v6 =	vsel vm4, v7, v6  }
0x171: {  	v6 =	vsub.s32 v4, v6  }
0x172: {  	v6 =	vcvt.s32.f32 v6;
	_ =	sdelay $0x1  }
0x173: {  	[tilespmem:v5+s31+$0x0] =	vst.idx.add.f32.msk vm3, v6  }
0x174: {  	v5 =	vld [tilespmem:$0x8070];
	_ =	sdelay $0x4  }
0x175: {  	v6 =	vperm.xlane v5, v2;
	_ =	sdelay $0x1  }
0x176: {  	vm3 =	veq.s32 v6, v5  }
0x177: {  	v6 =	vsel vm3, v3, v1  }
0x178: {  	v7 =	vadd.s32 $0xFFFFFFFC, v6  }
0x179: {  	vm10 =	vgt.s32 v7, $0x0  }
0x17a: {  	v60 =	vnsel vm10, $0x0, v7  }
0x17b: {  	vm11 =	vmneg vm3;
	v8 =	vperm.xlane v5, v60  }
0x17c: {  	vm3 =	vmand vm3, vm1;
	vm4 =	vmand vm11, vm2  }
0x17d: {  	vm3 =	vmor vm3, vm4;
	vm12 =	veq.s32 v8, v5  }
0x17e: {  	vm3 =	vmand vm3, vm12  }
0x17f: {  	v6 =	vsel vm3, v7, v6  }
0x180: {  	v7 =	vadd.s32 $0xFFFFFFFE, v6  }
0x181: {  	vm3 =	vgt.s32 v7, $0x0  }
0x182: {  	v61 =	vnsel vm3, $0x0, v7  }
0x183: {  	v8 =	vperm.xlane v5, v61;
	_ =	sdelay $0x1  }
0x184: {  	vm3 =	vgt.s32 v6, $0x1;
	vm13 =	veq.s32 v8, v5  }
0x185: {  	vm3 =	vmand vm13, vm3  }
0x186: {  	v6 =	vsel vm3, v7, v6  }
0x187: {  	v7 =	vadd.s32 $0xFFFFFFFF, v6  }
0x188: {  	vm3 =	vgt.s32 v7, $0x0  }
0x189: {  	v62 =	vperm.xlane v5, v0;
	v63 =	vnsel vm3, $0x0, v7  }
0x18a: {  	v9 =	vperm.xlane v5, v63  }
0x18b: {  	vm3 =	vne.s32 v5, v62  }
0x18c: {  	vm14 =	vgt.s32 v6, $0x0;
	vm3 =	vmor vm3, vm0;
	vm15 =	veq.s32 v9, v5  }
0x18d: {  	vm4 =	vmand vm15, vm14  }
0x18e: {  	v6 =	vsel vm4, v7, v6  }
0x18f: {  	v6 =	vsub.s32 v4, v6  }
0x190: {  	v6 =	vcvt.s32.f32 v6;
	_ =	sdelay $0x1  }
0x191: {  	[tilespmem:v5+s31+$0x0] =	vst.idx.add.f32.msk vm3, v6  }
0x192: {  	_ =	swait.ge [sflag:s9], $0x4000  }
0x193: {  	[sflag:s9] =	ssyncset.done $0x0  }
0x194: {  	[sflag:s9] =	ssyncadd.s32 $0xFFFFC000  }
.LBB2_4:
0x195: {  	s21 =	sadd.s32 $0x2, s22  }
0x196: {  	p1 =	sge.u32 s21, s19  }
0x197: {  	s23 =	simm.s32 @!p1 $0x0;
	s24 =	sshrl.u32 @!p1 s26, $0x3  }
0x198: {  	[tilespmem:s23], [sflag:$0x1] =	stream.linear.gather @!p1 [hbm4b:s25+s23], $0x4000, $0x38;
	[tilespmem:$0x1E180] =	vst v63  }
0x199: {  	s20 =	simm.s32 @!p1 $0x8000;
	s24 =	sadd.s32 @!p1 s1, s24  }
0x19a: {  	[tilespmem:s20], [sflag:$0x1] =	stream.linear.gather @!p1 [hbm4b:s24+s23], $0x80, $0x38;
	[tilespmem:$0x1E180] =	vst v63  }
0x19b: {  	p1 =	sge.u32 s22, s30  }
.Ltmp5:
0x19c: {  	_ = 	snop;
	(pc) =	sbr.rel @p1 .LBB2_6-.Ltmp5, $1  }
0x19d: {  	_ =	sdelay $0x3  }
0x19e: {  	_ =	swait.ge [sflag:s10], $0x4000  }
0x19f: {  	[sflag:s10] =	ssyncset.done $0x0  }
0x1a0: {  	[sflag:s10] =	ssyncadd.s32 $0xFFFFC000  }
0x1a1: {  	_ =	swait.ge [sflag:s10], $0x80  }
0x1a2: {  	[sflag:s10] =	ssyncset.done $0x0  }
0x1a3: {  	[sflag:s10] =	ssyncadd.s32 $0xFFFFFF80  }
0x1a4: {  	[spmem:s3] =	stream.indirect.scatter.add.f32 [tilespmem:s5], [sflag:$0x3], $0x80, s6, s8, $0xb8;
	[tilespmem:$0x1E180] =	vst v63  }
0x1a5: {  	v5 =	vld [tilespmem:$0x8080];
	_ =	sdelay $0x4  }
0x1a6: {  	v6 =	vperm.xlane v5, v2;
	_ =	sdelay $0x1  }
0x1a7: {  	vm3 =	veq.s32 v6, v5  }
0x1a8: {  	v6 =	vsel vm3, v3, v1  }
0x1a9: {  	v7 =	vadd.s32 $0xFFFFFFFC, v6  }
0x1aa: {  	vm4 =	vgt.s32 v7, $0x0  }
0x1ab: {  	v8 =	vnsel vm4, $0x0, v7  }
0x1ac: {  	vm10 =	vmneg vm3;
	v8 =	vperm.xlane v5, v8  }
0x1ad: {  	vm3 =	vmand vm3, vm1;
	vm4 =	vmand vm10, vm2  }
0x1ae: {  	vm3 =	vmor vm3, vm4;
	vm11 =	veq.s32 v8, v5  }
0x1af: {  	vm3 =	vmand vm3, vm11  }
0x1b0: {  	v6 =	vsel vm3, v7, v6  }
0x1b1: {  	v7 =	vadd.s32 $0xFFFFFFFE, v6  }
0x1b2: {  	vm3 =	vgt.s32 v7, $0x0  }
0x1b3: {  	v34 =	vnsel vm3, $0x0, v7  }
0x1b4: {  	v8 =	vperm.xlane v5, v34;
	_ =	sdelay $0x1  }
0x1b5: {  	vm3 =	vgt.s32 v6, $0x1;
	vm12 =	veq.s32 v8, v5  }
0x1b6: {  	vm3 =	vmand vm12, vm3  }
0x1b7: {  	v6 =	vsel vm3, v7, v6  }
0x1b8: {  	v7 =	vadd.s32 $0xFFFFFFFF, v6  }
0x1b9: {  	vm3 =	vgt.s32 v7, $0x0  }
0x1ba: {  	v35 =	vperm.xlane v5, v0;
	v9 =	vnsel vm3, $0x0, v7  }
0x1bb: {  	v9 =	vperm.xlane v5, v9  }
0x1bc: {  	vm3 =	vne.s32 v5, v35  }
0x1bd: {  	vm13 =	vgt.s32 v6, $0x0;
	vm3 =	vmor vm3, vm0;
	vm5 =	veq.s32 v9, v5  }
0x1be: {  	vm4 =	vmand vm5, vm13  }
0x1bf: {  	v6 =	vsel vm4, v7, v6  }
0x1c0: {  	v6 =	vsub.s32 v4, v6  }
0x1c1: {  	v6 =	vcvt.s32.f32 v6;
	_ =	sdelay $0x1  }
0x1c2: {  	[tilespmem:v5+s31+$0x0] =	vst.idx.add.f32.msk vm3, v6  }
0x1c3: {  	v5 =	vld [tilespmem:$0x8090];
	_ =	sdelay $0x4  }
0x1c4: {  	v6 =	vperm.xlane v5, v2;
	_ =	sdelay $0x1  }
0x1c5: {  	vm3 =	veq.s32 v6, v5  }
0x1c6: {  	v6 =	vsel vm3, v3, v1  }
0x1c7: {  	v7 =	vadd.s32 $0xFFFFFFFC, v6  }
0x1c8: {  	vm14 =	vgt.s32 v7, $0x0  }
0x1c9: {  	v36 =	vnsel vm14, $0x0, v7  }
0x1ca: {  	vm15 =	vmneg vm3;
	v8 =	vperm.xlane v5, v36  }
0x1cb: {  	vm3 =	vmand vm3, vm1;
	vm4 =	vmand vm15, vm2  }
0x1cc: {  	vm3 =	vmor vm3, vm4;
	vm8 =	veq.s32 v8, v5  }
0x1cd: {  	vm3 =	vmand vm3, vm8  }
0x1ce: {  	v6 =	vsel vm3, v7, v6  }
0x1cf: {  	v7 =	vadd.s32 $0xFFFFFFFE, v6  }
0x1d0: {  	vm3 =	vgt.s32 v7, $0x0  }
0x1d1: {  	v37 =	vnsel vm3, $0x0, v7  }
0x1d2: {  	v8 =	vperm.xlane v5, v37;
	_ =	sdelay $0x1  }
0x1d3: {  	vm3 =	vgt.s32 v6, $0x1;
	vm9 =	veq.s32 v8, v5  }
0x1d4: {  	vm3 =	vmand vm9, vm3  }
0x1d5: {  	v6 =	vsel vm3, v7, v6  }
0x1d6: {  	v7 =	vadd.s32 $0xFFFFFFFF, v6  }
0x1d7: {  	vm3 =	vgt.s32 v7, $0x0  }
0x1d8: {  	v38 =	vperm.xlane v5, v0;
	v39 =	vnsel vm3, $0x0, v7  }
0x1d9: {  	v9 =	vperm.xlane v5, v39  }
0x1da: {  	vm3 =	vne.s32 v5, v38  }
0x1db: {  	vm10 =	vgt.s32 v6, $0x0;
	vm3 =	vmor vm3, vm0;
	vm11 =	veq.s32 v9, v5  }
0x1dc: {  	vm4 =	vmand vm11, vm10  }
0x1dd: {  	v6 =	vsel vm4, v7, v6  }
0x1de: {  	v6 =	vsub.s32 v4, v6  }
0x1df: {  	v6 =	vcvt.s32.f32 v6;
	_ =	sdelay $0x1  }
0x1e0: {  	[tilespmem:v5+s31+$0x0] =	vst.idx.add.f32.msk vm3, v6  }
0x1e1: {  	v5 =	vld [tilespmem:$0x80A0];
	_ =	sdelay $0x4  }
0x1e2: {  	v6 =	vperm.xlane v5, v2;
	_ =	sdelay $0x1  }
0x1e3: {  	vm3 =	veq.s32 v6, v5  }
0x1e4: {  	v6 =	vsel vm3, v3, v1  }
0x1e5: {  	v7 =	vadd.s32 $0xFFFFFFFC, v6  }
0x1e6: {  	vm12 =	vgt.s32 v7, $0x0  }
0x1e7: {  	v40 =	vnsel vm12, $0x0, v7  }
0x1e8: {  	vm13 =	vmneg vm3;
	v8 =	vperm.xlane v5, v40  }
0x1e9: {  	vm3 =	vmand vm3, vm1;
	vm4 =	vmand vm13, vm2  }
0x1ea: {  	vm3 =	vmor vm3, vm4;
	vm14 =	veq.s32 v8, v5  }
0x1eb: {  	vm3 =	vmand vm3, vm14  }
0x1ec: {  	v6 =	vsel vm3, v7, v6  }
0x1ed: {  	v7 =	vadd.s32 $0xFFFFFFFE, v6  }
0x1ee: {  	vm3 =	vgt.s32 v7, $0x0  }
0x1ef: {  	v41 =	vnsel vm3, $0x0, v7  }
0x1f0: {  	v8 =	vperm.xlane v5, v41;
	_ =	sdelay $0x1  }
0x1f1: {  	vm3 =	vgt.s32 v6, $0x1;
	vm15 =	veq.s32 v8, v5  }
0x1f2: {  	vm3 =	vmand vm15, vm3  }
0x1f3: {  	v6 =	vsel vm3, v7, v6  }
0x1f4: {  	v7 =	vadd.s32 $0xFFFFFFFF, v6  }
0x1f5: {  	vm3 =	vgt.s32 v7, $0x0  }
0x1f6: {  	v42 =	vperm.xlane v5, v0;
	v43 =	vnsel vm3, $0x0, v7  }
0x1f7: {  	v9 =	vperm.xlane v5, v43  }
0x1f8: {  	vm3 =	vne.s32 v5, v42  }
0x1f9: {  	vm8 =	vgt.s32 v6, $0x0;
	vm3 =	vmor vm3, vm0;
	vm9 =	veq.s32 v9, v5  }
0x1fa: {  	vm4 =	vmand vm9, vm8  }
0x1fb: {  	v6 =	vsel vm4, v7, v6  }
0x1fc: {  	v6 =	vsub.s32 v4, v6  }
0x1fd: {  	v6 =	vcvt.s32.f32 v6;
	_ =	sdelay $0x1  }
0x1fe: {  	[tilespmem:v5+s31+$0x0] =	vst.idx.add.f32.msk vm3, v6  }
0x1ff: {  	v5 =	vld [tilespmem:$0x80B0];
	_ =	sdelay $0x4  }
0x200: {  	v6 =	vperm.xlane v5, v2;
	_ =	sdelay $0x1  }
0x201: {  	vm3 =	veq.s32 v6, v5  }
0x202: {  	v6 =	vsel vm3, v3, v1  }
0x203: {  	v7 =	vadd.s32 $0xFFFFFFFC, v6  }
0x204: {  	vm10 =	vgt.s32 v7, $0x0  }
0x205: {  	v44 =	vnsel vm10, $0x0, v7  }
0x206: {  	vm11 =	vmneg vm3;
	v8 =	vperm.xlane v5, v44  }
0x207: {  	vm3 =	vmand vm3, vm1;
	vm4 =	vmand vm11, vm2  }
0x208: {  	vm3 =	vmor vm3, vm4;
	vm12 =	veq.s32 v8, v5  }
0x209: {  	vm3 =	vmand vm3, vm12  }
0x20a: {  	v6 =	vsel vm3, v7, v6  }
0x20b: {  	v7 =	vadd.s32 $0xFFFFFFFE, v6  }
0x20c: {  	vm3 =	vgt.s32 v7, $0x0  }
0x20d: {  	v45 =	vnsel vm3, $0x0, v7  }
0x20e: {  	v8 =	vperm.xlane v5, v45;
	_ =	sdelay $0x1  }
0x20f: {  	vm3 =	vgt.s32 v6, $0x1;
	vm13 =	veq.s32 v8, v5  }
0x210: {  	vm3 =	vmand vm13, vm3  }
0x211: {  	v6 =	vsel vm3, v7, v6  }
0x212: {  	v7 =	vadd.s32 $0xFFFFFFFF, v6  }
0x213: {  	vm3 =	vgt.s32 v7, $0x0  }
0x214: {  	v46 =	vperm.xlane v5, v0;
	v47 =	vnsel vm3, $0x0, v7  }
0x215: {  	v9 =	vperm.xlane v5, v47  }
0x216: {  	vm3 =	vne.s32 v5, v46  }
0x217: {  	vm14 =	vgt.s32 v6, $0x0;
	vm3 =	vmor vm3, vm0;
	vm15 =	veq.s32 v9, v5  }
0x218: {  	vm4 =	vmand vm15, vm14  }
0x219: {  	v6 =	vsel vm4, v7, v6  }
0x21a: {  	v6 =	vsub.s32 v4, v6  }
0x21b: {  	v6 =	vcvt.s32.f32 v6;
	_ =	sdelay $0x1  }
0x21c: {  	[tilespmem:v5+s31+$0x0] =	vst.idx.add.f32.msk vm3, v6  }
0x21d: {  	v5 =	vld [tilespmem:$0x80C0];
	_ =	sdelay $0x4  }
0x21e: {  	v6 =	vperm.xlane v5, v2;
	_ =	sdelay $0x1  }
0x21f: {  	vm3 =	veq.s32 v6, v5  }
0x220: {  	v6 =	vsel vm3, v3, v1  }
0x221: {  	v7 =	vadd.s32 $0xFFFFFFFC, v6  }
0x222: {  	vm8 =	vgt.s32 v7, $0x0  }
0x223: {  	v48 =	vnsel vm8, $0x0, v7  }
0x224: {  	vm9 =	vmneg vm3;
	v8 =	vperm.xlane v5, v48  }
0x225: {  	vm3 =	vmand vm3, vm1;
	vm4 =	vmand vm9, vm2  }
0x226: {  	vm3 =	vmor vm3, vm4;
	vm10 =	veq.s32 v8, v5  }
0x227: {  	vm3 =	vmand vm3, vm10  }
0x228: {  	v6 =	vsel vm3, v7, v6  }
0x229: {  	v7 =	vadd.s32 $0xFFFFFFFE, v6  }
0x22a: {  	vm3 =	vgt.s32 v7, $0x0  }
0x22b: {  	v49 =	vnsel vm3, $0x0, v7  }
0x22c: {  	v8 =	vperm.xlane v5, v49;
	_ =	sdelay $0x1  }
0x22d: {  	vm3 =	vgt.s32 v6, $0x1;
	vm11 =	veq.s32 v8, v5  }
0x22e: {  	vm3 =	vmand vm11, vm3  }
0x22f: {  	v6 =	vsel vm3, v7, v6  }
0x230: {  	v7 =	vadd.s32 $0xFFFFFFFF, v6  }
0x231: {  	vm3 =	vgt.s32 v7, $0x0  }
0x232: {  	v50 =	vperm.xlane v5, v0;
	v51 =	vnsel vm3, $0x0, v7  }
0x233: {  	v9 =	vperm.xlane v5, v51  }
0x234: {  	vm3 =	vne.s32 v5, v50  }
0x235: {  	vm12 =	vgt.s32 v6, $0x0;
	vm3 =	vmor vm3, vm0;
	vm13 =	veq.s32 v9, v5  }
0x236: {  	vm4 =	vmand vm13, vm12  }
0x237: {  	v6 =	vsel vm4, v7, v6  }
0x238: {  	v6 =	vsub.s32 v4, v6  }
0x239: {  	v6 =	vcvt.s32.f32 v6;
	_ =	sdelay $0x1  }
0x23a: {  	[tilespmem:v5+s31+$0x0] =	vst.idx.add.f32.msk vm3, v6  }
0x23b: {  	v5 =	vld [tilespmem:$0x80D0];
	_ =	sdelay $0x4  }
0x23c: {  	v6 =	vperm.xlane v5, v2;
	_ =	sdelay $0x1  }
0x23d: {  	vm3 =	veq.s32 v6, v5  }
0x23e: {  	v6 =	vsel vm3, v3, v1  }
0x23f: {  	v7 =	vadd.s32 $0xFFFFFFFC, v6  }
0x240: {  	vm14 =	vgt.s32 v7, $0x0  }
0x241: {  	v52 =	vnsel vm14, $0x0, v7  }
0x242: {  	vm15 =	vmneg vm3;
	v8 =	vperm.xlane v5, v52  }
0x243: {  	vm3 =	vmand vm3, vm1;
	vm4 =	vmand vm15, vm2  }
0x244: {  	vm3 =	vmor vm3, vm4;
	vm8 =	veq.s32 v8, v5  }
0x245: {  	vm3 =	vmand vm3, vm8  }
0x246: {  	v6 =	vsel vm3, v7, v6  }
0x247: {  	v7 =	vadd.s32 $0xFFFFFFFE, v6  }
0x248: {  	vm3 =	vgt.s32 v7, $0x0  }
0x249: {  	v53 =	vnsel vm3, $0x0, v7  }
0x24a: {  	v8 =	vperm.xlane v5, v53;
	_ =	sdelay $0x1  }
0x24b: {  	vm3 =	vgt.s32 v6, $0x1;
	vm9 =	veq.s32 v8, v5  }
0x24c: {  	vm3 =	vmand vm9, vm3  }
0x24d: {  	v6 =	vsel vm3, v7, v6  }
0x24e: {  	v7 =	vadd.s32 $0xFFFFFFFF, v6  }
0x24f: {  	vm3 =	vgt.s32 v7, $0x0  }
0x250: {  	v54 =	vperm.xlane v5, v0;
	v55 =	vnsel vm3, $0x0, v7  }
0x251: {  	v9 =	vperm.xlane v5, v55  }
0x252: {  	vm3 =	vne.s32 v5, v54  }
0x253: {  	vm10 =	vgt.s32 v6, $0x0;
	vm3 =	vmor vm3, vm0;
	vm11 =	veq.s32 v9, v5  }
0x254: {  	vm4 =	vmand vm11, vm10  }
0x255: {  	v6 =	vsel vm4, v7, v6  }
0x256: {  	v6 =	vsub.s32 v4, v6  }
0x257: {  	v6 =	vcvt.s32.f32 v6;
	_ =	sdelay $0x1  }
0x258: {  	[tilespmem:v5+s31+$0x0] =	vst.idx.add.f32.msk vm3, v6  }
0x259: {  	v5 =	vld [tilespmem:$0x80E0];
	_ =	sdelay $0x4  }
0x25a: {  	v6 =	vperm.xlane v5, v2;
	_ =	sdelay $0x1  }
0x25b: {  	vm3 =	veq.s32 v6, v5  }
0x25c: {  	v6 =	vsel vm3, v3, v1  }
0x25d: {  	v7 =	vadd.s32 $0xFFFFFFFC, v6  }
0x25e: {  	vm12 =	vgt.s32 v7, $0x0  }
0x25f: {  	v56 =	vnsel vm12, $0x0, v7  }
0x260: {  	vm13 =	vmneg vm3;
	v8 =	vperm.xlane v5, v56  }
0x261: {  	vm3 =	vmand vm3, vm1;
	vm4 =	vmand vm13, vm2  }
0x262: {  	vm3 =	vmor vm3, vm4;
	vm14 =	veq.s32 v8, v5  }
0x263: {  	vm3 =	vmand vm3, vm14  }
0x264: {  	v6 =	vsel vm3, v7, v6  }
0x265: {  	v7 =	vadd.s32 $0xFFFFFFFE, v6  }
0x266: {  	vm3 =	vgt.s32 v7, $0x0  }
0x267: {  	v57 =	vnsel vm3, $0x0, v7  }
0x268: {  	v8 =	vperm.xlane v5, v57;
	_ =	sdelay $0x1  }
0x269: {  	vm3 =	vgt.s32 v6, $0x1;
	vm15 =	veq.s32 v8, v5  }
0x26a: {  	vm3 =	vmand vm15, vm3  }
0x26b: {  	v6 =	vsel vm3, v7, v6  }
0x26c: {  	v7 =	vadd.s32 $0xFFFFFFFF, v6  }
0x26d: {  	vm3 =	vgt.s32 v7, $0x0  }
0x26e: {  	v58 =	vperm.xlane v5, v0;
	v59 =	vnsel vm3, $0x0, v7  }
0x26f: {  	v9 =	vperm.xlane v5, v59  }
0x270: {  	vm3 =	vne.s32 v5, v58  }
0x271: {  	vm8 =	vgt.s32 v6, $0x0;
	vm3 =	vmor vm3, vm0;
	vm9 =	veq.s32 v9, v5  }
0x272: {  	vm4 =	vmand vm9, vm8  }
0x273: {  	v6 =	vsel vm4, v7, v6  }
0x274: {  	v6 =	vsub.s32 v4, v6  }
0x275: {  	v6 =	vcvt.s32.f32 v6;
	_ =	sdelay $0x1  }
0x276: {  	[tilespmem:v5+s31+$0x0] =	vst.idx.add.f32.msk vm3, v6  }
0x277: {  	v5 =	vld [tilespmem:$0x80F0];
	_ =	sdelay $0x4  }
0x278: {  	v6 =	vperm.xlane v5, v2;
	_ =	sdelay $0x1  }
0x279: {  	vm3 =	veq.s32 v6, v5  }
0x27a: {  	v6 =	vsel vm3, v3, v1  }
0x27b: {  	v7 =	vadd.s32 $0xFFFFFFFC, v6  }
0x27c: {  	vm10 =	vgt.s32 v7, $0x0  }
0x27d: {  	v60 =	vnsel vm10, $0x0, v7  }
0x27e: {  	vm11 =	vmneg vm3;
	v8 =	vperm.xlane v5, v60  }
0x27f: {  	vm3 =	vmand vm3, vm1;
	vm4 =	vmand vm11, vm2  }
0x280: {  	vm3 =	vmor vm3, vm4;
	vm12 =	veq.s32 v8, v5  }
0x281: {  	vm3 =	vmand vm3, vm12  }
0x282: {  	v6 =	vsel vm3, v7, v6  }
0x283: {  	v7 =	vadd.s32 $0xFFFFFFFE, v6  }
0x284: {  	vm3 =	vgt.s32 v7, $0x0  }
0x285: {  	v61 =	vnsel vm3, $0x0, v7  }
0x286: {  	v8 =	vperm.xlane v5, v61;
	_ =	sdelay $0x1  }
0x287: {  	vm3 =	vgt.s32 v6, $0x1;
	vm13 =	veq.s32 v8, v5  }
0x288: {  	vm3 =	vmand vm13, vm3  }
0x289: {  	v6 =	vsel vm3, v7, v6  }
0x28a: {  	v7 =	vadd.s32 $0xFFFFFFFF, v6  }
0x28b: {  	vm3 =	vgt.s32 v7, $0x0  }
0x28c: {  	v62 =	vperm.xlane v5, v0;
	v63 =	vnsel vm3, $0x0, v7  }
0x28d: {  	v9 =	vperm.xlane v5, v63  }
0x28e: {  	vm3 =	vne.s32 v5, v62  }
0x28f: {  	vm14 =	vgt.s32 v6, $0x0;
	vm3 =	vmor vm3, vm0;
	vm15 =	veq.s32 v9, v5  }
0x290: {  	vm4 =	vmand vm15, vm14  }
0x291: {  	v6 =	vsel vm4, v7, v6  }
0x292: {  	v6 =	vsub.s32 v4, v6  }
0x293: {  	v6 =	vcvt.s32.f32 v6  }
.Ltmp6:
0x294: {  	_ = 	snop;
	(pc) =	sbr.rel .LBB2_6-.Ltmp6, $4  }
0x295: {  	[tilespmem:v5+s31+$0x0] =	vst.idx.add.f32.msk vm3, v6  }
0x296: {  	_ =	swait.ge [sflag:s9], $0x4000  }
0x297: {  	[sflag:s9] =	ssyncset.done $0x0  }
0x298: {  	[sflag:s9] =	ssyncadd.s32 $0xFFFFC000  }
.LBB2_8:
0x299: {  	_ =	sfence.sel $0x180000  }
0x29a: {  	[bflag:$0x0] =	sbarrier.arrive $0xFFFF  }
0x29b: {  	_ =	strace $0x90000047  }
0x29c: {  	s0 =	stileid.u32;
	[bflag:$0x2] =	sbarrier.arrive $0xFFFF  }
0x29d: {  	p0 =	sne.s32 s0, $0x0;
	s0 =	rddreg [dreg:$0x5]  }
0x29e: {  	s0 =	sadd.s32 @!p0 $0x100000, s0  }
0x29f: {  	[sflag:s0] =	ssyncadd.tile.s32 @!p0 $0x1;
	_ =	shalt  }
.Lfunc_end2:
_tile_overlayer_lowered:
.L_overlay_start_2:
0x2a0: {  	(tag) =	ssettag $0x2  }
0x2a1: {  	s0 =	rddreg [dreg:$0x0];
	s2 =	stileid.u32  }
0x2a2: {  	s1 =	rddreg [dreg:$0x1];
	p0 =	sne.s32 s2, $0x0  }
0x2a3: {  	s3 =	rddreg [dreg:$0x2];
	[bflag:$0x3] =	sbarrier.arrive $0xFFFF;
	s2 =	simm.s32 @!p0 $0x1C04  }
0x2a4: {  	[timem:s3], [sflag:s2] =	dma.local @!p0 [hbm:s0], s1  }
0x2a5: {  	s0 =	simm.s32 @!p0 $0x4  }
0x2a6: {  	_ =	swait.ge @!p0 [sflag:s0], s1  }
0x2a7: {  	s1 =	ssub.s32 @!p0 $0x0, s1;
	[sflag:s0] =	ssyncset.done @!p0 $0x0  }
0x2a8: {  	[sflag:s0] =	ssyncadd.s32 @!p0 s1  }
0x2a9: {  	[bflag:$0x3] =	sbarrier.arrive $0xFFFF  }
0x2aa: {  	_ =	shalt  }

</sc_bundles>
